<compile_context>
chip_gen: v7x
topology: tpu7x:2x2x1
jax: 0.10.2.dev20260603
libtpu: 0.0.44.dev20260713+nightly
codegen_flags: <defaults>
</compile_context>

<pallas_src>
import functools
import math

import jax
import jax.numpy as jnp
from jax import lax
from jax.experimental import pallas as pl
from jax.experimental.pallas import tpu as pltpu
from jax.experimental.pallas import tpu_sc as plsc

NC = 2
NS = 16
NW = NC * NS
CH = 128


def _sc_mesh():
    return plsc.VectorSubcoreMesh(core_axis_name="c", subcore_axis_name="s")




def _sc_gather(qt, kt, src, dst, n_edges_pad):
    Ep = n_edges_pad
    DQ = qt.shape[1]
    DK = kt.shape[1]
    CHG = 64
    per_w = Ep // NW
    n_ch = per_w // CHG

    @functools.partial(
        pl.kernel,
        mesh=_sc_mesh(),
        out_type=[jax.ShapeDtypeStruct((Ep, DQ), jnp.float32),
                  jax.ShapeDtypeStruct((Ep, DK), jnp.float32)],
        scratch_types=[
            pltpu.VMEM((CHG,), jnp.int32),
            pltpu.VMEM((CHG, DQ), jnp.float32),
            pltpu.VMEM((CHG, DK), jnp.float32),
            pltpu.SemaphoreType.DMA,
        ],
    )
    def kern(qt_hbm, kt_hbm, src_hbm, dst_hbm, gq_hbm, gk_hbm,
             idx_v, bufq_v, bufk_v, sem):
        wid = lax.axis_index("s") * NC + lax.axis_index("c")
        base = wid * per_w

        def body(i, carry):
            off = base + i * CHG
            pltpu.sync_copy(dst_hbm.at[pl.ds(off, CHG)], idx_v)
            pltpu.async_copy(qt_hbm.at[idx_v], bufq_v, sem).wait()
            pltpu.sync_copy(bufq_v, gq_hbm.at[pl.ds(off, CHG), :])
            pltpu.sync_copy(src_hbm.at[pl.ds(off, CHG)], idx_v)
            pltpu.async_copy(kt_hbm.at[idx_v], bufk_v, sem).wait()
            pltpu.sync_copy(bufk_v, gk_hbm.at[pl.ds(off, CHG), :])
            return carry

        lax.fori_loop(0, n_ch, body, 0)

    return kern(qt, kt, src, dst)


def _sc_denom(exa, dst, n_pad):
    Ep = exa.shape[0]
    per_c = Ep // NS
    n_ch_a = per_c // CH
    per_w = Ep // NW
    n_ch_g = per_w // CH
    rows_t = n_pad // NS
    ZR = 128

    @functools.partial(
        pl.kernel,
        mesh=_sc_mesh(),
        out_type=[jax.ShapeDtypeStruct((n_pad, 128), jnp.float32),
                  jax.ShapeDtypeStruct((Ep, 128), jnp.float32)],
        scratch_types=[
            pltpu.VMEM((CH,), jnp.int32),
            pltpu.VMEM((CH, 128), jnp.float32),
            pltpu.VMEM((ZR, 128), jnp.float32),
            pltpu.VMEM_SHARED((n_pad, 128), jnp.float32),
            pltpu.SemaphoreType.DMA,
        ],
    )
    def kern(ex_hbm, dst_hbm, dtab_hbm, gs_hbm, idx_v, vals_v, zbuf, acc, sem):
        cid = lax.axis_index("c")
        sid = lax.axis_index("s")
        z = jnp.zeros((16,), jnp.float32)

        def zrow(i, carry):
            def zcol(j, c2):
                zbuf[i, pl.ds(j * 16, 16)] = z
                return c2
            lax.fori_loop(0, 128 // 16, zcol, 0)
            return carry

        lax.fori_loop(0, ZR, zrow, 0)

        def zchunk(i, carry):
            pltpu.sync_copy(zbuf, acc.at[pl.ds(sid * rows_t + i * ZR, ZR), :])
            return carry

        lax.fori_loop(0, rows_t // ZR, zchunk, 0)
        plsc.subcore_barrier()

        def body(i, carry):
            off = sid * per_c + i * CH
            pltpu.sync_copy(dst_hbm.at[pl.ds(off, CH)], idx_v)
            pltpu.sync_copy(ex_hbm.at[pl.ds(off, CH), :], vals_v)
            pltpu.sync_copy(vals_v, acc.at[idx_v], add=True)
            return carry

        lax.fori_loop(0, n_ch_a, body, 0)
        pltpu.sync_copy(acc.at[pl.ds(sid * rows_t, ZR), :], zbuf)
        plsc.subcore_barrier()

        pltpu.sync_copy(acc.at[pl.ds(sid * rows_t, rows_t), :],
                        dtab_hbm.at[pl.ds(sid * rows_t, rows_t), :])
        plsc.subcore_barrier()

        def gbody(i, carry):
            off = (sid * NC + cid) * per_w + i * CH
            pltpu.sync_copy(dst_hbm.at[pl.ds(off, CH)], idx_v)
            pltpu.async_copy(dtab_hbm.at[idx_v], vals_v, sem).wait()
            pltpu.sync_copy(vals_v, gs_hbm.at[pl.ds(off, CH), :])
            return carry

        lax.fori_loop(0, n_ch_g, gbody, 0)

    return kern(exa, dst)


def _sc_scatter_hnode(msg, dst, n_pad):
    Ep = dst.shape[0]
    HD = 128
    per_t = Ep // NS
    n_ch = per_t // CH
    rows_t = n_pad // NS
    ZR = 128

    @functools.partial(
        pl.kernel,
        mesh=_sc_mesh(),
        out_type=[jax.ShapeDtypeStruct((n_pad, 2 * HD), jnp.float32)],
        scratch_types=[
            pltpu.VMEM((CH,), jnp.int32),
            pltpu.VMEM((CH, HD), jnp.float32),
            pltpu.VMEM((ZR, HD), jnp.float32),
            pltpu.VMEM_SHARED((n_pad, HD), jnp.float32),
            pltpu.SemaphoreType.DMA,
        ],
    )
    def kern(m_hbm, dst_hbm, hc_hbm, idx_v, vals_v, zbuf, acc, sem):
        cid = lax.axis_index("c")
        sid = lax.axis_index("s")
        base = sid * per_t
        col = cid * HD

        z = jnp.zeros((16,), jnp.float32)

        def zrow(i, carry):
            def zcol(j, c2):
                zbuf[i, pl.ds(j * 16, 16)] = z
                return c2
            lax.fori_loop(0, HD // 16, zcol, 0)
            return carry

        lax.fori_loop(0, ZR, zrow, 0)

        def zchunk(i, carry):
            pltpu.sync_copy(zbuf, acc.at[pl.ds(sid * rows_t + i * ZR, ZR), :])
            return carry

        lax.fori_loop(0, rows_t // ZR, zchunk, 0)
        plsc.subcore_barrier()

        def body(i, carry):
            off = base + i * CH
            pltpu.sync_copy(dst_hbm.at[pl.ds(off, CH)], idx_v)
            pltpu.sync_copy(m_hbm.at[pl.ds(off, CH), pl.ds(col, HD)], vals_v)
            pltpu.sync_copy(vals_v, acc.at[idx_v], add=True)
            return carry

        lax.fori_loop(0, n_ch, body, 0)
        pltpu.sync_copy(acc.at[pl.ds(sid * rows_t, ZR), :], zbuf)
        plsc.subcore_barrier()

        pltpu.sync_copy(acc.at[pl.ds(sid * rows_t, rows_t), :],
                        hc_hbm.at[pl.ds(sid * rows_t, rows_t), pl.ds(col, HD)])

    return kern(msg, dst)




def _tc_node(h, pos128, Wq, bq, Wk, bk, Wv, bv):
    n, d = h.shape
    BN = 400
    grid = n // BN

    def body(h_ref, p_ref, wq, bq_, wk, bk_, wv, bv_, qt_ref, kt_ref):
        x = h_ref[...]
        mu = jnp.mean(x, axis=1, keepdims=True)
        xc = x - mu
        var = jnp.mean(xc * xc, axis=1, keepdims=True)
        hn = xc * lax.rsqrt(var + 1e-6)
        p = p_ref[...]
        q = jnp.dot(hn, wq[...], preferred_element_type=jnp.float32) + bq_[...]
        k = jnp.dot(hn, wk[...], preferred_element_type=jnp.float32) + bk_[...]
        v = jnp.dot(hn, wv[...], preferred_element_type=jnp.float32) + bv_[...]
        qt_ref[...] = jnp.concatenate([q, p], axis=1)
        kt_ref[...] = jnp.concatenate([k, v, p], axis=1)

    w_spec = pl.BlockSpec((d, d), lambda i: (0, 0))
    b_spec = pl.BlockSpec((1, d), lambda i: (0, 0))
    return pl.pallas_call(
        body,
        grid=(grid,),
        in_specs=[pl.BlockSpec((BN, d), lambda i: (i, 0)),
                  pl.BlockSpec((BN, 128), lambda i: (i, 0)),
                  w_spec, b_spec, w_spec, b_spec, w_spec, b_spec],
        out_specs=[pl.BlockSpec((BN, d + 128), lambda i: (i, 0)),
                   pl.BlockSpec((BN, 2 * d + 128), lambda i: (i, 0))],
        out_shape=[jax.ShapeDtypeStruct((n, d + 128), jnp.float32),
                   jax.ShapeDtypeStruct((n, 2 * d + 128), jnp.float32)],
    )(h, pos128, Wq, bq.reshape(1, d), Wk, bk.reshape(1, d),
      Wv, bv.reshape(1, d))


def _tc_edge(gq, gk, We, be, We0, be0, We1, be1, n_edges):
    Ep = gq.shape[0]
    D = 256
    ED = We.shape[0]
    H = 8
    C = D // H
    BE = 1024
    grid = Ep // BE
    inv_sqrt_c = 1.0 / math.sqrt(C)

    def body(gq_ref, gk_ref, we, be_, we0, be0_, we1, be1_, ex_ref, e1_ref):
        pid = pl.program_id(0)
        gq_ = gq_ref[...]
        gk_ = gk_ref[...]
        qd = gq_[:, :D]
        ks = gk_[:, :D]
        dp = gq_[:, D:] - gk_[:, 2 * D:]
        d2 = jnp.sum(dp * dp, axis=1, keepdims=True)
        dist = jnp.sqrt(d2 + 1e-12)
        offs = lax.broadcasted_iota(jnp.int32, (1, ED), 1).astype(jnp.float32)
        dgs = dist - offs
        ef = jnp.exp(-0.5 * dgs * dgs)
        ea = jnp.dot(ef, we[...], preferred_element_type=jnp.float32) + be_[...]
        mu = jnp.mean(ea, axis=1, keepdims=True)
        ec = ea - mu
        var = jnp.mean(ec * ec, axis=1, keepdims=True)
        ean = ec * lax.rsqrt(var + 1e-6)
        e0 = jnp.dot(ean, we0[...], preferred_element_type=jnp.float32) + be0_[...]
        e1_ref[...] = jnp.dot(ean, we1[...], preferred_element_type=jnp.float32) + be1_[...]
        t = qd * ks * e0
        sel = (lax.broadcasted_iota(jnp.int32, (D, H), 0) // C
               == lax.broadcasted_iota(jnp.int32, (D, H), 1)).astype(jnp.float32)
        alpha = jnp.dot(t, sel, preferred_element_type=jnp.float32) * inv_sqrt_c
        ex = jnp.exp(alpha)
        rid = pid * BE + lax.broadcasted_iota(jnp.int32, (BE, 1), 0)
        ex = jnp.where(rid < n_edges, ex, 0.0)
        ex_ref[...] = jnp.concatenate(
            [ex, jnp.zeros((BE, 128 - H), jnp.float32)], axis=1)

    return pl.pallas_call(
        body,
        grid=(grid,),
        in_specs=[pl.BlockSpec((BE, D + 128), lambda i: (i, 0)),
                  pl.BlockSpec((BE, 2 * D + 128), lambda i: (i, 0)),
                  pl.BlockSpec((ED, ED), lambda i: (0, 0)),
                  pl.BlockSpec((1, ED), lambda i: (0, 0)),
                  pl.BlockSpec((ED, D), lambda i: (0, 0)),
                  pl.BlockSpec((1, D), lambda i: (0, 0)),
                  pl.BlockSpec((ED, D), lambda i: (0, 0)),
                  pl.BlockSpec((1, D), lambda i: (0, 0))],
        out_specs=[pl.BlockSpec((BE, 128), lambda i: (i, 0)),
                   pl.BlockSpec((BE, D), lambda i: (i, 0))],
        out_shape=[jax.ShapeDtypeStruct((Ep, 128), jnp.float32),
                   jax.ShapeDtypeStruct((Ep, D), jnp.float32)],
    )(gq, gk, We, be.reshape(1, ED), We0, be0.reshape(1, D),
      We1, be1.reshape(1, D))


def _tc_msg(exa, gsum, gk, e1, n_edges):
    Ep = exa.shape[0]
    D = 256
    H = 8
    C = D // H
    HD = D // 2
    BE = 1024
    grid = Ep // BE

    def body(ex_ref, gs_ref, vs0_ref, vs1_ref, e1_ref, m_ref):
        pid = pl.program_id(0)
        ex = ex_ref[...][:, :H]
        dsum = gs_ref[...][:, :H]
        attn = ex / (dsum + 1e-16)
        selT = (lax.broadcasted_iota(jnp.int32, (H, D), 0)
                == lax.broadcasted_iota(jnp.int32, (H, D), 1) // C
                ).astype(jnp.float32)
        attn_c = jnp.dot(attn, selT, preferred_element_type=jnp.float32)
        vs = jnp.concatenate([vs0_ref[...], vs1_ref[...]], axis=1)
        rid = pid * BE + lax.broadcasted_iota(jnp.int32, (BE, 1), 0)
        live = (rid < n_edges).astype(jnp.float32)
        m_ref[...] = vs * e1_ref[...] * attn_c * live

    s128 = pl.BlockSpec((BE, 128), lambda i: (i, 0))
    return pl.pallas_call(
        body,
        grid=(grid,),
        in_specs=[s128, s128,
                  pl.BlockSpec((BE, HD), lambda i: (i, 2)),
                  pl.BlockSpec((BE, HD), lambda i: (i, 3)),
                  pl.BlockSpec((BE, D), lambda i: (i, 0))],
        out_specs=[pl.BlockSpec((BE, D), lambda i: (i, 0))],
        out_shape=[jax.ShapeDtypeStruct((Ep, D), jnp.float32)],
    )(exa, gsum, gk, gk, e1)


def _tc_ff(h, hnode, W1, b1, W2, b2):
    n, d = h.shape
    d2 = W1.shape[1]
    BN = 400
    grid = n // BN

    def body(h_ref, hn_ref, w1, b1_, w2, b2_, o_ref):
        hn = hn_ref[...]
        f = jnp.dot(hn, w1[...], preferred_element_type=jnp.float32) + b1_[...]
        f = f * (1.0 / (1.0 + jnp.exp(-f)))
        o_ref[...] = h_ref[...] + jnp.dot(
            f, w2[...], preferred_element_type=jnp.float32) + b2_[...]

    r_spec = pl.BlockSpec((BN, d), lambda i: (i, 0))
    return pl.pallas_call(
        body,
        grid=(grid,),
        in_specs=[r_spec, r_spec,
                  pl.BlockSpec((d, d2), lambda i: (0, 0)),
                  pl.BlockSpec((1, d2), lambda i: (0, 0)),
                  pl.BlockSpec((d2, d), lambda i: (0, 0)),
                  pl.BlockSpec((1, d), lambda i: (0, 0))],
        out_specs=r_spec,
        out_shape=jax.ShapeDtypeStruct((n, d), jnp.float32),
    )(h, hnode, W1, b1.reshape(1, d2), W2, b2.reshape(1, d))




def kernel(pos, h, edge_index, We, be, Wq, bq, Wk, bk, Wv, bv,
           We0, be0, We1, be1, W1, b1, W2, b2):
    n = pos.shape[0]
    e = edge_index.shape[1]
    ep = ((e + NW * CH - 1) // (NW * CH)) * (NW * CH)
    n_pad = ((n + NS * 8 - 1) // (NS * 8)) * (NS * 8)

    src = edge_index[0].astype(jnp.int32)
    dst = edge_index[1].astype(jnp.int32)
    if ep != e:
        fill = jnp.arange(ep - e, dtype=jnp.int32) % n
        src = jnp.concatenate([src, fill])
        dst = jnp.concatenate([dst, fill])

    pos128 = jnp.pad(pos, ((0, 0), (0, 128 - pos.shape[1])))

    qt, kt = _tc_node(h, pos128, Wq, bq, Wk, bk, Wv, bv)
    gq, gk = _sc_gather(qt, kt, src, dst, ep)
    exa, e1 = _tc_edge(gq, gk, We, be, We0, be0, We1, be1, e)
    dsum = jax.ops.segment_sum(exa, dst, num_segments=n)
    gsum = dsum[dst]
    msg, = _tc_msg(exa, gsum, gk, e1, e)
    hcat = jax.ops.segment_sum(msg, dst, num_segments=n)
    return _tc_ff(h, hcat, W1, b1, W2, b2)

# --- scband reference (transcript-rebuilt; emitter-appended) ---
"""Pipeline reference for scband-protein-block-62672162783763 (READ-ONLY COPY).

The authoritative reference and input builder live on the scoring server;
editing this copy changes nothing except your own understanding.
"""

import jax, jax.numpy as jnp
import numpy as np
import math

N = 10000
E = 160000
D = 256      # node_dim
ED = 16      # edge_dim == dist_dim (num_gaussians)
H = 8        # num_heads
C = D // H   # 32


def _layernorm(x, eps=1e-6):
    mu = jnp.mean(x, axis=-1, keepdims=True)
    var = jnp.mean((x - mu) ** 2, axis=-1, keepdims=True)
    return (x - mu) / jnp.sqrt(var + eps)


def _lin_init(key, fan_in, fan_out):
    k1, k2 = jax.random.split(key)
    bound = 1.0 / math.sqrt(fan_in)
    W = jax.random.uniform(k1, (fan_in, fan_out), minval=-bound, maxval=bound, dtype=jnp.float32)
    b = jax.random.uniform(k2, (fan_out,), minval=-bound, maxval=bound, dtype=jnp.float32)
    return W, b


def setup_inputs(seed: int = 0) -> dict:
    key = jax.random.key(seed)
    ks = jax.random.split(key, 12)
    pos = jax.random.normal(ks[0], (N, 3), dtype=jnp.float32)
    h = jax.random.normal(ks[1], (N, D), dtype=jnp.float32)
    src = jax.random.randint(ks[2], (E,), 0, N, dtype=jnp.int64 if jax.config.read('jax_enable_x64') else jnp.int32)
    # avoid self-loops so distance > 0 everywhere
    off = jax.random.randint(ks[3], (E,), 1, N, dtype=src.dtype)
    dst = (src + off) % N
    edge_index = jnp.stack([src, dst], axis=0)
    We, be = _lin_init(ks[4], ED, ED)          # edge_emb
    Wq, bq = _lin_init(ks[5], D, H * C)        # lin_query
    Wk, bk = _lin_init(ks[6], D, H * C)        # lin_key
    Wv, bv = _lin_init(ks[7], D, H * C)        # lin_value
    We0, be0 = _lin_init(ks[8], ED, H * C)     # lin_edge0 (attention modulation)
    We1, be1 = _lin_init(ks[9], ED, H * C)     # lin_edge1 (value modulation)
    W1, b1 = _lin_init(ks[10], D, 2 * D)       # ff_linear1
    W2, b2 = _lin_init(ks[11], 2 * D, D)       # ff_linear2
    return {"pos": pos, "h": h, "edge_index": edge_index,
            "We": We, "be": be, "Wq": Wq, "bq": bq, "Wk": Wk, "bk": bk,
            "Wv": Wv, "bv": bv, "We0": We0, "be0": be0, "We1": We1, "be1": be1,
            "W1": W1, "b1": b1, "W2": W2, "b2": b2}


def reference(pos, h, edge_index, We, be, Wq, bq, Wk, bk, Wv, bv, We0, be0, We1, be1, W1, b1, W2, b2):
    src = edge_index[0]
    dst = edge_index[1]
    # pairwise distance per edge
    diff = pos[src] - pos[dst]
    dist = jnp.sqrt(jnp.sum(diff * diff, axis=-1, keepdims=True) + 1e-12)  # [E,1]
    # GaussianSmearing(start=0, stop=15, num_gaussians=ED)
    offset = jnp.linspace(0.0, 15.0, ED)
    coeff = -0.5 / (offset[1] - offset[0]) ** 2
    dgs = dist - offset[None, :]
    edge_feat = jnp.exp(coeff * dgs * dgs)                                # [E,ED]
    edge_attr = edge_feat @ We + be                                       # edge_emb
    hn = _layernorm(h)                                                    # norm1_node (no affine)
    ea = _layernorm(edge_attr)                                            # norm1_edge (no affine)
    # Trans_Layer: graph relational transformer conv
    q = (hn @ Wq + bq).reshape(N, H, C)
    k = (hn @ Wk + bk).reshape(N, H, C)
    v = (hn @ Wv + bv).reshape(N, H, C)
    e0 = (ea @ We0 + be0).reshape(E, H, C)
    e1 = (ea @ We1 + be1).reshape(E, H, C)
    alpha = jnp.sum(q[dst] * k[src] * e0, axis=-1) / math.sqrt(C)         # [E,H]
    amax = jax.ops.segment_max(alpha, dst, num_segments=N)
    amax = jnp.where(jnp.isfinite(amax), amax, 0.0)
    ex = jnp.exp(alpha - amax[dst])
    denom = jax.ops.segment_sum(ex, dst, num_segments=N)
    attn = ex / (denom[dst] + 1e-16)                                      # segment softmax over dst
    msg = v[src] * e1 * attn[:, :, None]                                  # [E,H,C]
    h_node = jax.ops.segment_sum(msg, dst, num_segments=N).reshape(N, H * C)
    # FF block (SiLU, dropout=0)
    ff = h_node @ W1 + b1
    ff = ff * jax.nn.sigmoid(ff)
    ff = ff @ W2 + b2
    return h + ff

if __name__ == "__main__":
    import jax
    _d = setup_inputs()
    print(jax.jit(kernel)(*tuple(_d.values())))

</pallas_src>

<mosaic_0001>
#map = affine_map<(d0, d1) -> (0, 0)>
#map1 = affine_map<(d0, d1) -> (0)>
module attributes {stable_mosaic.version = 14 : i64} {
  func.func @kern(%arg0: i32, %arg1: i32, %arg2: memref<10000x384xf32, #tpu.memory_space<hbm>>, %arg3: memref<10000x640xf32, #tpu.memory_space<hbm>>, %arg4: memref<163840xi32, #tpu.memory_space<hbm>>, %arg5: memref<163840xi32, #tpu.memory_space<hbm>>, %arg6: memref<163840x384xf32, #tpu.memory_space<hbm>>, %arg7: memref<163840x640xf32, #tpu.memory_space<hbm>>, %arg8: memref<64xi32, #tpu.memory_space<vmem>>, %arg9: memref<64x384xf32, #tpu.memory_space<vmem>>, %arg10: memref<64x640xf32, #tpu.memory_space<vmem>>, %arg11: memref<!tpu.dma_semaphore, #tpu.memory_space<semaphore_mem>>) attributes {dimension_semantics = [#tpu.dimension_semantics<core_parallel>, #tpu.dimension_semantics<subcore_parallel>], iteration_bounds = array<i64: 2, 16>, scalar_prefetch = 0 : i64, scratch_operands = 4 : i64, tpu.core_type = #tpu.core_type<sc_vector_subcore>, window_params = [{transform_indices = #map}, {transform_indices = #map}, {transform_indices = #map1}, {transform_indices = #map1}, {transform_indices = #map}, {transform_indices = #map}]} {
    %mul3A = arith.constant 2 : i32
    %mul3A_0 = arith.muli %arg1, %mul3A : i32
    %add3A = arith.addi %mul3A_0, %arg0 : i32
    %mul3A_1 = arith.constant 5120 : i32
    %mul3A_2 = arith.muli %add3A, %mul3A_1 : i32
    %scan3A = arith.constant 0 : i32
    %scan3A_3 = arith.constant 0 : i32
    %scan3A_4 = arith.constant 80 : i32
    %scan3A_5 = arith.addi %scan3A_3, %scan3A_4 : i32
    %scan3A_6 = arith.constant 1 : i32
    scf.for %scan3A_8 = %scan3A_3 to %scan3A_5 step %scan3A_6  : i32 {
      %mul3A_9 = arith.constant 64 : i32
      %mul3A_10 = arith.muli %scan3A_8, %mul3A_9 : i32
      %add3A_11 = arith.addi %mul3A_2, %mul3A_10 : i32
      "tpu.region"() ({
        %run_scoped3A = tpu.sem_alloc : memref<!tpu.dma_semaphore, #tpu.memory_space<semaphore_mem>>
        %dma_start3A_22 = tpu.memref_slice %arg5[%add3A_11] : memref<163840xi32, #tpu.memory_space<hbm>> -> memref<64xi32, #tpu.memory_space<hbm>>
        %dma_start3A_23 = tpu.memref_slice %arg5[%add3A_11] : memref<163840xi32, #tpu.memory_space<hbm>> -> memref<64xi32, #tpu.memory_space<hbm>>
        tpu.enqueue_dma source(%dma_start3A_23 : memref<64xi32, #tpu.memory_space<hbm>>) target(%arg8 : memref<64xi32, #tpu.memory_space<vmem>>) target_semaphore(%run_scoped3A : memref<!tpu.dma_semaphore, #tpu.memory_space<semaphore_mem>>)
        %dma_wait3A_24 = tpu.memref_slice %arg5[%add3A_11] : memref<163840xi32, #tpu.memory_space<hbm>> -> memref<64xi32, #tpu.memory_space<hbm>>
        %dma_wait3A_25 = tpu.memref_slice %arg5[%add3A_11] : memref<163840xi32, #tpu.memory_space<hbm>> -> memref<64xi32, #tpu.memory_space<hbm>>
        tpu.wait_dma2 semaphore(%run_scoped3A : memref<!tpu.dma_semaphore, #tpu.memory_space<semaphore_mem>>) src(%dma_wait3A_25 : memref<64xi32, #tpu.memory_space<hbm>>) dst(%arg8 : memref<64xi32, #tpu.memory_space<vmem>>)
        tpu.yield
      }) : () -> ()
      %dma_start3A = arith.constant 0 : i32
      %dma_start3A_12 = arith.constant 0 : i32
      %dma_start3A_13 = tpu.memref_slice %arg2[%dma_start3A, %dma_start3A_12] : memref<10000x384xf32, #tpu.memory_space<hbm>> -> memref<10000x384xf32, #tpu.memory_space<hbm>>
      tpu.enqueue_indirect_dma source(%dma_start3A_13 : memref<10000x384xf32, #tpu.memory_space<hbm>>) target(%arg9 : memref<64x384xf32, #tpu.memory_space<vmem>>) offsets(%arg8 : memref<64xi32, #tpu.memory_space<vmem>>) semaphore(%arg11 : memref<!tpu.dma_semaphore, #tpu.memory_space<semaphore_mem>>)
      %dma_wait3A = arith.constant 0 : i32
      %dma_wait3A_14 = arith.constant 0 : i32
      %dma_wait3A_15 = tpu.memref_slice %arg2[%dma_wait3A, %dma_wait3A_14] : memref<10000x384xf32, #tpu.memory_space<hbm>> -> memref<10000x384xf32, #tpu.memory_space<hbm>>
      tpu.wait_indirect_dma semaphore(%arg11 : memref<!tpu.dma_semaphore, #tpu.memory_space<semaphore_mem>>) src(%dma_wait3A_15 : memref<10000x384xf32, #tpu.memory_space<hbm>>) dst(%arg9 : memref<64x384xf32, #tpu.memory_space<vmem>>)
      "tpu.region"() ({
        %run_scoped3A = tpu.sem_alloc : memref<!tpu.dma_semaphore, #tpu.memory_space<semaphore_mem>>
        %dma_start3A_22 = arith.constant 0 : i32
        %dma_start3A_23 = tpu.memref_slice %arg6[%add3A_11, %dma_start3A_22] : memref<163840x384xf32, #tpu.memory_space<hbm>> -> memref<64x384xf32, #tpu.memory_space<hbm>>
        %dma_start3A_24 = arith.constant 0 : i32
        %dma_start3A_25 = tpu.memref_slice %arg6[%add3A_11, %dma_start3A_24] : memref<163840x384xf32, #tpu.memory_space<hbm>> -> memref<64x384xf32, #tpu.memory_space<hbm>>
        tpu.enqueue_dma source(%arg9 : memref<64x384xf32, #tpu.memory_space<vmem>>) target(%dma_start3A_25 : memref<64x384xf32, #tpu.memory_space<hbm>>) target_semaphore(%run_scoped3A : memref<!tpu.dma_semaphore, #tpu.memory_space<semaphore_mem>>)
        %dma_wait3A_26 = arith.constant 0 : i32
        %dma_wait3A_27 = tpu.memref_slice %arg6[%add3A_11, %dma_wait3A_26] : memref<163840x384xf32, #tpu.memory_space<hbm>> -> memref<64x384xf32, #tpu.memory_space<hbm>>
        %dma_wait3A_28 = arith.constant 0 : i32
        %dma_wait3A_29 = tpu.memref_slice %arg6[%add3A_11, %dma_wait3A_28] : memref<163840x384xf32, #tpu.memory_space<hbm>> -> memref<64x384xf32, #tpu.memory_space<hbm>>
        tpu.wait_dma2 semaphore(%run_scoped3A : memref<!tpu.dma_semaphore, #tpu.memory_space<semaphore_mem>>) src(%arg9 : memref<64x384xf32, #tpu.memory_space<vmem>>) dst(%dma_wait3A_29 : memref<64x384xf32, #tpu.memory_space<hbm>>)
        tpu.yield
      }) : () -> ()
      "tpu.region"() ({
        %run_scoped3A = tpu.sem_alloc : memref<!tpu.dma_semaphore, #tpu.memory_space<semaphore_mem>>
        %dma_start3A_22 = tpu.memref_slice %arg4[%add3A_11] : memref<163840xi32, #tpu.memory_space<hbm>> -> memref<64xi32, #tpu.memory_space<hbm>>
        %dma_start3A_23 = tpu.memref_slice %arg4[%add3A_11] : memref<163840xi32, #tpu.memory_space<hbm>> -> memref<64xi32, #tpu.memory_space<hbm>>
        tpu.enqueue_dma source(%dma_start3A_23 : memref<64xi32, #tpu.memory_space<hbm>>) target(%arg8 : memref<64xi32, #tpu.memory_space<vmem>>) target_semaphore(%run_scoped3A : memref<!tpu.dma_semaphore, #tpu.memory_space<semaphore_mem>>)
        %dma_wait3A_24 = tpu.memref_slice %arg4[%add3A_11] : memref<163840xi32, #tpu.memory_space<hbm>> -> memref<64xi32, #tpu.memory_space<hbm>>
        %dma_wait3A_25 = tpu.memref_slice %arg4[%add3A_11] : memref<163840xi32, #tpu.memory_space<hbm>> -> memref<64xi32, #tpu.memory_space<hbm>>
        tpu.wait_dma2 semaphore(%run_scoped3A : memref<!tpu.dma_semaphore, #tpu.memory_space<semaphore_mem>>) src(%dma_wait3A_25 : memref<64xi32, #tpu.memory_space<hbm>>) dst(%arg8 : memref<64xi32, #tpu.memory_space<vmem>>)
        tpu.yield
      }) : () -> ()
      %dma_start3A_16 = arith.constant 0 : i32
      %dma_start3A_17 = arith.constant 0 : i32
      %dma_start3A_18 = tpu.memref_slice %arg3[%dma_start3A_16, %dma_start3A_17] : memref<10000x640xf32, #tpu.memory_space<hbm>> -> memref<10000x640xf32, #tpu.memory_space<hbm>>
      tpu.enqueue_indirect_dma source(%dma_start3A_18 : memref<10000x640xf32, #tpu.memory_space<hbm>>) target(%arg10 : memref<64x640xf32, #tpu.memory_space<vmem>>) offsets(%arg8 : memref<64xi32, #tpu.memory_space<vmem>>) semaphore(%arg11 : memref<!tpu.dma_semaphore, #tpu.memory_space<semaphore_mem>>)
      %dma_wait3A_19 = arith.constant 0 : i32
      %dma_wait3A_20 = arith.constant 0 : i32
      %dma_wait3A_21 = tpu.memref_slice %arg3[%dma_wait3A_19, %dma_wait3A_20] : memref<10000x640xf32, #tpu.memory_space<hbm>> -> memref<10000x640xf32, #tpu.memory_space<hbm>>
      tpu.wait_indirect_dma semaphore(%arg11 : memref<!tpu.dma_semaphore, #tpu.memory_space<semaphore_mem>>) src(%dma_wait3A_21 : memref<10000x640xf32, #tpu.memory_space<hbm>>) dst(%arg10 : memref<64x640xf32, #tpu.memory_space<vmem>>)
      "tpu.region"() ({
        %run_scoped3A = tpu.sem_alloc : memref<!tpu.dma_semaphore, #tpu.memory_space<semaphore_mem>>
        %dma_start3A_22 = arith.constant 0 : i32
        %dma_start3A_23 = tpu.memref_slice %arg7[%add3A_11, %dma_start3A_22] : memref<163840x640xf32, #tpu.memory_space<hbm>> -> memref<64x640xf32, #tpu.memory_space<hbm>>
        %dma_start3A_24 = arith.constant 0 : i32
        %dma_start3A_25 = tpu.memref_slice %arg7[%add3A_11, %dma_start3A_24] : memref<163840x640xf32, #tpu.memory_space<hbm>> -> memref<64x640xf32, #tpu.memory_space<hbm>>
        tpu.enqueue_dma source(%arg10 : memref<64x640xf32, #tpu.memory_space<vmem>>) target(%dma_start3A_25 : memref<64x640xf32, #tpu.memory_space<hbm>>) target_semaphore(%run_scoped3A : memref<!tpu.dma_semaphore, #tpu.memory_space<semaphore_mem>>)
        %dma_wait3A_26 = arith.constant 0 : i32
        %dma_wait3A_27 = tpu.memref_slice %arg7[%add3A_11, %dma_wait3A_26] : memref<163840x640xf32, #tpu.memory_space<hbm>> -> memref<64x640xf32, #tpu.memory_space<hbm>>
        %dma_wait3A_28 = arith.constant 0 : i32
        %dma_wait3A_29 = tpu.memref_slice %arg7[%add3A_11, %dma_wait3A_28] : memref<163840x640xf32, #tpu.memory_space<hbm>> -> memref<64x640xf32, #tpu.memory_space<hbm>>
        tpu.wait_dma2 semaphore(%run_scoped3A : memref<!tpu.dma_semaphore, #tpu.memory_space<semaphore_mem>>) src(%arg10 : memref<64x640xf32, #tpu.memory_space<vmem>>) dst(%dma_wait3A_29 : memref<64x640xf32, #tpu.memory_space<hbm>>)
        tpu.yield
      }) : () -> ()
    }
    %scan3A_7 = arith.constant 80 : i32
    return
  }
}

module attributes {stable_mosaic.version = 14 : i64} {
  func.func @body(%arg0: i32, %arg1: memref<400x256xf32, #tpu.memory_space<vmem>>, %arg2: memref<400x128xf32, #tpu.memory_space<vmem>>, %arg3: memref<256x256xf32, #tpu.memory_space<vmem>>, %arg4: memref<1x256xf32, #tpu.memory_space<vmem>>, %arg5: memref<256x256xf32, #tpu.memory_space<vmem>>, %arg6: memref<1x256xf32, #tpu.memory_space<vmem>>, %arg7: memref<256x256xf32, #tpu.memory_space<vmem>>, %arg8: memref<1x256xf32, #tpu.memory_space<vmem>>, %arg9: memref<400x384xf32, #tpu.memory_space<vmem>>, %arg10: memref<400x640xf32, #tpu.memory_space<vmem>>) attributes {dimension_semantics = [#tpu.dimension_semantics<arbitrary>], iteration_bounds = array<i64: 25>, scalar_prefetch = 0 : i64, scratch_operands = 0 : i64, tpu.core_type = #tpu.core_type<tc>, window_params = [{transform_indices = @transform_0, window_bounds = array<i64: 400, 256>}, {transform_indices = @transform_1, window_bounds = array<i64: 400, 128>}, {pipeline_mode = #tpu.pipeline_mode<synchronous>, transform_indices = @transform_2, window_bounds = array<i64: 256, 256>}, {pipeline_mode = #tpu.pipeline_mode<synchronous>, transform_indices = @transform_3, window_bounds = array<i64: 1, 256>}, {pipeline_mode = #tpu.pipeline_mode<synchronous>, transform_indices = @transform_4, window_bounds = array<i64: 256, 256>}, {pipeline_mode = #tpu.pipeline_mode<synchronous>, transform_indices = @transform_5, window_bounds = array<i64: 1, 256>}, {pipeline_mode = #tpu.pipeline_mode<synchronous>, transform_indices = @transform_6, window_bounds = array<i64: 256, 256>}, {pipeline_mode = #tpu.pipeline_mode<synchronous>, transform_indices = @transform_7, window_bounds = array<i64: 1, 256>}, {transform_indices = @transform_8, window_bounds = array<i64: 400, 384>}, {transform_indices = @transform_9, window_bounds = array<i64: 400, 640>}]} {
    %get3A = arith.constant 0 : index
    %get3A_0 = arith.constant 0 : index
    %get3A_1 = vector.load %arg1[%get3A, %get3A_0] : memref<400x256xf32, #tpu.memory_space<vmem>>, vector<400x256xf32>
    %reduce_sum3A = arith.constant dense<0.000000e+00> : vector<400xf32>
    %reduce_sum3A_2 = vector.multi_reduction <add>, %get3A_1, %reduce_sum3A [1] : vector<400x256xf32> to vector<400xf32>
    %broadcast_in_dim3A = vector.shape_cast %reduce_sum3A_2 : vector<400xf32> to vector<400x1xf32>
    %div3A = arith.constant 2.560000e+02 : f32
    %div3A_3 = vector.broadcast %div3A : f32 to vector<400x1xf32>
    %div3A_4 = arith.divf %broadcast_in_dim3A, %div3A_3 : vector<400x1xf32>
    %sub3A = vector.broadcast %div3A_4 : vector<400x1xf32> to vector<400x256xf32>
    %sub3A_5 = arith.subf %get3A_1, %sub3A : vector<400x256xf32>
    %mul3A = arith.mulf %sub3A_5, %sub3A_5 : vector<400x256xf32>
    %reduce_sum3A_6 = arith.constant dense<0.000000e+00> : vector<400xf32>
    %reduce_sum3A_7 = vector.multi_reduction <add>, %mul3A, %reduce_sum3A_6 [1] : vector<400x256xf32> to vector<400xf32>
    %broadcast_in_dim3A_8 = vector.shape_cast %reduce_sum3A_7 : vector<400xf32> to vector<400x1xf32>
    %div3A_9 = arith.constant 2.560000e+02 : f32
    %div3A_10 = vector.broadcast %div3A_9 : f32 to vector<400x1xf32>
    %div3A_11 = arith.divf %broadcast_in_dim3A_8, %div3A_10 : vector<400x1xf32>
    %add3A = arith.constant 9.99999997E-7 : f32
    %add3A_12 = vector.broadcast %add3A : f32 to vector<400x1xf32>
    %add3A_13 = arith.addf %div3A_11, %add3A_12 : vector<400x1xf32>
    %rsqrt3A = math.rsqrt %add3A_13 : vector<400x1xf32>
    %mul3A_14 = vector.broadcast %rsqrt3A : vector<400x1xf32> to vector<400x256xf32>
    %mul3A_15 = arith.mulf %sub3A_5, %mul3A_14 : vector<400x256xf32>
    %get3A_16 = arith.constant 0 : index
    %get3A_17 = arith.constant 0 : index
    %get3A_18 = vector.load %arg2[%get3A_16, %get3A_17] : memref<400x128xf32, #tpu.memory_space<vmem>>, vector<400x128xf32>
    %get3A_19 = arith.constant 0 : index
    %get3A_20 = arith.constant 0 : index
    %get3A_21 = vector.load %arg3[%get3A_19, %get3A_20] : memref<256x256xf32, #tpu.memory_space<vmem>>, vector<256x256xf32>
    %dot_general3A = arith.constant dense<0.000000e+00> : vector<400x256xf32>
    %dot_general3A_22 = tpu.matmul %mul3A_15, %get3A_21, %dot_general3A {dimension_numbers = #tpu.dot_dimension_numbers<[1], [0], [0], [1], [0, 0, 1, 1], [], []>, transpose_lhs_hint = false} : vector<400x256xf32>, vector<256x256xf32>, vector<400x256xf32> -> vector<400x256xf32>
    %get3A_23 = arith.constant 0 : index
    %get3A_24 = arith.constant 0 : index
    %get3A_25 = vector.load %arg4[%get3A_23, %get3A_24] : memref<1x256xf32, #tpu.memory_space<vmem>>, vector<1x256xf32>
    %add3A_26 = vector.broadcast %get3A_25 : vector<1x256xf32> to vector<400x256xf32>
    %add3A_27 = arith.addf %dot_general3A_22, %add3A_26 : vector<400x256xf32>
    %get3A_28 = arith.constant 0 : index
    %get3A_29 = arith.constant 0 : index
    %get3A_30 = vector.load %arg5[%get3A_28, %get3A_29] : memref<256x256xf32, #tpu.memory_space<vmem>>, vector<256x256xf32>
    %dot_general3A_31 = arith.constant dense<0.000000e+00> : vector<400x256xf32>
    %dot_general3A_32 = tpu.matmul %mul3A_15, %get3A_30, %dot_general3A_31 {dimension_numbers = #tpu.dot_dimension_numbers<[1], [0], [0], [1], [0, 0, 1, 1], [], []>, transpose_lhs_hint = false} : vector<400x256xf32>, vector<256x256xf32>, vector<400x256xf32> -> vector<400x256xf32>
    %get3A_33 = arith.constant 0 : index
    %get3A_34 = arith.constant 0 : index
    %get3A_35 = vector.load %arg6[%get3A_33, %get3A_34] : memref<1x256xf32, #tpu.memory_space<vmem>>, vector<1x256xf32>
    %add3A_36 = vector.broadcast %get3A_35 : vector<1x256xf32> to vector<400x256xf32>
    %add3A_37 = arith.addf %dot_general3A_32, %add3A_36 : vector<400x256xf32>
    %get3A_38 = arith.constant 0 : index
    %get3A_39 = arith.constant 0 : index
    %get3A_40 = vector.load %arg7[%get3A_38, %get3A_39] : memref<256x256xf32, #tpu.memory_space<vmem>>, vector<256x256xf32>
    %dot_general3A_41 = arith.constant dense<0.000000e+00> : vector<400x256xf32>
    %dot_general3A_42 = tpu.matmul %mul3A_15, %get3A_40, %dot_general3A_41 {dimension_numbers = #tpu.dot_dimension_numbers<[1], [0], [0], [1], [0, 0, 1, 1], [], []>, transpose_lhs_hint = false} : vector<400x256xf32>, vector<256x256xf32>, vector<400x256xf32> -> vector<400x256xf32>
    %get3A_43 = arith.constant 0 : index
    %get3A_44 = arith.constant 0 : index
    %get3A_45 = vector.load %arg8[%get3A_43, %get3A_44] : memref<1x256xf32, #tpu.memory_space<vmem>>, vector<1x256xf32>
    %add3A_46 = vector.broadcast %get3A_45 : vector<1x256xf32> to vector<400x256xf32>
    %add3A_47 = arith.addf %dot_general3A_42, %add3A_46 : vector<400x256xf32>
    %concatenate3A = tpu.concatenate %add3A_27, %get3A_18 in 1 : vector<400x256xf32>, vector<400x128xf32> -> vector<400x384xf32>
    %swap3A = arith.constant 0 : index
    %swap3A_48 = arith.constant 0 : index
    %swap3A_49 = vector.load %arg9[%swap3A, %swap3A_48] : memref<400x384xf32, #tpu.memory_space<vmem>>, vector<400x384xf32>
    tpu.vector_store %arg9[%swap3A, %swap3A_48], %concatenate3A {strides = array<i32>} : memref<400x384xf32, #tpu.memory_space<vmem>>, vector<400x384xf32>,
    %concatenate3A_50 = tpu.concatenate %add3A_37, %add3A_47, %get3A_18 in 1 : vector<400x256xf32>, vector<400x256xf32>, vector<400x128xf32> -> vector<400x640xf32>
    %swap3A_51 = arith.constant 0 : index
    %swap3A_52 = arith.constant 0 : index
    %swap3A_53 = vector.load %arg10[%swap3A_51, %swap3A_52] : memref<400x640xf32, #tpu.memory_space<vmem>>, vector<400x640xf32>
    tpu.vector_store %arg10[%swap3A_51, %swap3A_52], %concatenate3A_50 {strides = array<i32>} : memref<400x640xf32, #tpu.memory_space<vmem>>, vector<400x640xf32>,
    return
  }
  func.func @transform_0(%arg0: i32) -> (i32, i32) {
    %c0_i32 = arith.constant 0 : i32
    %c0_i32_0 = arith.constant 0 : i32
    return %arg0, %c0_i32 : i32, i32
  }
  func.func @transform_1(%arg0: i32) -> (i32, i32) {
    %c0_i32 = arith.constant 0 : i32
    %c0_i32_0 = arith.constant 0 : i32
    return %arg0, %c0_i32 : i32, i32
  }
  func.func @transform_2(%arg0: i32) -> (i32, i32) {
    %c0_i32 = arith.constant 0 : i32
    %c0_i32_0 = arith.constant 0 : i32
    %c0_i32_1 = arith.constant 0 : i32
    return %c0_i32, %c0_i32_0 : i32, i32
  }
  func.func @transform_3(%arg0: i32) -> (i32, i32) {
    %c0_i32 = arith.constant 0 : i32
    %c0_i32_0 = arith.constant 0 : i32
    %c0_i32_1 = arith.constant 0 : i32
    return %c0_i32, %c0_i32_0 : i32, i32
  }
  func.func @transform_4(%arg0: i32) -> (i32, i32) {
    %c0_i32 = arith.constant 0 : i32
    %c0_i32_0 = arith.constant 0 : i32
    %c0_i32_1 = arith.constant 0 : i32
    return %c0_i32, %c0_i32_0 : i32, i32
  }
  func.func @transform_5(%arg0: i32) -> (i32, i32) {
    %c0_i32 = arith.constant 0 : i32
    %c0_i32_0 = arith.constant 0 : i32
    %c0_i32_1 = arith.constant 0 : i32
    return %c0_i32, %c0_i32_0 : i32, i32
  }
  func.func @transform_6(%arg0: i32) -> (i32, i32) {
    %c0_i32 = arith.constant 0 : i32
    %c0_i32_0 = arith.constant 0 : i32
    %c0_i32_1 = arith.constant 0 : i32
    return %c0_i32, %c0_i32_0 : i32, i32
  }
  func.func @transform_7(%arg0: i32) -> (i32, i32) {
    %c0_i32 = arith.constant 0 : i32
    %c0_i32_0 = arith.constant 0 : i32
    %c0_i32_1 = arith.constant 0 : i32
    return %c0_i32, %c0_i32_0 : i32, i32
  }
  func.func @transform_8(%arg0: i32) -> (i32, i32) {
    %c0_i32 = arith.constant 0 : i32
    %c0_i32_0 = arith.constant 0 : i32
    return %arg0, %c0_i32 : i32, i32
  }
  func.func @transform_9(%arg0: i32) -> (i32, i32) {
    %c0_i32 = arith.constant 0 : i32
    %c0_i32_0 = arith.constant 0 : i32
    return %arg0, %c0_i32 : i32, i32
  }
}

module attributes {stable_mosaic.version = 14 : i64} {
  func.func @body(%arg0: i32, %arg1: memref<1024x384xf32, #tpu.memory_space<vmem>>, %arg2: memref<1024x640xf32, #tpu.memory_space<vmem>>, %arg3: memref<16x16xf32, #tpu.memory_space<vmem>>, %arg4: memref<1x16xf32, #tpu.memory_space<vmem>>, %arg5: memref<16x256xf32, #tpu.memory_space<vmem>>, %arg6: memref<1x256xf32, #tpu.memory_space<vmem>>, %arg7: memref<16x256xf32, #tpu.memory_space<vmem>>, %arg8: memref<1x256xf32, #tpu.memory_space<vmem>>, %arg9: memref<1024x128xf32, #tpu.memory_space<vmem>>, %arg10: memref<1024x256xf32, #tpu.memory_space<vmem>>) attributes {dimension_semantics = [#tpu.dimension_semantics<arbitrary>], iteration_bounds = array<i64: 160>, scalar_prefetch = 0 : i64, scratch_operands = 0 : i64, tpu.core_type = #tpu.core_type<tc>, window_params = [{transform_indices = @transform_0, window_bounds = array<i64: 1024, 384>}, {transform_indices = @transform_1, window_bounds = array<i64: 1024, 640>}, {pipeline_mode = #tpu.pipeline_mode<synchronous>, transform_indices = @transform_2, window_bounds = array<i64: 16, 16>}, {pipeline_mode = #tpu.pipeline_mode<synchronous>, transform_indices = @transform_3, window_bounds = array<i64: 1, 16>}, {pipeline_mode = #tpu.pipeline_mode<synchronous>, transform_indices = @transform_4, window_bounds = array<i64: 16, 256>}, {pipeline_mode = #tpu.pipeline_mode<synchronous>, transform_indices = @transform_5, window_bounds = array<i64: 1, 256>}, {pipeline_mode = #tpu.pipeline_mode<synchronous>, transform_indices = @transform_6, window_bounds = array<i64: 16, 256>}, {pipeline_mode = #tpu.pipeline_mode<synchronous>, transform_indices = @transform_7, window_bounds = array<i64: 1, 256>}, {transform_indices = @transform_8, window_bounds = array<i64: 1024, 128>}, {transform_indices = @transform_9, window_bounds = array<i64: 1024, 256>}]} {
    %get3A = arith.constant 0 : index
    %get3A_0 = arith.constant 0 : index
    %get3A_1 = vector.load %arg1[%get3A, %get3A_0] : memref<1024x384xf32, #tpu.memory_space<vmem>>, vector<1024x384xf32>
    %get3A_2 = arith.constant 0 : index
    %get3A_3 = arith.constant 0 : index
    %get3A_4 = vector.load %arg2[%get3A_2, %get3A_3] : memref<1024x640xf32, #tpu.memory_space<vmem>>, vector<1024x640xf32>
    %slice3A = vector.extract_strided_slice %get3A_1 {offsets = [0, 0], sizes = [1024, 256], strides = [1, 1]} : vector<1024x384xf32> to vector<1024x256xf32>
    %slice3A_5 = vector.extract_strided_slice %get3A_4 {offsets = [0, 0], sizes = [1024, 256], strides = [1, 1]} : vector<1024x640xf32> to vector<1024x256xf32>
    %slice3A_6 = vector.extract_strided_slice %get3A_1 {offsets = [0, 256], sizes = [1024, 128], strides = [1, 1]} : vector<1024x384xf32> to vector<1024x128xf32>
    %slice3A_7 = vector.extract_strided_slice %get3A_4 {offsets = [0, 512], sizes = [1024, 128], strides = [1, 1]} : vector<1024x640xf32> to vector<1024x128xf32>
    %sub3A = arith.subf %slice3A_6, %slice3A_7 : vector<1024x128xf32>
    %mul3A = arith.mulf %sub3A, %sub3A : vector<1024x128xf32>
    %reduce_sum3A = arith.constant dense<0.000000e+00> : vector<1024xf32>
    %reduce_sum3A_8 = vector.multi_reduction <add>, %mul3A, %reduce_sum3A [1] : vector<1024x128xf32> to vector<1024xf32>
    %broadcast_in_dim3A = vector.shape_cast %reduce_sum3A_8 : vector<1024xf32> to vector<1024x1xf32>
    %add3A = arith.constant 9.99999996E-13 : f32
    %add3A_9 = vector.broadcast %add3A : f32 to vector<1024x1xf32>
    %add3A_10 = arith.addf %broadcast_in_dim3A, %add3A_9 : vector<1024x1xf32>
    %sqrt3A = math.sqrt %add3A_10 : vector<1024x1xf32>
    %iota3A = tpu.iota {dimensions = array<i32: 1>} : vector<1x16xi32>
    %convert_element_type3A = arith.sitofp %iota3A : vector<1x16xi32> to vector<1x16xf32>
    %sub3A_11 = vector.broadcast %sqrt3A : vector<1024x1xf32> to vector<1024x16xf32>
    %sub3A_12 = vector.broadcast %convert_element_type3A : vector<1x16xf32> to vector<1024x16xf32>
    %sub3A_13 = arith.subf %sub3A_11, %sub3A_12 : vector<1024x16xf32>
    %mul3A_14 = arith.constant -5.000000e-01 : f32
    %mul3A_15 = vector.broadcast %mul3A_14 : f32 to vector<1024x16xf32>
    %mul3A_16 = arith.mulf %mul3A_15, %sub3A_13 : vector<1024x16xf32>
    %mul3A_17 = arith.mulf %mul3A_16, %sub3A_13 : vector<1024x16xf32>
    %exp3A = math.exp %mul3A_17 : vector<1024x16xf32>
    %get3A_18 = arith.constant 0 : index
    %get3A_19 = arith.constant 0 : index
    %get3A_20 = vector.load %arg3[%get3A_18, %get3A_19] : memref<16x16xf32, #tpu.memory_space<vmem>>, vector<16x16xf32>
    %dot_general3A = arith.constant dense<0.000000e+00> : vector<1024x16xf32>
    %dot_general3A_21 = tpu.matmul %exp3A, %get3A_20, %dot_general3A {dimension_numbers = #tpu.dot_dimension_numbers<[1], [0], [0], [1], [0, 0, 1, 1], [], []>, transpose_lhs_hint = false} : vector<1024x16xf32>, vector<16x16xf32>, vector<1024x16xf32> -> vector<1024x16xf32>
    %get3A_22 = arith.constant 0 : index
    %get3A_23 = arith.constant 0 : index
    %get3A_24 = vector.load %arg4[%get3A_22, %get3A_23] : memref<1x16xf32, #tpu.memory_space<vmem>>, vector<1x16xf32>
    %add3A_25 = vector.broadcast %get3A_24 : vector<1x16xf32> to vector<1024x16xf32>
    %add3A_26 = arith.addf %dot_general3A_21, %add3A_25 : vector<1024x16xf32>
    %reduce_sum3A_27 = arith.constant dense<0.000000e+00> : vector<1024xf32>
    %reduce_sum3A_28 = vector.multi_reduction <add>, %add3A_26, %reduce_sum3A_27 [1] : vector<1024x16xf32> to vector<1024xf32>
    %broadcast_in_dim3A_29 = vector.shape_cast %reduce_sum3A_28 : vector<1024xf32> to vector<1024x1xf32>
    %div3A = arith.constant 1.600000e+01 : f32
    %div3A_30 = vector.broadcast %div3A : f32 to vector<1024x1xf32>
    %div3A_31 = arith.divf %broadcast_in_dim3A_29, %div3A_30 : vector<1024x1xf32>
    %sub3A_32 = vector.broadcast %div3A_31 : vector<1024x1xf32> to vector<1024x16xf32>
    %sub3A_33 = arith.subf %add3A_26, %sub3A_32 : vector<1024x16xf32>
    %mul3A_34 = arith.mulf %sub3A_33, %sub3A_33 : vector<1024x16xf32>
    %reduce_sum3A_35 = arith.constant dense<0.000000e+00> : vector<1024xf32>
    %reduce_sum3A_36 = vector.multi_reduction <add>, %mul3A_34, %reduce_sum3A_35 [1] : vector<1024x16xf32> to vector<1024xf32>
    %broadcast_in_dim3A_37 = vector.shape_cast %reduce_sum3A_36 : vector<1024xf32> to vector<1024x1xf32>
    %div3A_38 = arith.constant 1.600000e+01 : f32
    %div3A_39 = vector.broadcast %div3A_38 : f32 to vector<1024x1xf32>
    %div3A_40 = arith.divf %broadcast_in_dim3A_37, %div3A_39 : vector<1024x1xf32>
    %add3A_41 = arith.constant 9.99999997E-7 : f32
    %add3A_42 = vector.broadcast %add3A_41 : f32 to vector<1024x1xf32>
    %add3A_43 = arith.addf %div3A_40, %add3A_42 : vector<1024x1xf32>
    %rsqrt3A = math.rsqrt %add3A_43 : vector<1024x1xf32>
    %mul3A_44 = vector.broadcast %rsqrt3A : vector<1024x1xf32> to vector<1024x16xf32>
    %mul3A_45 = arith.mulf %sub3A_33, %mul3A_44 : vector<1024x16xf32>
    %get3A_46 = arith.constant 0 : index
    %get3A_47 = arith.constant 0 : index
    %get3A_48 = vector.load %arg5[%get3A_46, %get3A_47] : memref<16x256xf32, #tpu.memory_space<vmem>>, vector<16x256xf32>
    %dot_general3A_49 = arith.constant dense<0.000000e+00> : vector<1024x256xf32>
    %dot_general3A_50 = tpu.matmul %mul3A_45, %get3A_48, %dot_general3A_49 {dimension_numbers = #tpu.dot_dimension_numbers<[1], [0], [0], [1], [0, 0, 1, 1], [], []>, transpose_lhs_hint = false} : vector<1024x16xf32>, vector<16x256xf32>, vector<1024x256xf32> -> vector<1024x256xf32>
    %get3A_51 = arith.constant 0 : index
    %get3A_52 = arith.constant 0 : index
    %get3A_53 = vector.load %arg6[%get3A_51, %get3A_52] : memref<1x256xf32, #tpu.memory_space<vmem>>, vector<1x256xf32>
    %add3A_54 = vector.broadcast %get3A_53 : vector<1x256xf32> to vector<1024x256xf32>
    %add3A_55 = arith.addf %dot_general3A_50, %add3A_54 : vector<1024x256xf32>
    %get3A_56 = arith.constant 0 : index
    %get3A_57 = arith.constant 0 : index
    %get3A_58 = vector.load %arg7[%get3A_56, %get3A_57] : memref<16x256xf32, #tpu.memory_space<vmem>>, vector<16x256xf32>
    %dot_general3A_59 = arith.constant dense<0.000000e+00> : vector<1024x256xf32>
    %dot_general3A_60 = tpu.matmul %mul3A_45, %get3A_58, %dot_general3A_59 {dimension_numbers = #tpu.dot_dimension_numbers<[1], [0], [0], [1], [0, 0, 1, 1], [], []>, transpose_lhs_hint = false} : vector<1024x16xf32>, vector<16x256xf32>, vector<1024x256xf32> -> vector<1024x256xf32>
    %get3A_61 = arith.constant 0 : index
    %get3A_62 = arith.constant 0 : index
    %get3A_63 = vector.load %arg8[%get3A_61, %get3A_62] : memref<1x256xf32, #tpu.memory_space<vmem>>, vector<1x256xf32>
    %add3A_64 = vector.broadcast %get3A_63 : vector<1x256xf32> to vector<1024x256xf32>
    %add3A_65 = arith.addf %dot_general3A_60, %add3A_64 : vector<1024x256xf32>
    %swap3A = arith.constant 0 : index
    %swap3A_66 = arith.constant 0 : index
    %swap3A_67 = vector.load %arg10[%swap3A, %swap3A_66] : memref<1024x256xf32, #tpu.memory_space<vmem>>, vector<1024x256xf32>
    tpu.vector_store %arg10[%swap3A, %swap3A_66], %add3A_65 {strides = array<i32>} : memref<1024x256xf32, #tpu.memory_space<vmem>>, vector<1024x256xf32>,
    %mul3A_68 = arith.mulf %slice3A, %slice3A_5 : vector<1024x256xf32>
    %mul3A_69 = arith.mulf %mul3A_68, %add3A_55 : vector<1024x256xf32>
    %iota3A_70 = tpu.iota {dimensions = array<i32: 0>} : vector<256x8xi32>
    %jit3A = arith.constant 32 : i32
    %div3A_71 = vector.broadcast %jit3A : i32 to vector<256x8xi32>
    %div3A_72 = arith.divsi %iota3A_70, %div3A_71 : vector<256x8xi32>
    %sign3A = arith.constant 0 : i32
    %sign3A_73 = vector.broadcast %sign3A : i32 to vector<256x8xi32>
    %sign3A_74 = arith.cmpi sgt, %iota3A_70, %sign3A_73 : vector<256x8xi32>
    %sign3A_75 = arith.extui %sign3A_74 : vector<256x8xi1> to vector<256x8xi32>
    %sign3A_76 = arith.constant 0 : i32
    %sign3A_77 = vector.broadcast %sign3A_76 : i32 to vector<256x8xi32>
    %sign3A_78 = arith.cmpi slt, %iota3A_70, %sign3A_77 : vector<256x8xi32>
    %sign3A_79 = arith.extui %sign3A_78 : vector<256x8xi1> to vector<256x8xi32>
    %sign3A_80 = arith.subi %sign3A_75, %sign3A_79 : vector<256x8xi32>
    %sign3A_81 = arith.constant 0 : i32
    %sign3A_82 = arith.cmpi sgt, %jit3A, %sign3A_81 : i32
    %sign3A_83 = arith.extui %sign3A_82 : i1 to i32
    %sign3A_84 = arith.constant 0 : i32
    %sign3A_85 = arith.cmpi slt, %jit3A, %sign3A_84 : i32
    %sign3A_86 = arith.extui %sign3A_85 : i1 to i32
    %sign3A_87 = arith.subi %sign3A_83, %sign3A_86 : i32
    %ne3A = vector.broadcast %sign3A_87 : i32 to vector<256x8xi32>
    %ne3A_88 = arith.cmpi ne, %sign3A_80, %ne3A : vector<256x8xi32>
    %rem3A = vector.broadcast %jit3A : i32 to vector<256x8xi32>
    %rem3A_89 = arith.remsi %iota3A_70, %rem3A : vector<256x8xi32>
    %ne3A_90 = arith.constant 0 : i32
    %ne3A_91 = vector.broadcast %ne3A_90 : i32 to vector<256x8xi32>
    %ne3A_92 = arith.cmpi ne, %rem3A_89, %ne3A_91 : vector<256x8xi32>
    %and3A = arith.andi %ne3A_88, %ne3A_92 : vector<256x8xi1>
    %sub3A_93 = arith.constant 1 : i32
    %sub3A_94 = vector.broadcast %sub3A_93 : i32 to vector<256x8xi32>
    %sub3A_95 = arith.subi %div3A_72, %sub3A_94 : vector<256x8xi32>
    %select_n3A = arith.select %and3A, %sub3A_95, %div3A_72 : vector<256x8xi1>, vector<256x8xi32>
    %iota3A_96 = tpu.iota {dimensions = array<i32: 1>} : vector<256x8xi32>
    %eq3A = arith.cmpi eq, %select_n3A, %iota3A_96 : vector<256x8xi32>
    %convert_element_type3A_97 = arith.extui %eq3A : vector<256x8xi1> to vector<256x8xi32>
    %convert_element_type3A_98 = arith.sitofp %convert_element_type3A_97 : vector<256x8xi32> to vector<256x8xf32>
    %dot_general3A_99 = arith.constant dense<0.000000e+00> : vector<1024x8xf32>
    %dot_general3A_100 = tpu.matmul %mul3A_69, %convert_element_type3A_98, %dot_general3A_99 {dimension_numbers = #tpu.dot_dimension_numbers<[1], [0], [0], [1], [0, 0, 1, 1], [], []>, transpose_lhs_hint = false} : vector<1024x256xf32>, vector<256x8xf32>, vector<1024x8xf32> -> vector<1024x8xf32>
    %mul3A_101 = arith.constant 0.176776692 : f32
    %mul3A_102 = vector.broadcast %mul3A_101 : f32 to vector<1024x8xf32>
    %mul3A_103 = arith.mulf %dot_general3A_100, %mul3A_102 : vector<1024x8xf32>
    %exp3A_104 = math.exp %mul3A_103 : vector<1024x8xf32>
    %mul3A_105 = arith.constant 1024 : i32
    %mul3A_106 = arith.muli %arg0, %mul3A_105 : i32
    %iota3A_107 = tpu.iota {dimensions = array<i32: 0>} : vector<1024x1xi32>
    %add3A_108 = vector.broadcast %mul3A_106 : i32 to vector<1024x1xi32>
    %add3A_109 = arith.addi %add3A_108, %iota3A_107 : vector<1024x1xi32>
    %lt3A = arith.constant 160000 : i32
    %lt3A_110 = vector.broadcast %lt3A : i32 to vector<1024x1xi32>
    %lt3A_111 = arith.cmpi slt, %add3A_109, %lt3A_110 : vector<1024x1xi32>
    %jit3A_112 = arith.constant 0.000000e+00 : f32
    %broadcast_in_dim3A_113 = vector.shape_cast %lt3A_111 : vector<1024x1xi1> to vector<1024x1xi1>
    %broadcast_in_dim3A_114 = vector.broadcast %broadcast_in_dim3A_113 : vector<1024x1xi1> to vector<1024x8xi1>
    %broadcast_in_dim3A_115 = vector.broadcast %jit3A_112 : f32 to vector<1024x8xf32>
    %select_n3A_116 = arith.select %broadcast_in_dim3A_114, %exp3A_104, %broadcast_in_dim3A_115 : vector<1024x8xi1>, vector<1024x8xf32>
    %broadcast_in_dim3A_117 = arith.constant 0.000000e+00 : f32
    %broadcast_in_dim3A_118 = vector.broadcast %broadcast_in_dim3A_117 : f32 to vector<1024x120xf32>
    %concatenate3A = tpu.concatenate %select_n3A_116, %broadcast_in_dim3A_118 in 1 : vector<1024x8xf32>, vector<1024x120xf32> -> vector<1024x128xf32>
    %swap3A_119 = arith.constant 0 : index
    %swap3A_120 = arith.constant 0 : index
    %swap3A_121 = vector.load %arg9[%swap3A_119, %swap3A_120] : memref<1024x128xf32, #tpu.memory_space<vmem>>, vector<1024x128xf32>
    tpu.vector_store %arg9[%swap3A_119, %swap3A_120], %concatenate3A {strides = array<i32>} : memref<1024x128xf32, #tpu.memory_space<vmem>>, vector<1024x128xf32>,
    return
  }
  func.func @transform_0(%arg0: i32) -> (i32, i32) {
    %c0_i32 = arith.constant 0 : i32
    %c0_i32_0 = arith.constant 0 : i32
    return %arg0, %c0_i32 : i32, i32
  }
  func.func @transform_1(%arg0: i32) -> (i32, i32) {
    %c0_i32 = arith.constant 0 : i32
    %c0_i32_0 = arith.constant 0 : i32
    return %arg0, %c0_i32 : i32, i32
  }
  func.func @transform_2(%arg0: i32) -> (i32, i32) {
    %c0_i32 = arith.constant 0 : i32
    %c0_i32_0 = arith.constant 0 : i32
    %c0_i32_1 = arith.constant 0 : i32
    return %c0_i32, %c0_i32_0 : i32, i32
  }
  func.func @transform_3(%arg0: i32) -> (i32, i32) {
    %c0_i32 = arith.constant 0 : i32
    %c0_i32_0 = arith.constant 0 : i32
    %c0_i32_1 = arith.constant 0 : i32
    return %c0_i32, %c0_i32_0 : i32, i32
  }
  func.func @transform_4(%arg0: i32) -> (i32, i32) {
    %c0_i32 = arith.constant 0 : i32
    %c0_i32_0 = arith.constant 0 : i32
    %c0_i32_1 = arith.constant 0 : i32
    return %c0_i32, %c0_i32_0 : i32, i32
  }
  func.func @transform_5(%arg0: i32) -> (i32, i32) {
    %c0_i32 = arith.constant 0 : i32
    %c0_i32_0 = arith.constant 0 : i32
    %c0_i32_1 = arith.constant 0 : i32
    return %c0_i32, %c0_i32_0 : i32, i32
  }
  func.func @transform_6(%arg0: i32) -> (i32, i32) {
    %c0_i32 = arith.constant 0 : i32
    %c0_i32_0 = arith.constant 0 : i32
    %c0_i32_1 = arith.constant 0 : i32
    return %c0_i32, %c0_i32_0 : i32, i32
  }
  func.func @transform_7(%arg0: i32) -> (i32, i32) {
    %c0_i32 = arith.constant 0 : i32
    %c0_i32_0 = arith.constant 0 : i32
    %c0_i32_1 = arith.constant 0 : i32
    return %c0_i32, %c0_i32_0 : i32, i32
  }
  func.func @transform_8(%arg0: i32) -> (i32, i32) {
    %c0_i32 = arith.constant 0 : i32
    %c0_i32_0 = arith.constant 0 : i32
    return %arg0, %c0_i32 : i32, i32
  }
  func.func @transform_9(%arg0: i32) -> (i32, i32) {
    %c0_i32 = arith.constant 0 : i32
    %c0_i32_0 = arith.constant 0 : i32
    return %arg0, %c0_i32 : i32, i32
  }
}

module attributes {stable_mosaic.version = 14 : i64} {
  func.func @body(%arg0: i32, %arg1: memref<1024x128xf32, #tpu.memory_space<vmem>>, %arg2: memref<1024x128xf32, #tpu.memory_space<vmem>>, %arg3: memref<1024x128xf32, #tpu.memory_space<vmem>>, %arg4: memref<1024x128xf32, #tpu.memory_space<vmem>>, %arg5: memref<1024x256xf32, #tpu.memory_space<vmem>>, %arg6: memref<1024x256xf32, #tpu.memory_space<vmem>>) attributes {dimension_semantics = [#tpu.dimension_semantics<arbitrary>], iteration_bounds = array<i64: 160>, scalar_prefetch = 0 : i64, scratch_operands = 0 : i64, tpu.core_type = #tpu.core_type<tc>, window_params = [{transform_indices = @transform_0, window_bounds = array<i64: 1024, 128>}, {transform_indices = @transform_1, window_bounds = array<i64: 1024, 128>}, {transform_indices = @transform_2, window_bounds = array<i64: 1024, 128>}, {transform_indices = @transform_3, window_bounds = array<i64: 1024, 128>}, {transform_indices = @transform_4, window_bounds = array<i64: 1024, 256>}, {transform_indices = @transform_5, window_bounds = array<i64: 1024, 256>}]} {
    %get3A = arith.constant 0 : index
    %get3A_0 = arith.constant 0 : index
    %get3A_1 = vector.load %arg1[%get3A, %get3A_0] : memref<1024x128xf32, #tpu.memory_space<vmem>>, vector<1024x128xf32>
    %slice3A = vector.extract_strided_slice %get3A_1 {offsets = [0, 0], sizes = [1024, 8], strides = [1, 1]} : vector<1024x128xf32> to vector<1024x8xf32>
    %get3A_2 = arith.constant 0 : index
    %get3A_3 = arith.constant 0 : index
    %get3A_4 = vector.load %arg2[%get3A_2, %get3A_3] : memref<1024x128xf32, #tpu.memory_space<vmem>>, vector<1024x128xf32>
    %slice3A_5 = vector.extract_strided_slice %get3A_4 {offsets = [0, 0], sizes = [1024, 8], strides = [1, 1]} : vector<1024x128xf32> to vector<1024x8xf32>
    %add3A = arith.constant 1.000000e-16 : f32
    %add3A_6 = vector.broadcast %add3A : f32 to vector<1024x8xf32>
    %add3A_7 = arith.addf %slice3A_5, %add3A_6 : vector<1024x8xf32>
    %div3A = arith.divf %slice3A, %add3A_7 : vector<1024x8xf32>
    %iota3A = tpu.iota {dimensions = array<i32: 0>} : vector<8x256xi32>
    %iota3A_8 = tpu.iota {dimensions = array<i32: 1>} : vector<8x256xi32>
    %jit3A = arith.constant 32 : i32
    %div3A_9 = vector.broadcast %jit3A : i32 to vector<8x256xi32>
    %div3A_10 = arith.divsi %iota3A_8, %div3A_9 : vector<8x256xi32>
    %sign3A = arith.constant 0 : i32
    %sign3A_11 = vector.broadcast %sign3A : i32 to vector<8x256xi32>
    %sign3A_12 = arith.cmpi sgt, %iota3A_8, %sign3A_11 : vector<8x256xi32>
    %sign3A_13 = arith.extui %sign3A_12 : vector<8x256xi1> to vector<8x256xi32>
    %sign3A_14 = arith.constant 0 : i32
    %sign3A_15 = vector.broadcast %sign3A_14 : i32 to vector<8x256xi32>
    %sign3A_16 = arith.cmpi slt, %iota3A_8, %sign3A_15 : vector<8x256xi32>
    %sign3A_17 = arith.extui %sign3A_16 : vector<8x256xi1> to vector<8x256xi32>
    %sign3A_18 = arith.subi %sign3A_13, %sign3A_17 : vector<8x256xi32>
    %sign3A_19 = arith.constant 0 : i32
    %sign3A_20 = arith.cmpi sgt, %jit3A, %sign3A_19 : i32
    %sign3A_21 = arith.extui %sign3A_20 : i1 to i32
    %sign3A_22 = arith.constant 0 : i32
    %sign3A_23 = arith.cmpi slt, %jit3A, %sign3A_22 : i32
    %sign3A_24 = arith.extui %sign3A_23 : i1 to i32
    %sign3A_25 = arith.subi %sign3A_21, %sign3A_24 : i32
    %ne3A = vector.broadcast %sign3A_25 : i32 to vector<8x256xi32>
    %ne3A_26 = arith.cmpi ne, %sign3A_18, %ne3A : vector<8x256xi32>
    %rem3A = vector.broadcast %jit3A : i32 to vector<8x256xi32>
    %rem3A_27 = arith.remsi %iota3A_8, %rem3A : vector<8x256xi32>
    %ne3A_28 = arith.constant 0 : i32
    %ne3A_29 = vector.broadcast %ne3A_28 : i32 to vector<8x256xi32>
    %ne3A_30 = arith.cmpi ne, %rem3A_27, %ne3A_29 : vector<8x256xi32>
    %and3A = arith.andi %ne3A_26, %ne3A_30 : vector<8x256xi1>
    %sub3A = arith.constant 1 : i32
    %sub3A_31 = vector.broadcast %sub3A : i32 to vector<8x256xi32>
    %sub3A_32 = arith.subi %div3A_10, %sub3A_31 : vector<8x256xi32>
    %select_n3A = arith.select %and3A, %sub3A_32, %div3A_10 : vector<8x256xi1>, vector<8x256xi32>
    %eq3A = arith.cmpi eq, %iota3A, %select_n3A : vector<8x256xi32>
    %convert_element_type3A = arith.extui %eq3A : vector<8x256xi1> to vector<8x256xi32>
    %convert_element_type3A_33 = arith.sitofp %convert_element_type3A : vector<8x256xi32> to vector<8x256xf32>
    %dot_general3A = arith.constant dense<0.000000e+00> : vector<1024x256xf32>
    %dot_general3A_34 = tpu.matmul %div3A, %convert_element_type3A_33, %dot_general3A {dimension_numbers = #tpu.dot_dimension_numbers<[1], [0], [0], [1], [0, 0, 1, 1], [], []>, transpose_lhs_hint = false} : vector<1024x8xf32>, vector<8x256xf32>, vector<1024x256xf32> -> vector<1024x256xf32>
    %get3A_35 = arith.constant 0 : index
    %get3A_36 = arith.constant 0 : index
    %get3A_37 = vector.load %arg3[%get3A_35, %get3A_36] : memref<1024x128xf32, #tpu.memory_space<vmem>>, vector<1024x128xf32>
    %get3A_38 = arith.constant 0 : index
    %get3A_39 = arith.constant 0 : index
    %get3A_40 = vector.load %arg4[%get3A_38, %get3A_39] : memref<1024x128xf32, #tpu.memory_space<vmem>>, vector<1024x128xf32>
    %concatenate3A = tpu.concatenate %get3A_37, %get3A_40 in 1 : vector<1024x128xf32>, vector<1024x128xf32> -> vector<1024x256xf32>
    %mul3A = arith.constant 1024 : i32
    %mul3A_41 = arith.muli %arg0, %mul3A : i32
    %iota3A_42 = tpu.iota {dimensions = array<i32: 0>} : vector<1024x1xi32>
    %add3A_43 = vector.broadcast %mul3A_41 : i32 to vector<1024x1xi32>
    %add3A_44 = arith.addi %add3A_43, %iota3A_42 : vector<1024x1xi32>
    %lt3A = arith.constant 160000 : i32
    %lt3A_45 = vector.broadcast %lt3A : i32 to vector<1024x1xi32>
    %lt3A_46 = arith.cmpi slt, %add3A_44, %lt3A_45 : vector<1024x1xi32>
    %convert_element_type3A_47 = arith.extui %lt3A_46 : vector<1024x1xi1> to vector<1024x1xi32>
    %convert_element_type3A_48 = arith.sitofp %convert_element_type3A_47 : vector<1024x1xi32> to vector<1024x1xf32>
    %get3A_49 = arith.constant 0 : index
    %get3A_50 = arith.constant 0 : index
    %get3A_51 = vector.load %arg5[%get3A_49, %get3A_50] : memref<1024x256xf32, #tpu.memory_space<vmem>>, vector<1024x256xf32>
    %mul3A_52 = arith.mulf %concatenate3A, %get3A_51 : vector<1024x256xf32>
    %mul3A_53 = arith.mulf %mul3A_52, %dot_general3A_34 : vector<1024x256xf32>
    %mul3A_54 = vector.broadcast %convert_element_type3A_48 : vector<1024x1xf32> to vector<1024x256xf32>
    %mul3A_55 = arith.mulf %mul3A_53, %mul3A_54 : vector<1024x256xf32>
    %swap3A = arith.constant 0 : index
    %swap3A_56 = arith.constant 0 : index
    %swap3A_57 = vector.load %arg6[%swap3A, %swap3A_56] : memref<1024x256xf32, #tpu.memory_space<vmem>>, vector<1024x256xf32>
    tpu.vector_store %arg6[%swap3A, %swap3A_56], %mul3A_55 {strides = array<i32>} : memref<1024x256xf32, #tpu.memory_space<vmem>>, vector<1024x256xf32>,
    return
  }
  func.func @transform_0(%arg0: i32) -> (i32, i32) {
    %c0_i32 = arith.constant 0 : i32
    %c0_i32_0 = arith.constant 0 : i32
    return %arg0, %c0_i32 : i32, i32
  }
  func.func @transform_1(%arg0: i32) -> (i32, i32) {
    %c0_i32 = arith.constant 0 : i32
    %c0_i32_0 = arith.constant 0 : i32
    return %arg0, %c0_i32 : i32, i32
  }
  func.func @transform_2(%arg0: i32) -> (i32, i32) {
    %c2_i32 = arith.constant 2 : i32
    %c0_i32 = arith.constant 0 : i32
    return %arg0, %c2_i32 : i32, i32
  }
  func.func @transform_3(%arg0: i32) -> (i32, i32) {
    %c3_i32 = arith.constant 3 : i32
    %c0_i32 = arith.constant 0 : i32
    return %arg0, %c3_i32 : i32, i32
  }
  func.func @transform_4(%arg0: i32) -> (i32, i32) {
    %c0_i32 = arith.constant 0 : i32
    %c0_i32_0 = arith.constant 0 : i32
    return %arg0, %c0_i32 : i32, i32
  }
  func.func @transform_5(%arg0: i32) -> (i32, i32) {
    %c0_i32 = arith.constant 0 : i32
    %c0_i32_0 = arith.constant 0 : i32
    return %arg0, %c0_i32 : i32, i32
  }
}

module attributes {stable_mosaic.version = 14 : i64} {
  func.func @body(%arg0: i32, %arg1: memref<400x256xf32, #tpu.memory_space<vmem>>, %arg2: memref<400x256xf32, #tpu.memory_space<vmem>>, %arg3: memref<256x512xf32, #tpu.memory_space<vmem>>, %arg4: memref<1x512xf32, #tpu.memory_space<vmem>>, %arg5: memref<512x256xf32, #tpu.memory_space<vmem>>, %arg6: memref<1x256xf32, #tpu.memory_space<vmem>>, %arg7: memref<400x256xf32, #tpu.memory_space<vmem>>) attributes {dimension_semantics = [#tpu.dimension_semantics<arbitrary>], iteration_bounds = array<i64: 25>, scalar_prefetch = 0 : i64, scratch_operands = 0 : i64, tpu.core_type = #tpu.core_type<tc>, window_params = [{transform_indices = @transform_0, window_bounds = array<i64: 400, 256>}, {transform_indices = @transform_1, window_bounds = array<i64: 400, 256>}, {pipeline_mode = #tpu.pipeline_mode<synchronous>, transform_indices = @transform_2, window_bounds = array<i64: 256, 512>}, {pipeline_mode = #tpu.pipeline_mode<synchronous>, transform_indices = @transform_3, window_bounds = array<i64: 1, 512>}, {pipeline_mode = #tpu.pipeline_mode<synchronous>, transform_indices = @transform_4, window_bounds = array<i64: 512, 256>}, {pipeline_mode = #tpu.pipeline_mode<synchronous>, transform_indices = @transform_5, window_bounds = array<i64: 1, 256>}, {transform_indices = @transform_6, window_bounds = array<i64: 400, 256>}]} {
    %get3A = arith.constant 0 : index
    %get3A_0 = arith.constant 0 : index
    %get3A_1 = vector.load %arg2[%get3A, %get3A_0] : memref<400x256xf32, #tpu.memory_space<vmem>>, vector<400x256xf32>
    %get3A_2 = arith.constant 0 : index
    %get3A_3 = arith.constant 0 : index
    %get3A_4 = vector.load %arg3[%get3A_2, %get3A_3] : memref<256x512xf32, #tpu.memory_space<vmem>>, vector<256x512xf32>
    %dot_general3A = arith.constant dense<0.000000e+00> : vector<400x512xf32>
    %dot_general3A_5 = tpu.matmul %get3A_1, %get3A_4, %dot_general3A {dimension_numbers = #tpu.dot_dimension_numbers<[1], [0], [0], [1], [0, 0, 1, 1], [], []>, transpose_lhs_hint = false} : vector<400x256xf32>, vector<256x512xf32>, vector<400x512xf32> -> vector<400x512xf32>
    %get3A_6 = arith.constant 0 : index
    %get3A_7 = arith.constant 0 : index
    %get3A_8 = vector.load %arg4[%get3A_6, %get3A_7] : memref<1x512xf32, #tpu.memory_space<vmem>>, vector<1x512xf32>
    %add3A = vector.broadcast %get3A_8 : vector<1x512xf32> to vector<400x512xf32>
    %add3A_9 = arith.addf %dot_general3A_5, %add3A : vector<400x512xf32>
    %neg3A = arith.constant 0.000000e+00 : f32
    %neg3A_10 = vector.broadcast %neg3A : f32 to vector<400x512xf32>
    %neg3A_11 = arith.subf %neg3A_10, %add3A_9 : vector<400x512xf32>
    %exp3A = math.exp %neg3A_11 : vector<400x512xf32>
    %add3A_12 = arith.constant 1.000000e+00 : f32
    %add3A_13 = vector.broadcast %add3A_12 : f32 to vector<400x512xf32>
    %add3A_14 = arith.addf %add3A_13, %exp3A : vector<400x512xf32>
    %div3A = arith.constant 1.000000e+00 : f32
    %div3A_15 = vector.broadcast %div3A : f32 to vector<400x512xf32>
    %div3A_16 = arith.divf %div3A_15, %add3A_14 : vector<400x512xf32>
    %mul3A = arith.mulf %add3A_9, %div3A_16 : vector<400x512xf32>
    %get3A_17 = arith.constant 0 : index
    %get3A_18 = arith.constant 0 : index
    %get3A_19 = vector.load %arg1[%get3A_17, %get3A_18] : memref<400x256xf32, #tpu.memory_space<vmem>>, vector<400x256xf32>
    %get3A_20 = arith.constant 0 : index
    %get3A_21 = arith.constant 0 : index
    %get3A_22 = vector.load %arg5[%get3A_20, %get3A_21] : memref<512x256xf32, #tpu.memory_space<vmem>>, vector<512x256xf32>
    %dot_general3A_23 = arith.constant dense<0.000000e+00> : vector<400x256xf32>
    %dot_general3A_24 = tpu.matmul %mul3A, %get3A_22, %dot_general3A_23 {dimension_numbers = #tpu.dot_dimension_numbers<[1], [0], [0], [1], [0, 0, 1, 1], [], []>, transpose_lhs_hint = false} : vector<400x512xf32>, vector<512x256xf32>, vector<400x256xf32> -> vector<400x256xf32>
    %add3A_25 = arith.addf %get3A_19, %dot_general3A_24 : vector<400x256xf32>
    %get3A_26 = arith.constant 0 : index
    %get3A_27 = arith.constant 0 : index
    %get3A_28 = vector.load %arg6[%get3A_26, %get3A_27] : memref<1x256xf32, #tpu.memory_space<vmem>>, vector<1x256xf32>
    %add3A_29 = vector.broadcast %get3A_28 : vector<1x256xf32> to vector<400x256xf32>
    %add3A_30 = arith.addf %add3A_25, %add3A_29 : vector<400x256xf32>
    %swap3A = arith.constant 0 : index
    %swap3A_31 = arith.constant 0 : index
    %swap3A_32 = vector.load %arg7[%swap3A, %swap3A_31] : memref<400x256xf32, #tpu.memory_space<vmem>>, vector<400x256xf32>
    tpu.vector_store %arg7[%swap3A, %swap3A_31], %add3A_30 {strides = array<i32>} : memref<400x256xf32, #tpu.memory_space<vmem>>, vector<400x256xf32>,
    return
  }
  func.func @transform_0(%arg0: i32) -> (i32, i32) {
    %c0_i32 = arith.constant 0 : i32
    %c0_i32_0 = arith.constant 0 : i32
    return %arg0, %c0_i32 : i32, i32
  }
  func.func @transform_1(%arg0: i32) -> (i32, i32) {
    %c0_i32 = arith.constant 0 : i32
    %c0_i32_0 = arith.constant 0 : i32
    return %arg0, %c0_i32 : i32, i32
  }
  func.func @transform_2(%arg0: i32) -> (i32, i32) {
    %c0_i32 = arith.constant 0 : i32
    %c0_i32_0 = arith.constant 0 : i32
    %c0_i32_1 = arith.constant 0 : i32
    return %c0_i32, %c0_i32_0 : i32, i32
  }
  func.func @transform_3(%arg0: i32) -> (i32, i32) {
    %c0_i32 = arith.constant 0 : i32
    %c0_i32_0 = arith.constant 0 : i32
    %c0_i32_1 = arith.constant 0 : i32
    return %c0_i32, %c0_i32_0 : i32, i32
  }
  func.func @transform_4(%arg0: i32) -> (i32, i32) {
    %c0_i32 = arith.constant 0 : i32
    %c0_i32_0 = arith.constant 0 : i32
    %c0_i32_1 = arith.constant 0 : i32
    return %c0_i32, %c0_i32_0 : i32, i32
  }
  func.func @transform_5(%arg0: i32) -> (i32, i32) {
    %c0_i32 = arith.constant 0 : i32
    %c0_i32_0 = arith.constant 0 : i32
    %c0_i32_1 = arith.constant 0 : i32
    return %c0_i32, %c0_i32_0 : i32, i32
  }
  func.func @transform_6(%arg0: i32) -> (i32, i32) {
    %c0_i32 = arith.constant 0 : i32
    %c0_i32_0 = arith.constant 0 : i32
    return %arg0, %c0_i32 : i32, i32
  }
}

</mosaic_0001>

<sc_bundles>
// kernel: kernel.7.cloned.1.call-start
scs
__scs_entry_jumppad:
0x0: {  	(pc) =	sbr.rel $0x88, $3  }
0x1: {  	(tag) =	ssettag $0x0;
	lr =	simm.s32 $0x1  }
0x2: {  	[smem:$0x3F8E] =	sst lr;
	_ =	strace $0xD0000000  }
0x3: {  	_ = 	snop  }
0x4: {  	_ = 	snop  }
0x5: {  	_ = 	snop  }
0x6: {  	_ = 	snop  }
0x7: {  	_ = 	snop  }
__scs_overlays_trampoline_lowered:
0x8: {  	[smem:$0x3F9D] =	sst s0  }
0x9: {  	[smem:$0x3F9E] =	sst s1  }
0xa: {  	[smem:$0x3F9F] =	sst s2  }
0xb: {  	[smem:$0x3FA0] =	sst s3  }
0xc: {  	[smem:$0x3FA1] =	sst s4  }
0xd: {  	[smem:$0x3FA2] =	sst s5  }
0xe: {  	[smem:$0x3FA3] =	sst s6  }
0xf: {  	[smem:$0x3FA4] =	sst s7  }
0x10: {  	[smem:$0x3FA5] =	sst s8  }
0x11: {  	[smem:$0x3FA6] =	sst s9;
	s0 =	simm.s32 @!p0 $0x0  }
0x12: {  	s1 =	sld [smem:$0x3F8C];
	s0 =	simm.s32 @p0 $0x1  }
0x13: {  	[smem:$0x3FA7] =	sst s0;
	s0 =	simm.s32 @!p1 $0x0  }
0x14: {  	s2 =	sld [smem:$0x3F8B];
	s0 =	simm.s32 @p1 $0x1  }
0x15: {  	[smem:$0x3FA8] =	sst s0;
	s0 =	simm.s32 @!p2 $0x0  }
0x16: {  	s3 =	sld [smem:$0x3FDB];
	s0 =	simm.s32 @p2 $0x1  }
0x17: {  	s4 =	simm.s32 $0x1BF5;
	[smem:$0x3FAA] =	sst s0  }
0x18: {  	s0 =	sld [smem:$0x3F8D];
	_ =	swait.ge [sflag:s4], $0x0  }
0x19: {  	s7 =	sld [smem:$0x3F8E]  }
0x1a: {  	s8 =	sadd.s32 $0xFFFFE003, lr  }
0x1b: {  	s9 =	sadd.s32 $0xFFFFFEF7, lr;
	s5 =	simm.s32 $0xFFFFFFFF;
	p2 =	slt.u32 s8, $0xFFFFF086  }
0x1c: {  	p1 =	slt.u32 s9, $0xF7A;
	s5 =	simm.s32 @!p2 $0x0  }
0x1d: {  	s5 =	simm.s32 @p1 $0x1;
	p0 =	seq.s32 s7, s2  }
0x1e: {  	s7 =	smul.u32 @!p0 $0xF7A, s2;
	p2 =	seq.s32 @!p0 s5, $0x0  }
0x1f: {  	s9 =	smul.u32 $0xF7A, s1;
	s8 =	simm.s32 @!p0 $0x1BF5;
	p2 =	por !p2, p0  }
0x20: {  	[sflag:s8] =	ssyncset.s32 @!p0 $0xFFFFF086;
	s6 =	sadd.s32 @!p0 s3, s7;
	s7 =	simm.s32 @!p0 $0x108  }
0x21: {  	s3 =	sadd.s32 s3, s9;
	s6 =	sadd.s32 @!p0 $0x88, s6;
	s7 =	simm.s32 @p2 $0x1082  }
0x22: {  	[simem:s7], [sflag:s8] =	dma.local @!p0 [hbm:s6], $0xF7A  }
0x23: {  	s9 =	sor.u32 $0xD0000000, s2;
	s6 =	simm.s32 $0x108;
	_ =	swait.ge @!p0 [sflag:s8], $0x0  }
0x24: {  	s3 =	sadd.s32 $0x88, s3;
	s6 =	simm.s32 @!p1 $0x1082;
	[sflag:s4] =	ssyncset.s32 $0xFFFFF086  }
0x25: {  	[simem:s6], [sflag:s4] =	dma.local [hbm:s3], $0xF7A  }
0x26: {  	[smem:$0x3F8E] =	sst s1;
	(tag) =	ssettag s2;
	_ =	strace s9  }
0x27: {  	s1 =	sld [smem:$0x3F9E]  }
0x28: {  	s2 =	sld [smem:$0x3F9F]  }
0x29: {  	s4 =	sld [smem:$0x3FA1]  }
0x2a: {  	p0 =	seq.s32 s5, $0x0;
	s5 =	sld [smem:$0x3FA2]  }
0x2b: {  	s6 =	sld [smem:$0x3FA3]  }
0x2c: {  	s7 =	sld [smem:$0x3FA4]  }
0x2d: {  	s3 =	simm.s32 $0x108;
	s8 =	sld [smem:$0x3FA5]  }
0x2e: {  	s3 =	simm.s32 @!p0 $0x1082;
	s9 =	sld [smem:$0x3FA6]  }
0x2f: {  	lr =	sadd.s32 s0, s3;
	s0 =	sld [smem:$0x3F9D]  }
0x30: {  	s3 =	sld [smem:$0x3FA0]  }
0x31: {  	[smem:$0x3FA9] =	sst s10  }
0x32: {  	s10 =	sld [smem:$0x3FA7];
	_ =	sdelay $0x3  }
0x33: {  	p0 =	seq.s32 s10, $0x1;
	s10 =	sld [smem:$0x3FA9];
	_ =	sdelay $0x3  }
0x34: {  	[smem:$0x3FA9] =	sst s10  }
0x35: {  	s10 =	sld [smem:$0x3FA8];
	_ =	sdelay $0x3  }
0x36: {  	p1 =	seq.s32 s10, $0x1;
	s10 =	sld [smem:$0x3FA9];
	_ =	sdelay $0x3  }
0x37: {  	[smem:$0x3FA9] =	sst s10  }
0x38: {  	s10 =	sld [smem:$0x3FAA]  }
0x39: {  	_ = 	snop;
	(pc) =	sbr.ind lr, $3  }
0x3a: {  	_ = 	snop  }
0x3b: {  	_ = 	snop  }
0x3c: {  	p2 =	seq.s32 s10, $0x1;
	s10 =	sld [smem:$0x3FA9]  }
0x3d: {  	_ =	shalt  }
0x3e: {  	_ =	shalt  }
0x3f: {  	_ =	shalt  }
0x40: {  	_ =	shalt  }
0x41: {  	_ =	shalt  }
0x42: {  	_ =	shalt  }
0x43: {  	_ =	shalt  }
0x44: {  	_ =	shalt  }
0x45: {  	_ =	shalt  }
0x46: {  	_ =	shalt  }
0x47: {  	_ =	shalt  }
0x48: {  	_ =	shalt  }
0x49: {  	_ =	shalt  }
0x4a: {  	_ =	shalt  }
0x4b: {  	_ =	shalt  }
0x4c: {  	_ =	shalt  }
0x4d: {  	_ =	shalt  }
0x4e: {  	_ =	shalt  }
0x4f: {  	_ =	shalt  }
0x50: {  	_ =	shalt  }
0x51: {  	_ =	shalt  }
0x52: {  	_ =	shalt  }
0x53: {  	_ =	shalt  }
0x54: {  	_ =	shalt  }
0x55: {  	_ =	shalt  }
0x56: {  	_ =	shalt  }
0x57: {  	_ =	shalt  }
0x58: {  	_ =	shalt  }
0x59: {  	_ =	shalt  }
0x5a: {  	_ =	shalt  }
0x5b: {  	_ =	shalt  }
0x5c: {  	_ =	shalt  }
0x5d: {  	_ =	shalt  }
0x5e: {  	_ =	shalt  }
0x5f: {  	_ =	shalt  }
0x60: {  	_ =	shalt  }
0x61: {  	_ =	shalt  }
0x62: {  	_ =	shalt  }
0x63: {  	_ =	shalt  }
0x64: {  	_ =	shalt  }
0x65: {  	_ =	shalt  }
0x66: {  	_ =	shalt  }
0x67: {  	_ =	shalt  }
0x68: {  	_ =	shalt  }
0x69: {  	_ =	shalt  }
0x6a: {  	_ =	shalt  }
0x6b: {  	_ =	shalt  }
0x6c: {  	_ =	shalt  }
0x6d: {  	_ =	shalt  }
0x6e: {  	_ =	shalt  }
0x6f: {  	_ =	shalt  }
0x70: {  	_ =	shalt  }
0x71: {  	_ =	shalt  }
0x72: {  	_ =	shalt  }
0x73: {  	_ =	shalt  }
0x74: {  	_ =	shalt  }
0x75: {  	_ =	shalt  }
0x76: {  	_ =	shalt  }
0x77: {  	_ =	shalt  }
0x78: {  	_ =	shalt  }
0x79: {  	_ =	shalt  }
0x7a: {  	_ =	shalt  }
0x7b: {  	_ =	shalt  }
0x7c: {  	_ =	shalt  }
0x7d: {  	_ =	shalt  }
0x7e: {  	_ =	shalt  }
0x7f: {  	_ =	shalt  }
0x80: {  	_ =	shalt  }
0x81: {  	_ =	shalt  }
0x82: {  	_ =	shalt  }
0x83: {  	_ =	shalt  }
0x84: {  	_ =	shalt  }
0x85: {  	_ =	shalt  }
0x86: {  	_ =	shalt  }
0x87: {  	_ =	shalt  }
.Lfunc_end0:
.L_simem_size_0:
called_computation.2_lowered:
.L_overlay_start_0:
0x88: {  	s2 =	sld [smem:$0x3FD9]  }
0x89: {  	s3 =	sld [smem:$0x3FFE];
	_ =	sdelay $0x1  }
0x8a: {  	s1 =	srdreg.scid  }
0x8b: {  	s0 =	sand.u32 $0x1, s1  }
0x8c: {  	s17 =	sshll.u32 s0, $0xA;
	s2 =	sadd.s32 s3, s2  }
0x8d: {  	s2 =	sadd.s32 s2, s17  }
0x8e: {  	[smem:$0x3FB5] =	sst s2  }
0x8f: {  	_ = 	snop  }
0x90: {  	s2 =	sld [smem:$0x3FD0];
	(tm) =	ssettm $0x1  }
0x91: {  	s18 =	sld [smem:$0x3FFB];
	_ =	sdelay $0x3  }
0x92: {  	_ =	strace s18  }
0x93: {  	s3 =	sld [smem:$0x3FFC];
	_ =	sdelay $0x3  }
0x94: {  	_ =	strace s3  }
0x95: {  	s3 =	sld [smem:$0x3FFD];
	_ =	sdelay $0x3  }
0x96: {  	_ =	strace s3  }
0x97: {  	_ =	strace $0x8FFFFFFF  }
0x98: {  	s19 =	sld [smem:$0x3FDB];
	_ =	sdelay $0x1  }
0x99: {  	s4 =	simm.s32 $_scs_section_size  }
0x9a: {  	s5 =	simm.s32 $_size__tile_overlayer_lowered;
	s6 =	simm.s32 $_tile_overlayer_lowered  }
0x9b: {  	s22 =	simm.s32 $0x1BFF;
	s21 =	sshll.u32 s6, $0x1;
	s3 =	sadd.s32 s4, s19  }
0x9c: {  	s7 =	simm.s32 $0x0;
	s20 =	sshll.u32 s5, $0x1;
	s5 =	sadd.s32 s21, s3  }
0x9d: {  	[timem:s7], [sflag:s22] =	dma.local [hbm:s5], s20  }
0x9e: {  	_ =	swait.ge [sflag:s22], s20  }
0x9f: {  	s4 =	ssub.s32 $0x0, s20;
	[sflag:s22] =	ssyncset.done $0x0  }
0xa0: {  	[sflag:s22] =	ssyncadd.s32 s4;
	_ =	sdelay $0x1  }
0xa1: {  	s23 =	simm.s32 $0x1B8B  }
0xa2: {  	_ =	swait.ge [sflag:s23], $0x1  }
0xa3: {  	[sflag:s23] =	ssyncset.done $0x0  }
0xa4: {  	s25 =	simm.s32 $0x1B8E;
	s24 =	sld [smem:$0x3FFE];
	[sflag:s23] =	ssyncadd.s32 $0xFFFFFFFF  }
0xa5: {  	s26 =	simm.s32 $execute0_lowered;
	[smem:$0x3FD2] =	sst s25  }
0xa6: {  	s5 =	sshll.u32 s26, $0x1;
	_ =	strace $0x80000046;
	[dreg:$0x1] =	wrdreg $0xFFFFFFFF  }
0xa7: {  	s28 =	simm.s32 $_size_execute0_lowered;
	s3 =	sadd.s32 s3, s5;
	[dreg:$0x0] =	wrdreg $0x0  }
0xa8: {  	s5 =	sshll.u32 s28, $0x1;
	[dreg:$0x2] =	wrdreg s3  }
0xa9: {  	[dreg:$0x3] =	wrdreg s5  }
0xaa: {  	[dreg:$0x4] =	wrdreg $0xC0  }
0xab: {  	_ =	task [dreg:s7], $0x5FFFF  }
0xac: {  	[dreg:$0x1] =	wrdreg $0xFFFFFFFF  }
0xad: {  	[dreg:$0x0] =	wrdreg $0x60  }
0xae: {  	[dreg:$0x2] =	wrdreg s24  }
0xaf: {  	[dreg:$0x3] =	wrdreg s2  }
0xb0: {  	[dreg:$0x4] =	wrdreg $0x9  }
0xb1: {  	_ =	task.clear_ibuf [dreg:s7], $0x5FFFF;
	_ =	strace $0x90000046  }
0xb2: {  	s29 =	simm.s32 $0x9;
	_ =	strace $0x80000048  }
0xb3: {  	_ =	swait.ge [sflag:s29], $0x1  }
0xb4: {  	[sflag:s29] =	ssyncadd.s32 $0xFFFFFFFF  }
0xb5: {  	_ =	strace $0x90000048  }
0xb6: {  	_ =	sfence  }
0xb7: {  	s30 =	sld [smem:$0x0];
	_ =	sdelay $0x2  }
0xb8: {  	s31 =	sshll.u32 s1, $0xD;
	s1 =	sshrl.u32 s1, $0x2  }
0xb9: {  	s3 =	sand.u32 $0x4000, s31;
	s1 =	sadd.s32 s1, s30  }
0xba: {  	s0 =	sor.u32 s3, s0;
	s1 =	sshll.u32 s1, $0x11  }
0xbb: {  	s0 =	sor.u32 s1, s0  }
0xbc: {  	s0 =	sadd.s32 $0x8F2B, s0  }
0xbd: {  	[sflag:s0] =	ssyncadd.remote.s32 $0x1  }
0xbe: {  	_ =	sfence.sel $0xFFFF  }
0xbf: {  	[dreg:$0x0] =	wrdreg $0xFFFFFFFF;
	(pc) =	sbr.abs _section_cstart, $3  }
0xc0: {  	[dreg:$0x1] =	wrdreg $0xFFFFFFFF  }
0xc1: {  	_ =	task.clear_ibuf [dreg:s7], $0x2FFFF;
	_ =	strace $0x9FFFFFFF  }
0xc2: {  	(tm) =	ssettm $0x7FFFFFFF  }
0xc3: {  	_ =	shalt  }
tec
execute0_lowered:
.L_overlay_start_1:
0x0: {  	(tag) =	ssettag $0x1  }
0x1: {  	s7 =	rddreg [dreg:$0x0]  }
0x2: {  	s5 =	rddreg [dreg:$0x1];
	s2 =	simm.s32 $0x0  }
0x3: {  	s0 =	stileid.u32;
	s30 =	simm.s32 $0x880;
	[smem:$0x7FF] =	sst s2  }
0x4: {  	s31 =	simm.s32 $0xC80;
	_ =	strace $0x80000047;
	[dreg:$0x5] =	wrdreg s30  }
0x5: {  	s3 =	smul.u32 $0x2800, s0;
	s0 =	simm.s32 $0x1480;
	[dreg:$0x6] =	wrdreg s31  }
0x6: {  	s8 =	simm.s32 $0x2480;
	[dreg:$0x7] =	wrdreg s0  }
0x7: {  	s9 =	simm.s32 $0x2C80;
	[dreg:$0xa] =	wrdreg s8  }
0x8: {  	s10 =	simm.s32 $0x3080;
	[dreg:$0xb] =	wrdreg s9  }
0x9: {  	s11 =	simm.s32 $0x3880;
	[dreg:$0xc] =	wrdreg s10  }
0xa: {  	s12 =	simm.s32 $0x3C80;
	[dreg:$0xd] =	wrdreg s11  }
0xb: {  	s13 =	simm.s32 $0x4480;
	[dreg:$0xe] =	wrdreg s12  }
0xc: {  	s14 =	simm.s32 $0x4880;
	[dreg:$0xf] =	wrdreg s13  }
0xd: {  	s15 =	simm.s32 $0x5080;
	[dreg:$0x10] =	wrdreg s14  }
0xe: {  	s17 =	simm.s32 $0x5480;
	[dreg:$0x11] =	wrdreg s15  }
0xf: {  	s18 =	simm.s32 $0x5C80;
	[dreg:$0x12] =	wrdreg s17  }
0x10: {  	s1 =	srdreg.scid;
	s19 =	simm.s32 $0x6880;
	[dreg:$0x13] =	wrdreg s18  }
0x11: {  	s20 =	simm.s32 $0x7080;
	s22 =	simm.s32 $0x7C80;
	[dreg:$0x14] =	wrdreg s19  }
0x12: {  	s23 =	simm.s32 $0x8480;
	s24 =	simm.s32 $0x8880;
	[dreg:$0x15] =	wrdreg s20  }
0x13: {  	s25 =	simm.s32 $0x9080;
	s28 =	simm.s32 $0xFC80;
	[dreg:$0x17] =	wrdreg s22  }
0x14: {  	s29 =	simm.s32 $0x0;
	s1 =	sand.u32 $0x1, s1;
	[dreg:$0x18] =	wrdreg s23  }
0x15: {  	s4 =	smul.u32 $0x1400, s1;
	s1 =	ssub.s32 $0x2, s1;
	[dreg:$0x19] =	wrdreg s24  }
0x16: {  	s11 =	simm.s32 $0x7480;
	s12 =	simm.s32 $0x80;
	[dreg:$0x1a] =	wrdreg s25  }
0x17: {  	s13 =	simm.s32 $0x1;
	s30 =	simm.s32 $0x9C80;
	s14 =	simm.s32 $0x6080  }
0x18: {  	s31 =	simm.s32 $0xA480;
	s15 =	simm.s32 $0xAC80;
	s17 =	simm.s32 $0xB880  }
0x19: {  	s18 =	simm.s32 $0xC080;
	s19 =	simm.s32 $0xC480;
	s20 =	simm.s32 $0xCC80  }
0x1a: {  	s22 =	simm.s32 $0xD880;
	s23 =	simm.s32 $0xE080;
	s24 =	simm.s32 $0xE880  }
0x1b: {  	s25 =	simm.s32 $0xEC80;
	s16 =	sshrl.u32 s1, $0x1;
	[dreg:$0x16] =	wrdreg s11  }
0x1c: {  	s11 =	simm.s32 $0x2;
	[dreg:$0x1c] =	wrdreg s30;
	s3 =	sadd.s32 s4, s3  }
0x1d: {  	s4 =	simm.s32 $0x1880;
	s1 =	ssub.s32 s1, s16;
	s16 =	simm.s32 $0xB080  }
0x1e: {  	s6 =	sshrl.u32 s3, $0x3;
	[dreg:$0x8] =	wrdreg s4;
	s4 =	sadd.s32 $0x81200, s7  }
0x1f: {  	s21 =	smax.u32 s1, $0x1;
	s3 =	sadd.s32 s6, s7;
	s26 =	sadd.s32 s6, s5  }
0x20: {  	s5 =	simm.s32 $0x2080;
	s8 =	smul.u32 $0x180, s6;
	[dreg:$0x1e] =	wrdreg s21  }
0x21: {  	s6 =	smul.u32 $0x280, s6;
	s21 =	simm.s32 $0xD480;
	[dreg:$0x3] =	wrdreg s26  }
0x22: {  	s3 =	sadd.s32 $0x6E00, s3;
	[dreg:$0x9] =	wrdreg s5;
	s5 =	sadd.s32 $0xBF00, s7  }
0x23: {  	s26 =	simm.s32 $0x9880;
	[dreg:$0x4] =	wrdreg s3;
	s3 =	sadd.s32 $0xBE00, s7  }
0x24: {  	v2 =	vlaneseq.u32;
	s9 =	sadd.s32 s8, s7;
	s10 =	sadd.s32 s6, s7;
	s6 =	sadd.s32 $0x81300, s7  }
0x25: {  	vm0 =	vmmov $0xffff;
	vm1 =	vmmov $0xff;
	v1 =	vshrl.u32 v2, $0x3;
	s7 =	sadd.s32 $0x81400, s7;
	[dreg:$0x1b] =	wrdreg s26;
	s26 =	simm.s32 $0xF480  }
0x26: {  	v0 =	vand.u32 $0x7, v2;
	v2 =	vor.u32 $0x8, v2;
	v1 =	vmul.u32 $0x8, v1;
	[dreg:$0x1d] =	wrdreg s31;
	s1 =	sadd.s32 $0x144800, s9;
	s10 =	sadd.s32 $0x8C4800, s10  }
.LBB2_1:
0x27: {  	s30 =	simm.s32 $0x0;
	s31 =	smov.u32 s10;
	s9 =	smov.u32 s1  }
.LBB2_2:
0x28: {  	s0 =	rddreg [dreg:$0x4]  }
0x29: {  	s0 =	sadd.s32 s30, s0  }
0x2a: {  	[tilespmem:s2], [sflag:$0x2] =	stream.linear.gather [hbm4b:s0+s2], $0x40, $0x38;
	[tilespmem:$0x10080] =	vst v63  }
0x2b: {  	_ =	swait.ge [sflag:s11], $0x40  }
0x2c: {  	[sflag:s11] =	ssyncset.done $0x0  }
0x2d: {  	[sflag:s11] =	ssyncadd.s32 $0xFFFFFFC0  }
0x2e: {  	v3 =	vld [tilespmem:$0x0];
	_ =	sdelay $0x4  }
0x2f: {  	v4 =	vshrl.u32 v3, $0x3  }
0x30: {  	v4 =	vmul.u32 $0x18, v4  }
0x31: {  	v3 =	vand.u32 $0x7, v3  }
0x32: {  	v3 =	vor.u32 v3, v4  }
0x33: {  	v4 =	vperm.xlane v3, v0;
	_ =	sdelay $0x1  }
0x34: {  	v4 =	vadd.s32 v1, v4;
	_ =	sdelay $0x1  }
0x35: {  	v3 =	vperm.xlane v3, v2;
	_ =	sdelay $0x1  }
0x36: {  	v3 =	vadd.s32 v1, v3  }
0x37: {  	[tilespmem:s12], [sflag:$0x1] =	stream.indirect_vreg.gather [hbm4b:s3+s2], $0x80, v4, vm0, $0xb8;
	[tilespmem:$0x10080] =	vst v63  }
0x38: {  	s0 =	rddreg [dreg:$0x5]  }
0x39: {  	[tilespmem:s0], [sflag:$0x1] =	stream.indirect_vreg.gather [hbm4b:s5+s2], $0x80, v4, vm1, $0xb8;
	[tilespmem:$0x10080] =	vst v63  }
0x3a: {  	s8 =	rddreg [dreg:$0x6]  }
0x3b: {  	[tilespmem:s8], [sflag:$0x1] =	stream.indirect_vreg.gather [hbm4b:s3+s2], $0x80, v3, vm0, $0xb8;
	[tilespmem:$0x10080] =	vst v63  }
0x3c: {  	s0 =	rddreg [dreg:$0x7]  }
0x3d: {  	[tilespmem:s0], [sflag:$0x1] =	stream.indirect_vreg.gather [hbm4b:s5+s2], $0x80, v3, vm1, $0xb8;
	[tilespmem:$0x10080] =	vst v63  }
0x3e: {  	v3 =	vld [tilespmem:$0x10];
	_ =	sdelay $0x4  }
0x3f: {  	v57 =	vshrl.u32 v3, $0x3  }
0x40: {  	v4 =	vmul.u32 $0x18, v57  }
0x41: {  	v3 =	vand.u32 $0x7, v3  }
0x42: {  	v3 =	vor.u32 v3, v4  }
0x43: {  	v4 =	vperm.xlane v3, v0;
	_ =	sdelay $0x1  }
0x44: {  	v4 =	vadd.s32 v1, v4;
	_ =	sdelay $0x1  }
0x45: {  	v3 =	vperm.xlane v3, v2;
	_ =	sdelay $0x1  }
0x46: {  	s0 =	rddreg [dreg:$0x8];
	v3 =	vadd.s32 v1, v3  }
0x47: {  	[tilespmem:s0], [sflag:$0x1] =	stream.indirect_vreg.gather [hbm4b:s3+s2], $0x80, v4, vm0, $0xb8;
	[tilespmem:$0x10080] =	vst v63  }
0x48: {  	s8 =	rddreg [dreg:$0x9]  }
0x49: {  	[tilespmem:s8], [sflag:$0x1] =	stream.indirect_vreg.gather [hbm4b:s5+s2], $0x80, v4, vm1, $0xb8;
	[tilespmem:$0x10080] =	vst v63  }
0x4a: {  	s0 =	rddreg [dreg:$0xa]  }
0x4b: {  	[tilespmem:s0], [sflag:$0x1] =	stream.indirect_vreg.gather [hbm4b:s3+s2], $0x80, v3, vm0, $0xb8;
	[tilespmem:$0x10080] =	vst v63  }
0x4c: {  	s8 =	rddreg [dreg:$0xb]  }
0x4d: {  	[tilespmem:s8], [sflag:$0x1] =	stream.indirect_vreg.gather [hbm4b:s5+s2], $0x80, v3, vm1, $0xb8;
	[tilespmem:$0x10080] =	vst v63  }
0x4e: {  	v3 =	vld [tilespmem:$0x20];
	_ =	sdelay $0x4  }
0x4f: {  	v58 =	vshrl.u32 v3, $0x3  }
0x50: {  	v4 =	vmul.u32 $0x18, v58  }
0x51: {  	v3 =	vand.u32 $0x7, v3  }
0x52: {  	v3 =	vor.u32 v3, v4  }
0x53: {  	v4 =	vperm.xlane v3, v0;
	_ =	sdelay $0x1  }
0x54: {  	v4 =	vadd.s32 v1, v4;
	_ =	sdelay $0x1  }
0x55: {  	v3 =	vperm.xlane v3, v2;
	_ =	sdelay $0x1  }
0x56: {  	s0 =	rddreg [dreg:$0xc];
	v3 =	vadd.s32 v1, v3  }
0x57: {  	[tilespmem:s0], [sflag:$0x1] =	stream.indirect_vreg.gather [hbm4b:s3+s2], $0x80, v4, vm0, $0xb8;
	[tilespmem:$0x10080] =	vst v63  }
0x58: {  	s8 =	rddreg [dreg:$0xd]  }
0x59: {  	[tilespmem:s8], [sflag:$0x1] =	stream.indirect_vreg.gather [hbm4b:s5+s2], $0x80, v4, vm1, $0xb8;
	[tilespmem:$0x10080] =	vst v63  }
0x5a: {  	s0 =	rddreg [dreg:$0xe]  }
0x5b: {  	[tilespmem:s0], [sflag:$0x1] =	stream.indirect_vreg.gather [hbm4b:s3+s2], $0x80, v3, vm0, $0xb8;
	[tilespmem:$0x10080] =	vst v63  }
0x5c: {  	s8 =	rddreg [dreg:$0xf]  }
0x5d: {  	[tilespmem:s8], [sflag:$0x1] =	stream.indirect_vreg.gather [hbm4b:s5+s2], $0x80, v3, vm1, $0xb8;
	[tilespmem:$0x10080] =	vst v63  }
0x5e: {  	v3 =	vld [tilespmem:$0x30];
	_ =	sdelay $0x4  }
0x5f: {  	v59 =	vshrl.u32 v3, $0x3  }
0x60: {  	v4 =	vmul.u32 $0x18, v59  }
0x61: {  	v3 =	vand.u32 $0x7, v3  }
0x62: {  	v3 =	vor.u32 v3, v4  }
0x63: {  	v4 =	vperm.xlane v3, v0;
	_ =	sdelay $0x1  }
0x64: {  	v4 =	vadd.s32 v1, v4;
	_ =	sdelay $0x1  }
0x65: {  	v3 =	vperm.xlane v3, v2;
	_ =	sdelay $0x1  }
0x66: {  	s0 =	rddreg [dreg:$0x10];
	v3 =	vadd.s32 v1, v3  }
0x67: {  	[tilespmem:s0], [sflag:$0x1] =	stream.indirect_vreg.gather [hbm4b:s3+s2], $0x80, v4, vm0, $0xb8;
	[tilespmem:$0x10080] =	vst v63  }
0x68: {  	s8 =	rddreg [dreg:$0x11]  }
0x69: {  	[tilespmem:s8], [sflag:$0x1] =	stream.indirect_vreg.gather [hbm4b:s5+s2], $0x80, v4, vm1, $0xb8;
	[tilespmem:$0x10080] =	vst v63  }
0x6a: {  	s0 =	rddreg [dreg:$0x12]  }
0x6b: {  	[tilespmem:s0], [sflag:$0x1] =	stream.indirect_vreg.gather [hbm4b:s3+s2], $0x80, v3, vm0, $0xb8;
	[tilespmem:$0x10080] =	vst v63  }
0x6c: {  	s8 =	rddreg [dreg:$0x13]  }
0x6d: {  	[tilespmem:s8], [sflag:$0x1] =	stream.indirect_vreg.gather [hbm4b:s5+s2], $0x80, v3, vm1, $0xb8;
	[tilespmem:$0x10080] =	vst v63  }
0x6e: {  	_ =	swait.ge [sflag:s13], $0x6000  }
0x6f: {  	[sflag:s13] =	ssyncset.done $0x0  }
0x70: {  	[sflag:s13] =	ssyncadd.s32 $0xFFFFA000  }
0x71: {  	[hbm4b:s9+s2] =	stream.linear.scatter [tilespmem:s12], [sflag:$0x2], $0x6000, $0x38;
	[tilespmem:$0x10080] =	vst v63  }
0x72: {  	_ =	swait.ge [sflag:s11], $0x6000  }
0x73: {  	s8 =	rddreg [dreg:$0x3];
	[sflag:s11] =	ssyncset.done $0x0  }
0x74: {  	[sflag:s11] =	ssyncadd.s32 $0xFFFFA000;
	s0 =	sadd.s32 s30, s8  }
0x75: {  	[tilespmem:s2], [sflag:$0x2] =	stream.linear.gather [hbm4b:s0+s2], $0x40, $0x38;
	[tilespmem:$0x10080] =	vst v63  }
0x76: {  	_ =	swait.ge [sflag:s11], $0x40  }
0x77: {  	[sflag:s11] =	ssyncset.done $0x0  }
0x78: {  	[sflag:s11] =	ssyncadd.s32 $0xFFFFFFC0  }
0x79: {  	v3 =	vld [tilespmem:$0x0];
	_ =	sdelay $0x4  }
0x7a: {  	v60 =	vshrl.u32 v3, $0x3  }
0x7b: {  	v4 =	vmul.u32 $0x28, v60  }
0x7c: {  	v3 =	vand.u32 $0x7, v3  }
0x7d: {  	v3 =	vor.u32 v3, v4  }
0x7e: {  	v4 =	vperm.xlane v3, v0;
	_ =	sdelay $0x1  }
0x7f: {  	v4 =	vadd.s32 v1, v4;
	_ =	sdelay $0x3  }
0x80: {  	v3 =	vperm.xlane v3, v2  }
0x81: {  	[tilespmem:s14], [sflag:$0x1] =	stream.indirect_vreg.gather [hbm4b:s4+s2], $0x80, v4, vm0, $0xb8;
	[tilespmem:$0x10080] =	vst v63  }
0x82: {  	s0 =	rddreg [dreg:$0x14];
	v3 =	vadd.s32 v1, v3  }
0x83: {  	[tilespmem:s0], [sflag:$0x1] =	stream.indirect_vreg.gather [hbm4b:s6+s2], $0x80, v4, vm0, $0xb8;
	[tilespmem:$0x10080] =	vst v63  }
0x84: {  	s8 =	rddreg [dreg:$0x15]  }
0x85: {  	[tilespmem:s8], [sflag:$0x1] =	stream.indirect_vreg.gather [hbm4b:s7+s2], $0x80, v4, vm1, $0xb8;
	[tilespmem:$0x10080] =	vst v63  }
0x86: {  	s0 =	rddreg [dreg:$0x16]  }
0x87: {  	[tilespmem:s0], [sflag:$0x1] =	stream.indirect_vreg.gather [hbm4b:s4+s2], $0x80, v3, vm0, $0xb8;
	[tilespmem:$0x10080] =	vst v63  }
0x88: {  	s8 =	rddreg [dreg:$0x17]  }
0x89: {  	[tilespmem:s8], [sflag:$0x1] =	stream.indirect_vreg.gather [hbm4b:s6+s2], $0x80, v3, vm0, $0xb8;
	[tilespmem:$0x10080] =	vst v63  }
0x8a: {  	s0 =	rddreg [dreg:$0x18]  }
0x8b: {  	[tilespmem:s0], [sflag:$0x1] =	stream.indirect_vreg.gather [hbm4b:s7+s2], $0x80, v3, vm1, $0xb8;
	[tilespmem:$0x10080] =	vst v63  }
0x8c: {  	v3 =	vld [tilespmem:$0x10];
	_ =	sdelay $0x4  }
0x8d: {  	v61 =	vshrl.u32 v3, $0x3  }
0x8e: {  	v4 =	vmul.u32 $0x28, v61  }
0x8f: {  	v3 =	vand.u32 $0x7, v3  }
0x90: {  	v3 =	vor.u32 v3, v4  }
0x91: {  	v4 =	vperm.xlane v3, v0;
	_ =	sdelay $0x1  }
0x92: {  	v4 =	vadd.s32 v1, v4;
	_ =	sdelay $0x3  }
0x93: {  	s0 =	rddreg [dreg:$0x19];
	v3 =	vperm.xlane v3, v2  }
0x94: {  	[tilespmem:s0], [sflag:$0x1] =	stream.indirect_vreg.gather [hbm4b:s4+s2], $0x80, v4, vm0, $0xb8;
	[tilespmem:$0x10080] =	vst v63  }
0x95: {  	s8 =	rddreg [dreg:$0x1a];
	v3 =	vadd.s32 v1, v3  }
0x96: {  	[tilespmem:s8], [sflag:$0x1] =	stream.indirect_vreg.gather [hbm4b:s6+s2], $0x80, v4, vm0, $0xb8;
	[tilespmem:$0x10080] =	vst v63  }
0x97: {  	s0 =	rddreg [dreg:$0x1b]  }
0x98: {  	[tilespmem:s0], [sflag:$0x1] =	stream.indirect_vreg.gather [hbm4b:s7+s2], $0x80, v4, vm1, $0xb8;
	[tilespmem:$0x10080] =	vst v63  }
0x99: {  	s8 =	rddreg [dreg:$0x1c]  }
0x9a: {  	[tilespmem:s8], [sflag:$0x1] =	stream.indirect_vreg.gather [hbm4b:s4+s2], $0x80, v3, vm0, $0xb8;
	[tilespmem:$0x10080] =	vst v63  }
0x9b: {  	s0 =	rddreg [dreg:$0x1d]  }
0x9c: {  	[tilespmem:s0], [sflag:$0x1] =	stream.indirect_vreg.gather [hbm4b:s6+s2], $0x80, v3, vm0, $0xb8;
	[tilespmem:$0x10080] =	vst v63  }
0x9d: {  	_ = 	snop  }
0x9e: {  	[tilespmem:s15], [sflag:$0x1] =	stream.indirect_vreg.gather [hbm4b:s7+s2], $0x80, v3, vm1, $0xb8;
	[tilespmem:$0x10080] =	vst v63  }
0x9f: {  	v3 =	vld [tilespmem:$0x20];
	_ =	sdelay $0x4  }
0xa0: {  	v62 =	vshrl.u32 v3, $0x3  }
0xa1: {  	v4 =	vmul.u32 $0x28, v62  }
0xa2: {  	v3 =	vand.u32 $0x7, v3  }
0xa3: {  	v3 =	vor.u32 v3, v4  }
0xa4: {  	v4 =	vperm.xlane v3, v0;
	_ =	sdelay $0x1  }
0xa5: {  	v4 =	vadd.s32 v1, v4;
	_ =	sdelay $0x3  }
0xa6: {  	v3 =	vperm.xlane v3, v2  }
0xa7: {  	[tilespmem:s16], [sflag:$0x1] =	stream.indirect_vreg.gather [hbm4b:s4+s2], $0x80, v4, vm0, $0xb8;
	[tilespmem:$0x10080] =	vst v63  }
0xa8: {  	v3 =	vadd.s32 v1, v3  }
0xa9: {  	[tilespmem:s17], [sflag:$0x1] =	stream.indirect_vreg.gather [hbm4b:s6+s2], $0x80, v4, vm0, $0xb8;
	[tilespmem:$0x10080] =	vst v63  }
0xaa: {  	_ = 	snop  }
0xab: {  	[tilespmem:s18], [sflag:$0x1] =	stream.indirect_vreg.gather [hbm4b:s7+s2], $0x80, v4, vm1, $0xb8;
	[tilespmem:$0x10080] =	vst v63  }
0xac: {  	_ = 	snop  }
0xad: {  	[tilespmem:s19], [sflag:$0x1] =	stream.indirect_vreg.gather [hbm4b:s4+s2], $0x80, v3, vm0, $0xb8;
	[tilespmem:$0x10080] =	vst v63  }
0xae: {  	_ = 	snop  }
0xaf: {  	[tilespmem:s20], [sflag:$0x1] =	stream.indirect_vreg.gather [hbm4b:s6+s2], $0x80, v3, vm0, $0xb8;
	[tilespmem:$0x10080] =	vst v63  }
0xb0: {  	_ = 	snop  }
0xb1: {  	[tilespmem:s21], [sflag:$0x1] =	stream.indirect_vreg.gather [hbm4b:s7+s2], $0x80, v3, vm1, $0xb8;
	[tilespmem:$0x10080] =	vst v63  }
0xb2: {  	v3 =	vld [tilespmem:$0x30];
	_ =	sdelay $0x4  }
0xb3: {  	v63 =	vshrl.u32 v3, $0x3  }
0xb4: {  	v4 =	vmul.u32 $0x28, v63  }
0xb5: {  	v3 =	vand.u32 $0x7, v3  }
0xb6: {  	v3 =	vor.u32 v3, v4  }
0xb7: {  	v4 =	vperm.xlane v3, v0;
	_ =	sdelay $0x1  }
0xb8: {  	v4 =	vadd.s32 v1, v4;
	_ =	sdelay $0x3  }
0xb9: {  	v3 =	vperm.xlane v3, v2  }
0xba: {  	[tilespmem:s22], [sflag:$0x1] =	stream.indirect_vreg.gather [hbm4b:s4+s2], $0x80, v4, vm0, $0xb8;
	[tilespmem:$0x10080] =	vst v63  }
0xbb: {  	v3 =	vadd.s32 v1, v3  }
0xbc: {  	[tilespmem:s23], [sflag:$0x1] =	stream.indirect_vreg.gather [hbm4b:s6+s2], $0x80, v4, vm0, $0xb8;
	[tilespmem:$0x10080] =	vst v63  }
0xbd: {  	_ = 	snop  }
0xbe: {  	[tilespmem:s24], [sflag:$0x1] =	stream.indirect_vreg.gather [hbm4b:s7+s2], $0x80, v4, vm1, $0xb8;
	[tilespmem:$0x10080] =	vst v63  }
0xbf: {  	_ = 	snop  }
0xc0: {  	[tilespmem:s25], [sflag:$0x1] =	stream.indirect_vreg.gather [hbm4b:s4+s2], $0x80, v3, vm0, $0xb8;
	[tilespmem:$0x10080] =	vst v63  }
0xc1: {  	_ = 	snop  }
0xc2: {  	[tilespmem:s26], [sflag:$0x1] =	stream.indirect_vreg.gather [hbm4b:s6+s2], $0x80, v3, vm0, $0xb8;
	[tilespmem:$0x10080] =	vst v63  }
0xc3: {  	_ = 	snop  }
0xc4: {  	[tilespmem:s28], [sflag:$0x1] =	stream.indirect_vreg.gather [hbm4b:s7+s2], $0x80, v3, vm1, $0xb8;
	[tilespmem:$0x10080] =	vst v63  }
0xc5: {  	_ =	swait.ge [sflag:s13], $0xA000  }
0xc6: {  	p0 =	sne.s32 s30, $0x278;
	[sflag:s13] =	ssyncset.done $0x0  }
.Ltmp0:
0xc7: {  	[sflag:s13] =	ssyncadd.s32 $0xFFFF6000;
	(pc) =	sbr.rel @p0 .LBB2_2-.Ltmp0, $4  }
0xc8: {  	[hbm4b:s31+s2] =	stream.linear.scatter [tilespmem:s14], [sflag:$0x2], $0xA000, $0x38;
	[tilespmem:$0x10080] =	vst v63  }
0xc9: {  	_ =	swait.ge [sflag:s11], $0xA000  }
0xca: {  	s9 =	sadd.s32 $0xC00, s9;
	[sflag:s11] =	ssyncset.done $0x0  }
0xcb: {  	s30 =	sadd.s32 $0x8, s30;
	s31 =	sadd.s32 $0x1400, s31;
	[sflag:s11] =	ssyncadd.s32 $0xFFFF6000  }
0xcc: {  	s29 =	sadd.s32 $0x1, s29;
	s0 =	rddreg [dreg:$0x1e]  }
0xcd: {  	p0 =	sne.s32 s29, s0  }
.Ltmp1:
0xce: {  	_ = 	snop;
	(pc) =	sbr.rel @p0 .LBB2_1-.Ltmp1, $1  }
0xcf: {  	_ =	sdelay $0x3  }
0xd0: {  	_ =	sfence.sel $0x180000  }
0xd1: {  	[bflag:$0x0] =	sbarrier.arrive $0xFFFF  }
0xd2: {  	_ =	strace $0x90000047  }
0xd3: {  	s0 =	stileid.u32;
	[bflag:$0x2] =	sbarrier.arrive $0xFFFF  }
0xd4: {  	p0 =	sne.s32 s0, $0x0;
	s0 =	rddreg [dreg:$0x2]  }
0xd5: {  	s0 =	sadd.s32 @!p0 $0x100000, s0  }
0xd6: {  	[sflag:s0] =	ssyncadd.tile.s32 @!p0 $0x1;
	_ =	shalt  }
.Lfunc_end2:
_tile_overlayer_lowered:
.L_overlay_start_2:
0xd7: {  	(tag) =	ssettag $0x2  }
0xd8: {  	s0 =	rddreg [dreg:$0x0];
	s2 =	stileid.u32  }
0xd9: {  	s1 =	rddreg [dreg:$0x1];
	p0 =	sne.s32 s2, $0x0  }
0xda: {  	s3 =	rddreg [dreg:$0x2];
	[bflag:$0x3] =	sbarrier.arrive $0xFFFF;
	s2 =	simm.s32 @!p0 $0x1C02  }
0xdb: {  	[timem:s3], [sflag:s2] =	dma.local @!p0 [hbm:s0], s1  }
0xdc: {  	s0 =	simm.s32 @!p0 $0x2  }
0xdd: {  	_ =	swait.ge @!p0 [sflag:s0], s1  }
0xde: {  	s1 =	ssub.s32 @!p0 $0x0, s1;
	[sflag:s0] =	ssyncset.done @!p0 $0x0  }
0xdf: {  	[sflag:s0] =	ssyncadd.s32 @!p0 s1  }
0xe0: {  	[bflag:$0x3] =	sbarrier.arrive $0xFFFF  }
0xe1: {  	_ =	shalt  }

// kernel: scatter_offload_async_start.1
scs
__scs_entry_jumppad:
0x0: {  	(pc) =	sbr.rel $0x88, $3  }
0x1: {  	(tag) =	ssettag $0x0;
	lr =	simm.s32 $0x1  }
0x2: {  	[smem:$0x3F8E] =	sst lr;
	_ =	strace $0xD0000000  }
0x3: {  	_ = 	snop  }
0x4: {  	_ = 	snop  }
0x5: {  	_ = 	snop  }
0x6: {  	_ = 	snop  }
0x7: {  	_ = 	snop  }
__scs_overlays_trampoline_lowered:
0x8: {  	[smem:$0x3F9D] =	sst s0  }
0x9: {  	[smem:$0x3F9E] =	sst s1  }
0xa: {  	[smem:$0x3F9F] =	sst s2  }
0xb: {  	[smem:$0x3FA0] =	sst s3  }
0xc: {  	[smem:$0x3FA1] =	sst s4  }
0xd: {  	[smem:$0x3FA2] =	sst s5  }
0xe: {  	[smem:$0x3FA3] =	sst s6  }
0xf: {  	[smem:$0x3FA4] =	sst s7  }
0x10: {  	[smem:$0x3FA5] =	sst s8  }
0x11: {  	[smem:$0x3FA6] =	sst s9;
	s0 =	simm.s32 @!p0 $0x0  }
0x12: {  	s1 =	sld [smem:$0x3F8C];
	s0 =	simm.s32 @p0 $0x1  }
0x13: {  	[smem:$0x3FA7] =	sst s0;
	s0 =	simm.s32 @!p1 $0x0  }
0x14: {  	s2 =	sld [smem:$0x3F8B];
	s0 =	simm.s32 @p1 $0x1  }
0x15: {  	[smem:$0x3FA8] =	sst s0;
	s0 =	simm.s32 @!p2 $0x0  }
0x16: {  	s3 =	sld [smem:$0x3FDB];
	s0 =	simm.s32 @p2 $0x1  }
0x17: {  	s4 =	simm.s32 $0x1BF5;
	[smem:$0x3FAA] =	sst s0  }
0x18: {  	s0 =	sld [smem:$0x3F8D];
	_ =	swait.ge [sflag:s4], $0x0  }
0x19: {  	s7 =	sld [smem:$0x3F8E]  }
0x1a: {  	s8 =	sadd.s32 $0xFFFFE003, lr  }
0x1b: {  	s9 =	sadd.s32 $0xFFFFFEF7, lr;
	s5 =	simm.s32 $0xFFFFFFFF;
	p2 =	slt.u32 s8, $0xFFFFF086  }
0x1c: {  	p1 =	slt.u32 s9, $0xF7A;
	s5 =	simm.s32 @!p2 $0x0  }
0x1d: {  	s5 =	simm.s32 @p1 $0x1;
	p0 =	seq.s32 s7, s2  }
0x1e: {  	s7 =	smul.u32 @!p0 $0xF7A, s2;
	p2 =	seq.s32 @!p0 s5, $0x0  }
0x1f: {  	s9 =	smul.u32 $0xF7A, s1;
	s8 =	simm.s32 @!p0 $0x1BF5;
	p2 =	por !p2, p0  }
0x20: {  	[sflag:s8] =	ssyncset.s32 @!p0 $0xFFFFF086;
	s6 =	sadd.s32 @!p0 s3, s7;
	s7 =	simm.s32 @!p0 $0x108  }
0x21: {  	s3 =	sadd.s32 s3, s9;
	s6 =	sadd.s32 @!p0 $0x88, s6;
	s7 =	simm.s32 @p2 $0x1082  }
0x22: {  	[simem:s7], [sflag:s8] =	dma.local @!p0 [hbm:s6], $0xF7A  }
0x23: {  	s9 =	sor.u32 $0xD0000000, s2;
	s6 =	simm.s32 $0x108;
	_ =	swait.ge @!p0 [sflag:s8], $0x0  }
0x24: {  	s3 =	sadd.s32 $0x88, s3;
	s6 =	simm.s32 @!p1 $0x1082;
	[sflag:s4] =	ssyncset.s32 $0xFFFFF086  }
0x25: {  	[simem:s6], [sflag:s4] =	dma.local [hbm:s3], $0xF7A  }
0x26: {  	[smem:$0x3F8E] =	sst s1;
	(tag) =	ssettag s2;
	_ =	strace s9  }
0x27: {  	s1 =	sld [smem:$0x3F9E]  }
0x28: {  	s2 =	sld [smem:$0x3F9F]  }
0x29: {  	s4 =	sld [smem:$0x3FA1]  }
0x2a: {  	p0 =	seq.s32 s5, $0x0;
	s5 =	sld [smem:$0x3FA2]  }
0x2b: {  	s6 =	sld [smem:$0x3FA3]  }
0x2c: {  	s7 =	sld [smem:$0x3FA4]  }
0x2d: {  	s3 =	simm.s32 $0x108;
	s8 =	sld [smem:$0x3FA5]  }
0x2e: {  	s3 =	simm.s32 @!p0 $0x1082;
	s9 =	sld [smem:$0x3FA6]  }
0x2f: {  	lr =	sadd.s32 s0, s3;
	s0 =	sld [smem:$0x3F9D]  }
0x30: {  	s3 =	sld [smem:$0x3FA0]  }
0x31: {  	[smem:$0x3FA9] =	sst s10  }
0x32: {  	s10 =	sld [smem:$0x3FA7];
	_ =	sdelay $0x3  }
0x33: {  	p0 =	seq.s32 s10, $0x1;
	s10 =	sld [smem:$0x3FA9];
	_ =	sdelay $0x3  }
0x34: {  	[smem:$0x3FA9] =	sst s10  }
0x35: {  	s10 =	sld [smem:$0x3FA8];
	_ =	sdelay $0x3  }
0x36: {  	p1 =	seq.s32 s10, $0x1;
	s10 =	sld [smem:$0x3FA9];
	_ =	sdelay $0x3  }
0x37: {  	[smem:$0x3FA9] =	sst s10  }
0x38: {  	s10 =	sld [smem:$0x3FAA]  }
0x39: {  	_ = 	snop;
	(pc) =	sbr.ind lr, $3  }
0x3a: {  	_ = 	snop  }
0x3b: {  	_ = 	snop  }
0x3c: {  	p2 =	seq.s32 s10, $0x1;
	s10 =	sld [smem:$0x3FA9]  }
0x3d: {  	_ =	shalt  }
0x3e: {  	_ =	shalt  }
0x3f: {  	_ =	shalt  }
0x40: {  	_ =	shalt  }
0x41: {  	_ =	shalt  }
0x42: {  	_ =	shalt  }
0x43: {  	_ =	shalt  }
0x44: {  	_ =	shalt  }
0x45: {  	_ =	shalt  }
0x46: {  	_ =	shalt  }
0x47: {  	_ =	shalt  }
0x48: {  	_ =	shalt  }
0x49: {  	_ =	shalt  }
0x4a: {  	_ =	shalt  }
0x4b: {  	_ =	shalt  }
0x4c: {  	_ =	shalt  }
0x4d: {  	_ =	shalt  }
0x4e: {  	_ =	shalt  }
0x4f: {  	_ =	shalt  }
0x50: {  	_ =	shalt  }
0x51: {  	_ =	shalt  }
0x52: {  	_ =	shalt  }
0x53: {  	_ =	shalt  }
0x54: {  	_ =	shalt  }
0x55: {  	_ =	shalt  }
0x56: {  	_ =	shalt  }
0x57: {  	_ =	shalt  }
0x58: {  	_ =	shalt  }
0x59: {  	_ =	shalt  }
0x5a: {  	_ =	shalt  }
0x5b: {  	_ =	shalt  }
0x5c: {  	_ =	shalt  }
0x5d: {  	_ =	shalt  }
0x5e: {  	_ =	shalt  }
0x5f: {  	_ =	shalt  }
0x60: {  	_ =	shalt  }
0x61: {  	_ =	shalt  }
0x62: {  	_ =	shalt  }
0x63: {  	_ =	shalt  }
0x64: {  	_ =	shalt  }
0x65: {  	_ =	shalt  }
0x66: {  	_ =	shalt  }
0x67: {  	_ =	shalt  }
0x68: {  	_ =	shalt  }
0x69: {  	_ =	shalt  }
0x6a: {  	_ =	shalt  }
0x6b: {  	_ =	shalt  }
0x6c: {  	_ =	shalt  }
0x6d: {  	_ =	shalt  }
0x6e: {  	_ =	shalt  }
0x6f: {  	_ =	shalt  }
0x70: {  	_ =	shalt  }
0x71: {  	_ =	shalt  }
0x72: {  	_ =	shalt  }
0x73: {  	_ =	shalt  }
0x74: {  	_ =	shalt  }
0x75: {  	_ =	shalt  }
0x76: {  	_ =	shalt  }
0x77: {  	_ =	shalt  }
0x78: {  	_ =	shalt  }
0x79: {  	_ =	shalt  }
0x7a: {  	_ =	shalt  }
0x7b: {  	_ =	shalt  }
0x7c: {  	_ =	shalt  }
0x7d: {  	_ =	shalt  }
0x7e: {  	_ =	shalt  }
0x7f: {  	_ =	shalt  }
0x80: {  	_ =	shalt  }
0x81: {  	_ =	shalt  }
0x82: {  	_ =	shalt  }
0x83: {  	_ =	shalt  }
0x84: {  	_ =	shalt  }
0x85: {  	_ =	shalt  }
0x86: {  	_ =	shalt  }
0x87: {  	_ =	shalt  }
.Lfunc_end0:
.L_simem_size_0:
called_computation.1_lowered:
.L_overlay_start_0:
0x88: {  	s2 =	sld [smem:$0x3FD9]  }
0x89: {  	s3 =	sld [smem:$0x3FFE];
	_ =	sdelay $0x1  }
0x8a: {  	s1 =	srdreg.scid  }
0x8b: {  	s0 =	sand.u32 $0x1, s1  }
0x8c: {  	s16 =	sshll.u32 s0, $0xA;
	s2 =	sadd.s32 s3, s2  }
0x8d: {  	s2 =	sadd.s32 s2, s16  }
0x8e: {  	[smem:$0x3FB5] =	sst s2  }
0x8f: {  	_ = 	snop  }
0x90: {  	s2 =	sld [smem:$0x3FD0];
	(tm) =	ssettm $0x1  }
0x91: {  	s17 =	sld [smem:$0x3FFB];
	_ =	sdelay $0x3  }
0x92: {  	_ =	strace s17  }
0x93: {  	s3 =	sld [smem:$0x3FFC];
	_ =	sdelay $0x3  }
0x94: {  	_ =	strace s3  }
0x95: {  	s3 =	sld [smem:$0x3FFD];
	_ =	sdelay $0x3  }
0x96: {  	_ =	strace s3  }
0x97: {  	_ =	strace $0x8FFFFFFF  }
0x98: {  	s18 =	sld [smem:$0x3FDB];
	_ =	sdelay $0x1  }
0x99: {  	s4 =	simm.s32 $_scs_section_size  }
0x9a: {  	s5 =	simm.s32 $_size__tile_overlayer_lowered;
	s6 =	simm.s32 $_tile_overlayer_lowered  }
0x9b: {  	s21 =	simm.s32 $0x1BFF;
	s20 =	sshll.u32 s6, $0x1;
	s3 =	sadd.s32 s4, s18  }
0x9c: {  	s7 =	simm.s32 $0x0;
	s19 =	sshll.u32 s5, $0x1;
	s5 =	sadd.s32 s20, s3  }
0x9d: {  	[timem:s7], [sflag:s21] =	dma.local [hbm:s5], s19  }
0x9e: {  	_ =	swait.ge [sflag:s21], s19  }
0x9f: {  	s4 =	ssub.s32 $0x0, s19;
	[sflag:s21] =	ssyncset.done $0x0  }
0xa0: {  	[sflag:s21] =	ssyncadd.s32 s4;
	_ =	sdelay $0x1  }
0xa1: {  	s22 =	simm.s32 $0x1B8B  }
0xa2: {  	_ =	swait.ge [sflag:s22], $0x1  }
0xa3: {  	[sflag:s22] =	ssyncset.done $0x0  }
0xa4: {  	s23 =	sld [smem:$0x3FFE];
	[sflag:s22] =	ssyncadd.s32 $0xFFFFFFFF  }
0xa5: {  	s25 =	simm.s32 $0x1B8E;
	s24 =	sld [smem:$0x0]  }
0xa6: {  	s26 =	simm.s32 $execute0_lowered;
	[smem:$0x3FD2] =	sst s25  }
0xa7: {  	s6 =	sshll.u32 s26, $0x1;
	_ =	strace $0x8000004C;
	[dreg:$0x1] =	wrdreg $0xFFFFFFFF  }
0xa8: {  	s28 =	simm.s32 $_size_execute0_lowered;
	s3 =	sadd.s32 s3, s6;
	[dreg:$0x0] =	wrdreg $0x0  }
0xa9: {  	s6 =	sshll.u32 s28, $0x1;
	[dreg:$0x2] =	wrdreg s3  }
0xaa: {  	[dreg:$0x3] =	wrdreg s6  }
0xab: {  	[dreg:$0x4] =	wrdreg $0xC0  }
0xac: {  	_ =	task [dreg:s7], $0x5FFFF  }
0xad: {  	[dreg:$0x1] =	wrdreg $0xFFFFFFFF  }
0xae: {  	[dreg:$0x0] =	wrdreg $0x60  }
0xaf: {  	[dreg:$0x2] =	wrdreg s2  }
0xb0: {  	[dreg:$0x3] =	wrdreg s23  }
0xb1: {  	[dreg:$0x4] =	wrdreg s1  }
0xb2: {  	[dreg:$0x5] =	wrdreg s24  }
0xb3: {  	[dreg:$0x6] =	wrdreg $0x9  }
0xb4: {  	_ =	task.clear_ibuf [dreg:s7], $0x7FFFF;
	_ =	strace $0x9000004C  }
0xb5: {  	s29 =	simm.s32 $0x9;
	_ =	strace $0x8000004E  }
0xb6: {  	_ =	swait.ge [sflag:s29], $0x1  }
0xb7: {  	[sflag:s29] =	ssyncadd.s32 $0xFFFFFFFF  }
0xb8: {  	_ =	strace $0x9000004E  }
0xb9: {  	_ =	sfence  }
0xba: {  	s30 =	sld [smem:$0x0];
	_ =	sdelay $0x2  }
0xbb: {  	s31 =	sshll.u32 s1, $0xD;
	s1 =	sshrl.u32 s1, $0x2  }
0xbc: {  	s3 =	sand.u32 $0x4000, s31;
	s1 =	sadd.s32 s1, s30  }
0xbd: {  	s0 =	sor.u32 s3, s0;
	s1 =	sshll.u32 s1, $0x11  }
0xbe: {  	s0 =	sor.u32 s1, s0  }
0xbf: {  	s0 =	sadd.s32 $0x8F2B, s0  }
0xc0: {  	[sflag:s0] =	ssyncadd.remote.s32 $0x1  }
0xc1: {  	_ =	sfence.sel $0xFFFF  }
0xc2: {  	[dreg:$0x0] =	wrdreg $0xFFFFFFFF;
	(pc) =	sbr.abs _section_cstart, $3  }
0xc3: {  	[dreg:$0x1] =	wrdreg $0xFFFFFFFF  }
0xc4: {  	_ =	task.clear_ibuf [dreg:s7], $0x2FFFF;
	_ =	strace $0x9FFFFFFF  }
0xc5: {  	(tm) =	ssettm $0x7FFFFFFF  }
tec
execute0_lowered:
.L_overlay_start_1:
0x0: {  	(tag) =	ssettag $0x1  }
0x1: {  	s1 =	rddreg [dreg:$0x0]  }
0x2: {  	s2 =	rddreg [dreg:$0x1]  }
0x3: {  	s3 =	rddreg [dreg:$0x2];
	_ =	strace $0x8000004D;
	s0 =	simm.s32 $0x1  }
0x4: {  	s5 =	simm.s32 $0x208;
	v0 =	vimm.s32 $0x0;
	[sflag:s0] =	ssyncpa.u1 $0x0  }
0x5: {  	[tilespmem:s5+$0x70] =	vst v0  }
0x6: {  	[tilespmem:s5+$0x60] =	vst v0  }
0x7: {  	[tilespmem:s5+$0x50] =	vst v0  }
0x8: {  	[tilespmem:s5+$0x40] =	vst v0  }
0x9: {  	[tilespmem:s5+$0x30] =	vst v0  }
0xa: {  	s0 =	sadd.s32 $0x1544800, s2;
	s6 =	sadd.s32 $0x281E00, s2;
	[tilespmem:s5+$0x20] =	vst v0  }
0xb: {  	s4 =	sadd.s32 $0x1549800, s2;
	s10 =	sand.u32 $0x1, s3;
	s2 =	simm.s32 $0x40;
	[tilespmem:s5+$0x10] =	vst v0  }
.LBB2_1:
0xc: {  	s2 =	sadd.s32 $0x40, s2;
	[tilespmem:s5+$0x0] =	vst v0;
	s5 =	sadd.s32 $0x80, s5  }
0xd: {  	p0 =	slt.u32 s2, $0x3880;
	[tilespmem:s5+$0x70] =	vst v0  }
0xe: {  	[tilespmem:s5+$0x60] =	vst v0  }
.Ltmp0:
0xf: {  	[tilespmem:s5+$0x50] =	vst v0;
	(pc) =	sbr.rel @p0 .LBB2_1-.Ltmp0, $4  }
0x10: {  	[tilespmem:s5+$0x40] =	vst v0  }
0x11: {  	[tilespmem:s5+$0x30] =	vst v0  }
0x12: {  	[tilespmem:s5+$0x20] =	vst v0  }
0x13: {  	[tilespmem:s5+$0x10] =	vst v0  }
0x14: {  	s11 =	stileid.u32  }
0x15: {  	s2 =	smul.u32 $0x2D, s11  }
0x16: {  	s3 =	smin.u32 s11, $0xC  }
0x17: {  	s2 =	sadd.s32 s3, s2  }
0x18: {  	p0 =	slt.u32 s11, $0xC;
	s20 =	smul.u32 $0x70, s2;
	s2 =	simm.s32 $0x1420  }
0x19: {  	s2 =	simm.s32 @!p0 $0x13B0  }
0x1a: {  	s2 =	sadd.s32 s2, s20  }
0x1b: {  	s8 =	smin.u32 s2, $0x14000  }
0x1c: {  	s26 =	simm.s32 $0x2;
	s2 =	ssub.s32 s8, s20  }
0x1d: {  	s9 =	simm.s32 $0x9;
	s29 =	simm.s32 $0xA;
	p0 =	sgt.s32 s2, $0x0  }
0x1e: {  	s30 =	simm.s32 $0xB;
	s31 =	smul.u32 $0x2800, s10;
	s2 =	simm.s32 @!p0 $0x0  }
0x1f: {  	[dreg:$0x5] =	wrdreg s10;
	s12 =	simm.s32 $0x1;
	s25 =	smulhi.u32 $0x92492493, s2  }
0x20: {  	s24 =	simm.s32 $0x0;
	p1 =	por $0x0, $0x0;
	s18 =	simm.s32 $0x80  }
0x21: {  	s19 =	simm.s32 $0x400;
	s17 =	simm.s32 $0xC;
	s3 =	sshrl.u32 s25, $0x6  }
0x22: {  	s21 =	simm.s32 $0x0;
	s23 =	simm.s32 $0x0;
	s28 =	smul.u32 $0x70, s3  }
.Ltmp1:
0x23: {  	[tilespmem:s5+$0x0] =	vst v0;
	v0 =	vimm.s32 $0xFFFFFFFF;
	[sflag:s26] =	ssyncpa.u1 $0x0;
	s16 =	sshll.u32 s11, $0x9;
	(pc) =	sbr.rel .LBB2_3-.Ltmp1, $4  }
0x24: {  	[tilespmem:$0xE408] =	vst v0;
	[sflag:s9] =	ssyncpa.u1 $0x0;
	p0 =	sne.s32 s2, s28;
	s2 =	simm.s32 $0x1  }
0x25: {  	s14 =	sadd.s32 s31, s4;
	[sflag:s29] =	ssyncpa.u1 $0x0;
	s2 =	simm.s32 @!p0 $0x0  }
0x26: {  	s15 =	sadd.s32 s31, s0;
	[sflag:s30] =	ssyncpa.u1 $0x0;
	s13 =	sadd.s32 s2, s3  }
0x27: {  	v0 =	vlaneseq.u32;
	s22 =	smov.u32 s20;
	p0 =	por $0x1, $0x1;
	s11 =	sadd.s32 $0x1, s13  }
.LBB2_24:
0x28: {  	s2 =	sshrl.u32 s4, $0x2  }
.LBB2_26:
0x29: {  	_ =	swait.ge [sflag:s17], s2  }
0x2a: {  	s31 =	ssub.s32 $0x0, s2;
	v1 =	vmov s26;
	vm0 =	veq.s32 v0, $0x0;
	[sflag:s17] =	ssyncset.done $0x0  }
0x2b: {  	vm15 =	veq.s32 v0, $0x2;
	v1 =	vsel vm0, s0, v1;
	[sflag:s17] =	ssyncadd.s32 s31  }
0x2c: {  	v1 =	vsel vm15, s24, v1;
	[sflag:s17] =	ssyncpa.u1 $0x1  }
0x2d: {  	[tilespmem:$0xE408] =	vst v1  }
.LBB2_27:
0x2e: {  	s0 =	sadd.s32 $0x70, s22  }
0x2f: {  	s2 =	smov.u32 s20;
	p2 =	slt.s32 s0, s8  }
0x30: {  	s2 =	smov.u32 @p2 s0;
	p2 =	sne.s32 s23, s11  }
.Ltmp2:
0x31: {  	_ = 	snop;
	(pc) =	sbr.rel @!p2 .LBB2_28-.Ltmp2, $4  }
0x32: {  	_ = 	snop  }
0x33: {  	s24 =	smov.u32 s21  }
0x34: {  	s31 =	sadd.s32 $0x1, s23;
	s21 =	smov.u32 s22;
	p0 =	por !p0, !p0  }
0x35: {  	p1 =	por !p1, !p1;
	s23 =	smov.u32 s31;
	s22 =	smov.u32 s2  }
.LBB2_3:
0x36: {  	p2 =	sge.u32 s23, s13  }
0x37: {  	s0 =	smulhi.u32 @!p2 $0xAAAAAAAB, s23  }
0x38: {  	s2 =	smov.u32 s22;
	p3 =	sgt.s32 @!p2 s22, $0x13F90  }
0x39: {  	s3 =	sshra.s32 @!p2 s22, $0x1F;
	p3 =	por !p3, p2;
	s0 =	sshrl.u32 @!p2 s0, $0x1  }
0x3a: {  	s3 =	sand.u32 @!p2 s3, s22;
	s2 =	simm.s32 @p3 $0x13F90;
	s0 =	smul.u32 @!p2 $0x3, s0  }
0x3b: {  	s2 =	ssub.s32 @!p2 s2, s3  }
0x3c: {  	s2 =	sadd.s32 @!p2 $0xFFFEC070, s2;
	s0 =	ssub.s32 @!p2 s23, s0  }
0x3d: {  	s3 =	sshll.u32 @!p2 s2, $0x2;
	p3 =	sgt.s32 @!p2 s2, $0x6F;
	s0 =	smul.u32 @!p2 $0x1C0, s0  }
0x3e: {  	s4 =	sand.u32 @!p2 $0x7, s22;
	s2 =	ssub.s32 @!p2 $0x1C0, s3;
	p3 =	por !p3, p2  }
0x3f: {  	s3 =	sshrl.u32 @!p2 s22, $0x3;
	s2 =	sshrl.u32 @!p2 s2, $0x2;
	s0 =	sshrl.u32 @!p2 s0, $0x2  }
0x40: {  	s3 =	sadd.s32 @!p2 s3, s14;
	s2 =	simm.s32 @!p3 $0x0;
	s0 =	sadd.s32 @!p2 $0x10448, s0  }
0x41: {  	[tilespmem:s0], [sflag:$0xA] =	stream.linear.gather @!p2 [hbm4b:s3+s4], s2, $0x38;
	[tilespmem:$0x1E678] =	vst v63  }
0x42: {  	s2 =	sadd.s32 $0xFFFFFFFF, s23  }
0x43: {  	p2 =	sge.u32 s2, s13  }
0x44: {  	p3 =	sgt.s32 @!p2 s21, $0x13F90  }
0x45: {  	s0 =	smov.u32 s21;
	s3 =	sshra.s32 @!p2 s21, $0x1F;
	p3 =	por !p3, p2  }
0x46: {  	s3 =	sand.u32 @!p2 s3, s21;
	s0 =	simm.s32 @p3 $0x13F90  }
0x47: {  	s0 =	ssub.s32 @!p2 s0, s3  }
0x48: {  	s0 =	sadd.s32 @!p2 $0xFFFEC070, s0  }
0x49: {  	s3 =	sshll.u32 @!p2 s0, $0x2  }
0x4a: {  	p3 =	sgt.s32 @!p2 s0, $0x6F;
	s0 =	ssub.s32 @!p2 $0x1C0, s3  }
0x4b: {  	p3 =	por !p3, p2;
	s0 =	sshrl.u32 @!p2 s0, $0x2  }
0x4c: {  	s4 =	simm.s32 @!p2 $0xA;
	s3 =	sand.u32 @!p2 $0x1, s2;
	s0 =	simm.s32 @!p3 $0x0  }
0x4d: {  	s3 =	smul.u32 @!p2 $0x1C0, s3;
	_ =	swait.ge @!p2 [sflag:s4], s0  }
0x4e: {  	s5 =	ssub.s32 @!p2 $0x0, s0;
	[sflag:s4] =	ssyncset.done @!p2 $0x0  }
0x4f: {  	s3 =	sshrl.u32 @!p2 s3, $0x2;
	[sflag:s4] =	ssyncadd.s32 @!p2 s5;
	s4 =	sshrl.u32 @!p2 s21, $0x3  }
0x50: {  	s3 =	sadd.s32 @!p2 $0x10598, s3;
	s5 =	sand.u32 @!p2 $0x7, s21;
	s4 =	sadd.s32 @!p2 s4, s15  }
0x51: {  	[tilespmem:s3], [sflag:$0xB] =	stream.linear.gather @!p2 [hbm4b:s4+s5], s0, $0x38;
	[tilespmem:$0x1E678] =	vst v63  }
0x52: {  	s0 =	ssub.s32 @!p2 $0x14000, s21  }
0x53: {  	p3 =	slt.s32 @!p2 s0, $0x1  }
0x54: {  	p3 =	por p2, p3  }
.Ltmp3:
0x55: {  	_ = 	snop;
	(pc) =	sbr.rel @p3 .LBB2_9-.Ltmp3, $1  }
0x56: {  	_ =	sdelay $0x3  }
0x57: {  	s3 =	smulhi.u32 $0xAAAAAAAB, s2;
	_ =	sdelay $0x1  }
0x58: {  	s3 =	sshrl.u32 s3, $0x1  }
0x59: {  	s3 =	smul.u32 $0x3, s3;
	_ =	sdelay $0x1  }
0x5a: {  	s30 =	ssub.s32 s2, s3  }
0x5b: {  	s4 =	simm.s32 $0x1;
	s2 =	smul.u32 $0x1C0, s30  }
.Ltmp4:
0x5c: {  	s4 =	simm.s32 @!p0 $0x0;
	(pc) =	sbr.rel .LBB2_6-.Ltmp4, $4  }
0x5d: {  	s31 =	smul.u32 $0x1C000, s4  }
0x5e: {  	p3 =	slt.s32 @!p2 s0, $0x70;
	s2 =	sshrl.u32 s2, $0x2  }
0x5f: {  	p2 =	por !p3, p2;
	s3 =	sshrl.u32 s31, $0x2;
	s5 =	sadd.s32 $0x10448, s2  }
0x60: {  	s0 =	simm.s32 @p2 $0x70;
	s4 =	sor.u32 $0x10678, s3;
	s2 =	simm.s32 $0x0;
	v1 =	vmov s5  }
.LBB2_5:
0x61: {  	p2 =	sge.s32 s2, s0  }
.Ltmp5:
0x62: {  	_ = 	snop;
	(pc) =	sbr.rel @p2 .LBB2_9-.Ltmp5, $2  }
0x63: {  	_ =	sdelay $0x2  }
0x64: {  	s4 =	sadd.s32 $0x1000, s4  }
.LBB2_6:
0x65: {  	p2 =	sle.s32 s0, s2  }
.Ltmp6:
0x66: {  	_ = 	snop;
	(pc) =	sbr.rel @p2 .LBB2_5-.Ltmp6, $2  }
0x67: {  	_ =	sdelay $0x2  }
0x68: {  	s5 =	smov.u32 s2;
	s2 =	sadd.s32 $0x10, s2  }
0x69: {  	s3 =	ssub.s32 s0, s5  }
0x6a: {  	p2 =	slt.s32 s3, $0x10  }
0x6b: {  	s3 =	simm.s32 @!p2 $0x10  }
0x6c: {  	v2 =	vmov s3  }
0x6d: {  	vm0 =	vgt.s32 v2, v0;
	_ =	sdelay $0x5  }
0x6e: {  	v2 =	vld.idx.msk [tilespmem:v1+s5+$0x0 ss:$0x1], vm0;
	_ =	sdelay $0x2  }
0x6f: {  	p2 =	slt.s32 s2, s0;
	s3 =	smov.u32 s0  }
0x70: {  	s9 =	smov.u32 s4;
	s25 =	simm.s32 $0x0;
	s3 =	smov.u32 @p2 s2  }
.LBB2_8:
0x71: {  	(v2sf) =	vpush v2, s25;
	_ =	sdelay $0xe  }
0x72: {  	s25 =	sadd.s32 $0x1, s25;
	s10 =	spop (v2sf)  }
0x73: {  	s31 =	sadd.s32 s25, s5;
	s26 =	sshll.u32 s10, $0x8;
	s10 =	sshll.u32 s10, $0x7  }
0x74: {  	p2 =	slt.s32 s31, s3;
	s26 =	sand.u32 $0xFFFFF800, s26;
	s10 =	sand.u32 $0x380, s10  }
.Ltmp7:
0x75: {  	s10 =	sor.u32 s10, s26;
	(pc) =	sbr.rel @p2 .LBB2_8-.Ltmp7, $4  }
0x76: {  	s10 =	sshrl.u32 s10, $0x3  }
0x77: {  	s10 =	sadd.s32 s6, s10  }
0x78: {  	[tilespmem:s9], [sflag:$0x9] =	stream.strided.gather [hbm4b:s10+s18], $0x100, s19, s18, $0x38;
	[tilespmem:$0x1E678] =	vst v63  }
0x79: {  	s9 =	sadd.s32 $0x100, s9  }
.Ltmp8:
0x7a: {  	_ = 	snop;
	(pc) =	sbr.rel .LBB2_5-.Ltmp8, $1  }
0x7b: {  	_ =	sdelay $0x3  }
.LBB2_9:
0x7c: {  	p2 =	slt.u32 s23, $0x2  }
.Ltmp9:
0x7d: {  	_ = 	snop;
	(pc) =	sbr.rel @p2 .LBB2_27-.Ltmp9, $1  }
0x7e: {  	_ =	sdelay $0x3  }
0x7f: {  	p2 =	sgt.s32 s24, $0x13F90  }
0x80: {  	s0 =	smov.u32 s24;
	s2 =	sshra.s32 s24, $0x1F;
	s3 =	ssub.s32 $0x14000, s24  }
0x81: {  	s0 =	simm.s32 @!p2 $0x13F90;
	s2 =	sand.u32 s2, s24;
	p2 =	slt.s32 s3, $0x70  }
0x82: {  	s0 =	ssub.s32 s0, s2;
	s3 =	simm.s32 @!p2 $0x70  }
0x83: {  	s0 =	sadd.s32 $0xFFFEC070, s0;
	s9 =	sshll.u32 s3, $0x8  }
0x84: {  	s26 =	simm.s32 $0x9;
	s10 =	sshll.u32 s0, $0x2;
	s2 =	sand.u32 $0x3FFFFF00, s9  }
0x85: {  	p2 =	sgt.s32 s0, $0x6F;
	s25 =	ssub.s32 $0x1C0, s10;
	_ =	swait.ge [sflag:s26], s2  }
0x86: {  	s2 =	ssub.s32 $0x0, s2;
	[sflag:s26] =	ssyncset.done $0x0;
	s0 =	sshrl.u32 s25, $0x2  }
0x87: {  	s29 =	simm.s32 $0xB;
	[sflag:s26] =	ssyncadd.s32 s2;
	s0 =	simm.s32 @p2 $0x0  }
0x88: {  	_ =	swait.ge [sflag:s29], s0  }
0x89: {  	s0 =	ssub.s32 $0x0, s0;
	[sflag:s29] =	ssyncset.done $0x0  }
0x8a: {  	[sflag:s29] =	ssyncadd.s32 s0  }
0x8b: {  	v1 =	vld [tilespmem:$0xE408];
	_ =	sdelay $0x4  }
0x8c: {  	(v2sf) =	vpush v1, $0x0  }
0x8d: {  	(v2sf) =	vpush v1, $0x1  }
0x8e: {  	(v2sf) =	vpush v1, $0x2;
	_ =	sdelay $0x3  }
0x8f: {  	s0 =	sadd.s32 $0x70, s24  }
0x90: {  	s2 =	ssub.s32 $0x28000, s24;
	p2 =	slt.s32 s8, s0  }
0x91: {  	s0 =	smov.u32 @p2 s8;
	p2 =	sgt.s32 s2, $0x0  }
0x92: {  	s0 =	ssub.s32 s0, s24;
	s2 =	simm.s32 @!p2 $0x0  }
0x93: {  	p2 =	slt.s32 s2, s0  }
0x94: {  	s0 =	smov.u32 @p2 s2  }
0x95: {  	s4 =	simm.s32 $0x1;
	p2 =	slt.s32 s0, $0x1  }
.Ltmp10:
0x96: {  	s4 =	simm.s32 @!p1 $0x0;
	(pc) =	sbr.rel @p2 .LBB2_14-.Ltmp10, $4  }
0x97: {  	s30 =	smul.u32 $0x1C0, s4  }
0x98: {  	s5 =	spop (v2sf)  }
0x99: {  	s31 =	sshrl.u32 s30, $0x2;
	s28 =	spop (v2sf)  }
0x9a: {  	s25 =	sadd.s32 $0x10598, s31;
	s24 =	spop (v2sf)  }
0x9b: {  	s2 =	smin.u32 s0, $0x10  }
0x9c: {  	v1 =	vmov s2  }
0x9d: {  	vm1 =	vgt.u32 v1, v0  }
0x9e: {  	p3 =	sgt.s32 s0, $0x10  }
.Ltmp11:
0x9f: {  	_ = 	snop;
	(pc) =	sbr.rel @!p3 .LBB2_13-.Ltmp11, $2  }
0xa0: {  	_ =	sdelay $0x2  }
0xa1: {  	s26 =	simm.s32 $0x10;
	s29 =	sadd.s32 $0xFFFFFFF0, s0;
	s2 =	smov.u32 s25;
	vm0 =	vmmov vm1;
	v1 =	vld.msk [tilespmem:s25+$0x0 ss:$0x1], vm1  }
.LBB2_12:
0xa2: {  	s3 =	smin.u32 s29, $0x10;
	s26 =	sadd.s32 $0x10, s26  }
0xa3: {  	v2 =	vmov s3;
	p3 =	slt.s32 s26, s0  }
0xa4: {  	vm1 =	vgt.u32 v2, v0;
	_ =	sdelay $0x1  }
0xa5: {  	v2 =	vshll.u32 v1, $0x5;
	v1 =	vshll.u32 v1, $0x4  }
.Ltmp12:
0xa6: {  	v2 =	vand.u32 $0xFFFFFF00, v2;
	v1 =	vand.u32 $0x70, v1;
	(pc) =	sbr.rel @p3 .LBB2_12-.Ltmp12, $4  }
0xa7: {  	v1 =	vor.u32 v1, v2  }
0xa8: {  	[tilespmem:s2+$0x0] =	vst.msk vm0, v1;
	s2 =	sadd.s32 $0x10, s2;
	vm0 =	vmmov vm1  }
0xa9: {  	v1 =	vld.msk [tilespmem:s2+$0x0 ss:$0x1], vm1  }
0xaa: {  	s29 =	sadd.s32 $0xFFFFFFF0, s29  }
.LBB2_13:
0xab: {  	_ =	sdelay $0x3  }
0xac: {  	v2 =	vshll.u32 v1, $0x5;
	v1 =	vshll.u32 v1, $0x4  }
0xad: {  	v2 =	vand.u32 $0xFFFFFF00, v2;
	v1 =	vand.u32 $0x70, v1  }
0xae: {  	v1 =	vor.u32 v1, v2  }
0xaf: {  	[tilespmem:s2+$0x0] =	vst.msk vm0, v1  }
.LBB2_14:
0xb0: {  	s2 =	sand.u32 $0x1, s23  }
0xb1: {  	s2 =	smul.u32 $0x70, s2  }
0xb2: {  	p3 =	sne.s32 s28, $0xFFFFFFFF  }
0xb3: {  	v1 =	vld.msk @!p3 [tilespmem:s2+$0x10598], $0x1;
	_ =	sdelay $0x4  }
0xb4: {  	(v2sf) =	vpush @!p3 v1, $0x0;
	_ =	sdelay $0xc  }
.Ltmp13:
0xb5: {  	_ = 	snop;
	(pc) =	sbr.rel @p2 .LBB2_25-.Ltmp13, $4  }
0xb6: {  	_ = 	snop  }
0xb7: {  	s31 =	spop @!p3 (v2sf)  }
0xb8: {  	s24 =	simm.s32 @!p3 $0x0;
	s26 =	smov.u32 s31  }
0xb9: {  	[sflag:s17] =	ssyncpa.u1 $0x0;
	s31 =	smov.u32 @p3 s5;
	s26 =	smov.u32 @p3 s28  }
0xba: {  	v1 =	vld.msk [tilespmem:s25+$0x0], $0x1;
	_ =	sdelay $0x4  }
0xbb: {  	(v2sf) =	vpush v1, $0x0;
	_ =	sdelay $0xe  }
0xbc: {  	s7 =	smov.u32 s11;
	s5 =	spop (v2sf)  }
0xbd: {  	s17 =	smov.u32 s15;
	s2 =	smul.u32 $0x1C000, s4;
	p2 =	seq.s32 s31, s5  }
0xbe: {  	s3 =	smov.u32 s31;
	s29 =	ssub.s32 $0x0, s0;
	p3 =	sgt.s32 @!p2 s31, $0x0  }
0xbf: {  	s30 =	simm.s32 $0x0;
	s2 =	sshrl.u32 s2, $0x2;
	p3 =	por !p3, p2  }
0xc0: {  	s0 =	sadd.s32 $0x1, s29;
	s28 =	sor.u32 $0x106F8, s2;
	s3 =	simm.s32 @p3 $0x0  }
0xc1: {  	s2 =	simm.s32 @!p2 $0x1;
	p3 =	seq.s32 s0, $0x0;
	s3 =	smin.u32 @!p2 s3, $0x4E170  }
.Ltmp14:
0xc2: {  	s4 =	simm.s32 @!p2 $0x7308;
	s9 =	sand.u32 @!p2 $0x7FFF8, s3;
	(pc) =	sbr.rel @p3 .LBB2_17-.Ltmp14, $4  }
0xc3: {  	s10 =	sadd.s32 @!p2 $0x80, s3;
	s11 =	sadd.s32 @!p2 s1, s9;
	s9 =	sand.u32 @!p2 $0x7, s3  }
0xc4: {  	[tilespmem:s4], [sflag:$0x2] =	stream.linear.gather @!p2 [hbm4b:s11+s9], $0x80, $0x38;
	[tilespmem:$0x1E678] =	vst v63  }
0xc5: {  	s15 =	smov.u32 s14;
	s2 =	smov.u32 @p2 s30;
	s4 =	sand.u32 @!p2 $0xFFFF8, s10  }
0xc6: {  	s3 =	simm.s32 @!p2 $0x7388;
	s10 =	sadd.s32 @!p2 s1, s4;
	s4 =	sadd.s32 $0x1, s25  }
.LBB2_16:
0xc7: {  	s11 =	smov.u32 s2  }
0xc8: {  	[tilespmem:s3], [sflag:$0x2] =	stream.linear.gather @!p2 [hbm4b:s10+s9], $0x80, $0x38;
	[tilespmem:$0x1E678] =	vst v63  }
0xc9: {  	s0 =	sadd.s32 $0x1, s0;
	s9 =	smov.u32 s5;
	v1 =	vld.msk [tilespmem:s4+$0x0], $0x1  }
0xca: {  	p3 =	seq.s32 s0, $0x0;
	_ =	sdelay $0x3  }
0xcb: {  	(v2sf) =	vpush v1, $0x0;
	_ =	sdelay $0xe  }
0xcc: {  	s5 =	spop (v2sf)  }
0xcd: {  	p2 =	seq.s32 s9, s5  }
0xce: {  	p4 =	sgt.s32 @!p2 s9, $0x0;
	s3 =	sshll.u32 @!p2 s2, $0xA;
	s2 =	sadd.s32 @!p2 $0x1, s2  }
0xcf: {  	p4 =	por !p4, p2;
	s3 =	sshra.s32 @!p2 s3, $0x2;
	s2 =	smov.u32 @p2 s11  }
0xd0: {  	s9 =	simm.s32 @p4 $0x0;
	s10 =	sadd.s32 @!p2 $0x7308, s3;
	s3 =	sadd.s32 @!p2 $0x7388, s3  }
.Ltmp15:
0xd1: {  	s9 =	smin.u32 @!p2 s9, $0x4E170;
	(pc) =	sbr.rel @!p3 .LBB2_16-.Ltmp15, $4  }
0xd2: {  	s11 =	sand.u32 @!p2 $0x7FFF8, s9;
	s14 =	sadd.s32 @!p2 $0x80, s9  }
0xd3: {  	s9 =	sand.u32 @!p2 $0x7, s9;
	s11 =	sadd.s32 @!p2 s1, s11;
	s14 =	sand.u32 @!p2 $0xFFFF8, s14  }
0xd4: {  	[tilespmem:s10], [sflag:$0x2] =	stream.linear.gather @!p2 [hbm4b:s11+s9], $0x80, $0x38;
	[tilespmem:$0x1E678] =	vst v63  }
0xd5: {  	s4 =	sadd.s32 $0x1, s4;
	s10 =	sadd.s32 @!p2 s1, s14  }
.LBB2_17:
0xd6: {  	[tilespmem:s3], [sflag:$0x2] =	stream.linear.gather @!p2 [hbm4b:s10+s9], $0x80, $0x38;
	[tilespmem:$0x1E678] =	vst v63  }
0xd7: {  	s0 =	sshll.u32 s2, $0x8  }
.Ltmp16:
0xd8: {  	s14 =	simm.s32 $0x2;
	s0 =	sand.u32 $0x3FFFFF00, s0;
	(pc) =	sbr.rel .LBB2_18-.Ltmp16, $4  }
0xd9: {  	_ =	swait.ge [sflag:s14], s0  }
0xda: {  	s0 =	ssub.s32 $0x0, s0;
	[sflag:s14] =	ssyncset.done $0x0  }
0xdb: {  	s4 =	simm.s32 $0x0;
	s11 =	smov.u32 s7;
	[sflag:s14] =	ssyncadd.s32 s0  }
0xdc: {  	s14 =	smov.u32 s15;
	s15 =	smov.u32 s17;
	s17 =	simm.s32 $0xC  }
.LBB2_19:
0xdd: {  	v1 =	vld [tilespmem:s28+$0xFFFFFF80];
	_ =	sdelay $0x4  }
0xde: {  	[tilespmem:s5+$0x208] =	vst.add.f32.msk $0xffff, v1  }
0xdf: {  	v1 =	vld [tilespmem:s28+$0xFFFFFF90];
	_ =	sdelay $0x4  }
0xe0: {  	[tilespmem:s5+$0x218] =	vst.add.f32.msk $0xffff, v1  }
0xe1: {  	v1 =	vld [tilespmem:s28+$0xFFFFFFA0];
	_ =	sdelay $0x4  }
0xe2: {  	[tilespmem:s5+$0x228] =	vst.add.f32.msk $0xffff, v1  }
0xe3: {  	v1 =	vld [tilespmem:s28+$0xFFFFFFB0];
	_ =	sdelay $0x4  }
0xe4: {  	[tilespmem:s5+$0x238] =	vst.add.f32.msk $0xffff, v1  }
0xe5: {  	v1 =	vld [tilespmem:s28+$0xFFFFFFC0];
	_ =	sdelay $0x4  }
0xe6: {  	[tilespmem:s5+$0x248] =	vst.add.f32.msk $0xffff, v1  }
0xe7: {  	v1 =	vld [tilespmem:s28+$0xFFFFFFD0];
	_ =	sdelay $0x4  }
0xe8: {  	[tilespmem:s5+$0x258] =	vst.add.f32.msk $0xffff, v1  }
0xe9: {  	v1 =	vld [tilespmem:s28+$0xFFFFFFE0];
	_ =	sdelay $0x4  }
0xea: {  	[tilespmem:s5+$0x268] =	vst.add.f32.msk $0xffff, v1  }
0xeb: {  	v1 =	vld [tilespmem:s28+$0xFFFFFFF0];
	_ =	sdelay $0x4  }
0xec: {  	[tilespmem:s5+$0x278] =	vst.add.f32.msk $0xffff, v1  }
0xed: {  	v1 =	vld [tilespmem:s28+$0x0];
	_ =	sdelay $0x4  }
0xee: {  	[tilespmem:s5+$0x288] =	vst.add.f32.msk $0xffff, v1  }
0xef: {  	v1 =	vld [tilespmem:s28+$0x10];
	_ =	sdelay $0x4  }
0xf0: {  	[tilespmem:s5+$0x298] =	vst.add.f32.msk $0xffff, v1  }
0xf1: {  	v1 =	vld [tilespmem:s28+$0x20];
	_ =	sdelay $0x4  }
0xf2: {  	[tilespmem:s5+$0x2A8] =	vst.add.f32.msk $0xffff, v1  }
0xf3: {  	v1 =	vld [tilespmem:s28+$0x30];
	_ =	sdelay $0x4  }
0xf4: {  	[tilespmem:s5+$0x2B8] =	vst.add.f32.msk $0xffff, v1  }
0xf5: {  	v1 =	vld [tilespmem:s28+$0x40];
	_ =	sdelay $0x4  }
0xf6: {  	[tilespmem:s5+$0x2C8] =	vst.add.f32.msk $0xffff, v1  }
0xf7: {  	v1 =	vld [tilespmem:s28+$0x50];
	_ =	sdelay $0x4  }
0xf8: {  	[tilespmem:s5+$0x2D8] =	vst.add.f32.msk $0xffff, v1  }
0xf9: {  	v1 =	vld [tilespmem:s28+$0x60];
	_ =	sdelay $0x4  }
0xfa: {  	[tilespmem:s5+$0x2E8] =	vst.add.f32.msk $0xffff, v1  }
0xfb: {  	v1 =	vld [tilespmem:s28+$0x70];
	_ =	sdelay $0x4  }
0xfc: {  	[tilespmem:s5+$0x2F8] =	vst.add.f32.msk $0xffff, v1  }
.LBB2_23:
0xfd: {  	s29 =	sadd.s32 $0x1, s29  }
0xfe: {  	p2 =	seq.s32 s29, $0x0  }
.Ltmp17:
0xff: {  	_ = 	snop;
	(pc) =	sbr.rel @p2 .LBB2_24-.Ltmp17, $2  }
0x100: {  	_ =	sdelay $0x2  }
0x101: {  	s25 =	sadd.s32 $0x1, s25;
	s28 =	sadd.s32 $0x100, s28;
	s31 =	smov.u32 s0  }
.LBB2_18:
0x102: {  	v1 =	vld.msk [tilespmem:s25+$0x0], $0x1;
	_ =	sdelay $0x4  }
0x103: {  	(v2sf) =	vpush v1, $0x0;
	_ =	sdelay $0xe  }
0x104: {  	s0 =	spop (v2sf)  }
0x105: {  	p2 =	sne.s32 s31, s0  }
.Ltmp18:
0x106: {  	_ = 	snop;
	(pc) =	sbr.rel @!p2 .LBB2_19-.Ltmp18, $3  }
0x107: {  	_ =	sdelay $0x1  }
0x108: {  	s2 =	sshll.u32 s24, $0xA  }
0x109: {  	s5 =	sshra.s32 s2, $0x2  }
0x10a: {  	p2 =	seq.s32 s31, s26  }
.Ltmp19:
0x10b: {  	_ = 	snop;
	(pc) =	sbr.rel @!p2 .LBB2_21-.Ltmp19, $1  }
0x10c: {  	_ =	sdelay $0x3  }
.Ltmp20:
0x10d: {  	s2 =	sadd.s32 $0x208, s5;
	(pc) =	sbr.rel .LBB2_22-.Ltmp20, $4  }
0x10e: {  	[spmem:s16] =	stream.linear.scatter [tilespmem:s2], [sflag:$0x1], $0x100, $0x38;
	[tilespmem:$0x1E678] =	vst v63  }
0x10f: {  	_ =	swait.ge [sflag:s12], $0x100  }
0x110: {  	[sflag:s12] =	ssyncset.done $0x0  }
0x111: {  	[sflag:s12] =	ssyncadd.s32 $0xFFFFFF00  }
.LBB2_21:
0x112: {  	s2 =	sshll.u32 s30, $0xA  }
0x113: {  	s2 =	sshra.s32 s2, $0x2  }
0x114: {  	v1 =	vld [tilespmem:s2+$0x7308];
	_ =	sdelay $0x4  }
0x115: {  	[tilespmem:s5+$0x208] =	vst.add.f32.msk $0xffff, v1  }
0x116: {  	v1 =	vld [tilespmem:s2+$0x7318];
	_ =	sdelay $0x4  }
0x117: {  	[tilespmem:s5+$0x218] =	vst.add.f32.msk $0xffff, v1  }
0x118: {  	v1 =	vld [tilespmem:s2+$0x7328];
	_ =	sdelay $0x4  }
0x119: {  	[tilespmem:s5+$0x228] =	vst.add.f32.msk $0xffff, v1  }
0x11a: {  	v1 =	vld [tilespmem:s2+$0x7338];
	_ =	sdelay $0x4  }
0x11b: {  	[tilespmem:s5+$0x238] =	vst.add.f32.msk $0xffff, v1  }
0x11c: {  	v1 =	vld [tilespmem:s2+$0x7348];
	_ =	sdelay $0x4  }
0x11d: {  	[tilespmem:s5+$0x248] =	vst.add.f32.msk $0xffff, v1  }
0x11e: {  	v1 =	vld [tilespmem:s2+$0x7358];
	_ =	sdelay $0x4  }
0x11f: {  	[tilespmem:s5+$0x258] =	vst.add.f32.msk $0xffff, v1  }
0x120: {  	v1 =	vld [tilespmem:s2+$0x7368];
	_ =	sdelay $0x4  }
0x121: {  	[tilespmem:s5+$0x268] =	vst.add.f32.msk $0xffff, v1  }
0x122: {  	v1 =	vld [tilespmem:s2+$0x7378];
	_ =	sdelay $0x4  }
0x123: {  	[tilespmem:s5+$0x278] =	vst.add.f32.msk $0xffff, v1  }
0x124: {  	v1 =	vld [tilespmem:s2+$0x7388];
	_ =	sdelay $0x4  }
0x125: {  	[tilespmem:s5+$0x288] =	vst.add.f32.msk $0xffff, v1  }
0x126: {  	v1 =	vld [tilespmem:s2+$0x7398];
	_ =	sdelay $0x4  }
0x127: {  	[tilespmem:s5+$0x298] =	vst.add.f32.msk $0xffff, v1  }
0x128: {  	v1 =	vld [tilespmem:s2+$0x73A8];
	_ =	sdelay $0x4  }
0x129: {  	[tilespmem:s5+$0x2A8] =	vst.add.f32.msk $0xffff, v1  }
0x12a: {  	v1 =	vld [tilespmem:s2+$0x73B8];
	_ =	sdelay $0x4  }
0x12b: {  	[tilespmem:s5+$0x2B8] =	vst.add.f32.msk $0xffff, v1  }
0x12c: {  	v1 =	vld [tilespmem:s2+$0x73C8];
	_ =	sdelay $0x4  }
0x12d: {  	[tilespmem:s5+$0x2C8] =	vst.add.f32.msk $0xffff, v1  }
0x12e: {  	v1 =	vld [tilespmem:s2+$0x73D8];
	_ =	sdelay $0x4  }
0x12f: {  	[tilespmem:s5+$0x2D8] =	vst.add.f32.msk $0xffff, v1  }
0x130: {  	v1 =	vld [tilespmem:s2+$0x73E8];
	_ =	sdelay $0x4  }
0x131: {  	[tilespmem:s5+$0x2E8] =	vst.add.f32.msk $0xffff, v1  }
0x132: {  	v1 =	vld [tilespmem:s2+$0x73F8];
	_ =	sdelay $0x2  }
0x133: {  	p2 =	sgt.u32 s31, $0x4E170  }
0x134: {  	s2 =	sand.u32 @!p2 $0x7FFF8, s31  }
0x135: {  	s3 =	sadd.s32 $0x208, s5;
	s9 =	sand.u32 @!p2 $0x7, s31;
	s2 =	sadd.s32 @!p2 s1, s2;
	[tilespmem:s5+$0x2F8] =	vst.add.f32.msk $0xffff, v1  }
0x136: {  	[hbm4b:s2+s9] =	stream.linear.scatter @!p2 [tilespmem:s3], [sflag:$0xC], $0x80, $0x38;
	[tilespmem:$0x1E678] =	vst v63  }
0x137: {  	s2 =	sadd.s32 @!p2 $0x80, s31  }
0x138: {  	s2 =	sand.u32 @!p2 $0xFFFF8, s2  }
0x139: {  	s3 =	sadd.s32 $0x288, s5;
	s2 =	sadd.s32 @!p2 s1, s2  }
0x13a: {  	[hbm4b:s2+s9] =	stream.linear.scatter @!p2 [tilespmem:s3], [sflag:$0xC], $0x80, $0x38;
	[tilespmem:$0x1E678] =	vst v63  }
0x13b: {  	s2 =	simm.s32 $0x0  }
0x13c: {  	s2 =	simm.s32 @!p2 $0x400  }
0x13d: {  	s4 =	sadd.s32 s2, s4  }
.LBB2_22:
0x13e: {  	s2 =	sadd.s32 $0x1, s24  }
0x13f: {  	s3 =	sshrl.u32 s2, $0x4  }
0x140: {  	s3 =	smulhi.u32 $0x24924925, s3  }
0x141: {  	v1 =	vld [tilespmem:s28+$0xFFFFFF80]  }
0x142: {  	s3 =	smul.u32 $0x70, s3;
	_ =	sdelay $0x1  }
0x143: {  	s24 =	ssub.s32 s2, s3  }
0x144: {  	s2 =	sshll.u32 s24, $0x8  }
0x145: {  	[tilespmem:s2+$0x208] =	vst v1  }
0x146: {  	v1 =	vld [tilespmem:s28+$0xFFFFFF90];
	_ =	sdelay $0x4  }
0x147: {  	[tilespmem:s2+$0x218] =	vst v1  }
0x148: {  	v1 =	vld [tilespmem:s28+$0xFFFFFFA0];
	_ =	sdelay $0x4  }
0x149: {  	[tilespmem:s2+$0x228] =	vst v1  }
0x14a: {  	v1 =	vld [tilespmem:s28+$0xFFFFFFB0];
	_ =	sdelay $0x4  }
0x14b: {  	[tilespmem:s2+$0x238] =	vst v1  }
0x14c: {  	v1 =	vld [tilespmem:s28+$0xFFFFFFC0];
	_ =	sdelay $0x4  }
0x14d: {  	[tilespmem:s2+$0x248] =	vst v1  }
0x14e: {  	v1 =	vld [tilespmem:s28+$0xFFFFFFD0];
	_ =	sdelay $0x4  }
0x14f: {  	[tilespmem:s2+$0x258] =	vst v1  }
0x150: {  	v1 =	vld [tilespmem:s28+$0xFFFFFFE0];
	_ =	sdelay $0x4  }
0x151: {  	[tilespmem:s2+$0x268] =	vst v1  }
0x152: {  	v1 =	vld [tilespmem:s28+$0xFFFFFFF0];
	_ =	sdelay $0x4  }
0x153: {  	[tilespmem:s2+$0x278] =	vst v1  }
0x154: {  	v1 =	vld [tilespmem:s28+$0x0];
	_ =	sdelay $0x4  }
0x155: {  	[tilespmem:s2+$0x288] =	vst v1  }
0x156: {  	v1 =	vld [tilespmem:s28+$0x10];
	_ =	sdelay $0x4  }
0x157: {  	[tilespmem:s2+$0x298] =	vst v1  }
0x158: {  	v1 =	vld [tilespmem:s28+$0x20];
	_ =	sdelay $0x4  }
0x159: {  	[tilespmem:s2+$0x2A8] =	vst v1  }
0x15a: {  	v1 =	vld [tilespmem:s28+$0x30];
	_ =	sdelay $0x4  }
0x15b: {  	[tilespmem:s2+$0x2B8] =	vst v1  }
0x15c: {  	v1 =	vld [tilespmem:s28+$0x40];
	_ =	sdelay $0x4  }
0x15d: {  	[tilespmem:s2+$0x2C8] =	vst v1  }
0x15e: {  	v1 =	vld [tilespmem:s28+$0x50];
	_ =	sdelay $0x4  }
0x15f: {  	[tilespmem:s2+$0x2D8] =	vst v1  }
0x160: {  	v1 =	vld [tilespmem:s28+$0x60];
	_ =	sdelay $0x4  }
0x161: {  	[tilespmem:s2+$0x2E8] =	vst v1  }
0x162: {  	v1 =	vld [tilespmem:s28+$0x70]  }
.Ltmp21:
0x163: {  	_ = 	snop;
	(pc) =	sbr.rel .LBB2_23-.Ltmp21, $2  }
0x164: {  	_ =	sdelay $0x2  }
0x165: {  	s30 =	sadd.s32 $0x1, s30;
	[tilespmem:s2+$0x2F8] =	vst v1  }
.LBB2_25:
.Ltmp22:
0x166: {  	(pc) =	sbr.rel .LBB2_26-.Ltmp22, $4  }
0x167: {  	_ = 	snop  }
0x168: {  	s0 =	simm.s32 $0x2  }
0x169: {  	_ =	swait.ge [sflag:s0], $0x0  }
0x16a: {  	s2 =	simm.s32 $0x0;
	[sflag:s0] =	ssyncset.done $0x0;
	s0 =	smov.u32 s31  }
.LBB2_28:
0x16b: {  	_ =	sfence.sel $0x180000  }
0x16c: {  	s0 =	simm.s32 $0x9;
	[bflag:$0x0] =	sbarrier.arrive $0xFFFF  }
0x16d: {  	s24 =	simm.s32 $0xA;
	[sflag:s0] =	ssyncpa.u1 $0x1  }
0x16e: {  	s25 =	simm.s32 $0xB;
	[sflag:s24] =	ssyncpa.u1 $0x1  }
0x16f: {  	s26 =	simm.s32 $0x2;
	[sflag:s25] =	ssyncpa.u1 $0x1  }
0x170: {  	[sflag:s26] =	ssyncpa.u1 $0x1  }
0x171: {  	v0 =	vld [tilespmem:$0xE408];
	_ =	sdelay $0x4  }
0x172: {  	(v2sf) =	vpush v0, $0x0  }
0x173: {  	(v2sf) =	vpush v0, $0x1;
	_ =	sdelay $0x1  }
0x174: {  	(v2sf) =	vpush v0, $0x2;
	_ =	sdelay $0xb  }
0x175: {  	s0 =	spop (v2sf)  }
0x176: {  	s2 =	spop (v2sf)  }
0x177: {  	s3 =	smov.u32 s0;
	p0 =	sne.s32 s0, s2  }
0x178: {  	s4 =	spop (v2sf);
	s3 =	simm.s32 @!p0 $0xFFFFFFFF  }
0x179: {  	v2 =	vimm.s32 $0x1;
	v3 =	vlaneseq.u32;
	p0 =	seq.s32 s4, $0xFFFFFFFF;
	v1 =	vmov s3  }
0x17a: {  	s15 =	stileid.u32;
	v0 =	vperm.xlane v0, v2;
	p1 =	sne.s32 @!p0 s0, s2;
	v1 =	vperm.xlane v1, v3  }
0x17b: {  	vm0 =	vcmask $0x3F04;
	s6 =	simm.s32 $0xE408;
	s0 =	simm.s32 @!p0 $0x1;
	p1 =	por !p1, p0  }
0x17c: {  	s3 =	sshll.u32 s15, $0x1;
	s2 =	sshll.u32 @!p0 s4, $0xA;
	s0 =	simm.s32 @p1 $0x0;
	v0 =	vsel vm0, v1, v0  }
0x17d: {  	s5 =	sor.u32 $0x2000, s3;
	s2 =	sshra.s32 @!p0 s2, $0x2;
	s0 =	sor.u32 @!p0 s0, s3;
	[tilespmem:$0xE408] =	vst v0  }
0x17e: {  	[spmem:s5] =	stream.linear.scatter [tilespmem:s6], [sflag:$0x1], $0x2, $0x38;
	[tilespmem:$0x1E678] =	vst v63  }
0x17f: {  	s2 =	sadd.s32 @!p0 $0x208, s2;
	s0 =	sshll.u32 @!p0 s0, $0x8  }
0x180: {  	[spmem:s0] =	stream.linear.scatter @!p0 [tilespmem:s2], [sflag:$0x1], $0x100, $0x38;
	[tilespmem:$0x1E678] =	vst v63  }
0x181: {  	s0 =	simm.s32 @!p0 $0x102  }
0x182: {  	s28 =	simm.s32 $0x1;
	s0 =	simm.s32 @p0 $0x2  }
0x183: {  	_ =	swait.ge [sflag:s28], s0  }
0x184: {  	s0 =	ssub.s32 $0x0, s0;
	[sflag:s28] =	ssyncset.done $0x0  }
0x185: {  	p0 =	sne.s32 s15, $0x0;
	[sflag:s28] =	ssyncadd.s32 s0  }
.Ltmp23:
0x186: {  	_ =	sfence.stream.spmem;
	(pc) =	sbr.rel @p0 .LBB2_45-.Ltmp23, $4  }
0x187: {  	s29 =	simm.s32 $0x3;
	[bflag:$0x0] =	sbarrier.arrive $0xFFFF  }
0x188: {  	s30 =	simm.s32 $0x4;
	[sflag:s29] =	ssyncpa.u1 $0x1  }
0x189: {  	s31 =	simm.s32 $0x3C;
	[sflag:s30] =	ssyncpa.u1 $0x1  }
0x18a: {  	s14 =	rddreg [dreg:$0x5];
	[sflag:s31] =	ssyncpa.u1 $0x1  }
0x18b: {  	_ =	sfence.stream.spmem;
	s0 =	simm.s32 $0x5  }
0x18c: {  	s2 =	simm.s32 $0x2000;
	s3 =	simm.s32 $0xE418;
	[sflag:s0] =	ssyncpa.u1 $0x0  }
0x18d: {  	[tilespmem:s3], [sflag:$0x5] =	stream.linear.gather [spmem:s2], $0x20, $0x38;
	[tilespmem:$0x1E678] =	vst v63  }
0x18e: {  	s26 =	simm.s32 $0x0;
	s28 =	simm.s32 $0xE438  }
0x18f: {  	[tilespmem:s28], [sflag:$0x5] =	stream.linear.gather [spmem:s26], $0x2000, $0x38;
	[tilespmem:$0x1E678] =	vst v63  }
0x190: {  	_ =	swait.ge [sflag:s0], $0x2020  }
0x191: {  	[sflag:s0] =	ssyncset.done $0x0  }
0x192: {  	s29 =	simm.s32 $0x0;
	[sflag:s0] =	ssyncadd.s32 $0xFFFFDFE0  }
0x193: {  	v0 =	vld.msk [tilespmem:s29+$0xE418], $0x1;
	_ =	sdelay $0x1  }
0x194: {  	s30 =	simm.s32 $0x1  }
0x195: {  	v1 =	vld.msk [tilespmem:s30+$0xE418], $0x1;
	_ =	sdelay $0x1  }
0x196: {  	(v2sf) =	vpush v0, $0x0;
	_ =	sdelay $0x2  }
0x197: {  	(v2sf) =	vpush v1, $0x0;
	_ =	sdelay $0x2  }
0x198: {  	s31 =	simm.s32 $0x2  }
0x199: {  	v0 =	vld.msk [tilespmem:s31+$0xE418], $0x1;
	_ =	sdelay $0x2  }
0x19a: {  	s2 =	simm.s32 $0xFFFFFFFF;
	s3 =	simm.s32 $0xFFFFFFFF;
	s0 =	simm.s32 $0xC  }
.LBB2_30:
0x19b: {  	s4 =	smov.u32 s3;
	s5 =	smov.u32 s2  }
0x19c: {  	s2 =	sshra.s32 s0, $0x2;
	p1 =	sne.s32 s0, $0x7C;
	s0 =	sadd.s32 $0x4, s0;
	(v2sf) =	vpush v0, $0x0  }
0x19d: {  	v0 =	vld.msk [tilespmem:s2+$0xE418], $0x1  }
.Ltmp24:
0x19e: {  	(pc) =	sbr.rel @p1 .LBB2_30-.Ltmp24, $4  }
0x19f: {  	s3 =	spop (v2sf)  }
0x1a0: {  	p2 =	sne.s32 s5, $0xFFFFFFFF;
	s2 =	smov.u32 s3  }
0x1a1: {  	p3 =	seq.s32 s3, $0xFFFFFFFF;
	s2 =	smov.u32 @p2 s5  }
0x1a2: {  	s3 =	smov.u32 @p3 s4;
	s2 =	smov.u32 @p3 s5  }
0x1a3: {  	(v2sf) =	vpush v0, $0x0;
	_ =	sdelay $0x8  }
0x1a4: {  	s0 =	spop (v2sf)  }
0x1a5: {  	p1 =	sne.s32 s2, $0xFFFFFFFF;
	s9 =	simm.s32 $0x6;
	s4 =	smov.u32 s0  }
0x1a6: {  	s6 =	simm.s32 $0x0;
	p2 =	seq.s32 s0, $0xFFFFFFFF;
	s4 =	smov.u32 @p1 s2  }
0x1a7: {  	s10 =	simm.s32 $0xE308;
	s4 =	smov.u32 @p2 s2;
	s2 =	spop (v2sf)  }
0x1a8: {  	s0 =	smov.u32 @p2 s3;
	p1 =	sne.s32 s4, $0xFFFFFFFF;
	s5 =	smov.u32 s2  }
.Ltmp25:
0x1a9: {  	p2 =	seq.s32 s2, $0xFFFFFFFF;
	s5 =	smov.u32 @p1 s4;
	(pc) =	sbr.rel .LBB2_32-.Ltmp25, $4  }
0x1aa: {  	s11 =	simm.s32 $0xE388;
	s5 =	smov.u32 @p2 s4;
	s7 =	spop (v2sf)  }
0x1ab: {  	s12 =	simm.s32 $0x0;
	p1 =	sne.s32 s5, $0xFFFFFFFF;
	s8 =	smov.u32 s7  }
0x1ac: {  	s2 =	smov.u32 @p2 s0;
	p2 =	seq.s32 s7, $0xFFFFFFFF;
	s8 =	smov.u32 @p1 s5  }
0x1ad: {  	[sflag:s9] =	ssyncpa.u1 $0x0;
	s7 =	smov.u32 @p2 s2;
	s8 =	smov.u32 @p2 s5  }
.LBB2_38:
0x1ae: {  	p1 =	sgt.u32 s0, $0x4E170  }
0x1af: {  	p2 =	seq.s32 @!p1 s0, s8  }
0x1b0: {  	p1 =	por p1, p2  }
0x1b1: {  	p2 =	sne.s32 @!p1 s0, s7  }
0x1b2: {  	p1 =	por p1, !p2  }
0x1b3: {  	s0 =	sshll.u32 @p1 s12, $0xA  }
0x1b4: {  	s2 =	sand.u32 @!p1 $0x7FFF8, s0;
	s3 =	sand.u32 @!p1 $0x7, s0;
	s0 =	sadd.s32 @!p1 $0x80, s0  }
0x1b5: {  	s2 =	sadd.s32 @!p1 s1, s2;
	s0 =	sand.u32 @!p1 $0xFFFF8, s0  }
0x1b6: {  	[tilespmem:s10], [sflag:$0x6] =	stream.linear.gather @!p1 [hbm4b:s2+s3], $0x80, $0x38;
	[tilespmem:$0x1E678] =	vst v63  }
0x1b7: {  	s0 =	sadd.s32 @!p1 s1, s0  }
0x1b8: {  	[tilespmem:s11], [sflag:$0x6] =	stream.linear.gather @!p1 [hbm4b:s0+s3], $0x80, $0x38;
	[tilespmem:$0x1E678] =	vst v63  }
0x1b9: {  	_ =	swait.ge @!p1 [sflag:s9], $0x100  }
0x1ba: {  	[sflag:s9] =	ssyncset.done @!p1 $0x0  }
0x1bb: {  	[sflag:s9] =	ssyncadd.s32 @!p1 $0xFFFFFF00  }
0x1bc: {  	v1 =	vld @!p1 [tilespmem:$0xE308];
	_ =	sdelay $0x2  }
0x1bd: {  	s0 =	sshll.u32 @!p1 s12, $0xA  }
0x1be: {  	s2 =	sshrl.u32 @!p1 s0, $0x2  }
0x1bf: {  	[tilespmem:s2+$0xE438] =	vst.add.f32.msk @!p1 $0xffff, v1  }
0x1c0: {  	v1 =	vld @!p1 [tilespmem:$0xE318];
	_ =	sdelay $0x4  }
0x1c1: {  	[tilespmem:s2+$0xE448] =	vst.add.f32.msk @!p1 $0xffff, v1  }
0x1c2: {  	v1 =	vld @!p1 [tilespmem:$0xE328];
	_ =	sdelay $0x4  }
0x1c3: {  	[tilespmem:s2+$0xE458] =	vst.add.f32.msk @!p1 $0xffff, v1  }
0x1c4: {  	v1 =	vld @!p1 [tilespmem:$0xE338];
	_ =	sdelay $0x4  }
0x1c5: {  	[tilespmem:s2+$0xE468] =	vst.add.f32.msk @!p1 $0xffff, v1  }
0x1c6: {  	v1 =	vld @!p1 [tilespmem:$0xE348];
	_ =	sdelay $0x4  }
0x1c7: {  	[tilespmem:s2+$0xE478] =	vst.add.f32.msk @!p1 $0xffff, v1  }
0x1c8: {  	v1 =	vld @!p1 [tilespmem:$0xE358];
	_ =	sdelay $0x4  }
0x1c9: {  	[tilespmem:s2+$0xE488] =	vst.add.f32.msk @!p1 $0xffff, v1  }
0x1ca: {  	v1 =	vld @!p1 [tilespmem:$0xE368];
	_ =	sdelay $0x4  }
0x1cb: {  	[tilespmem:s2+$0xE498] =	vst.add.f32.msk @!p1 $0xffff, v1  }
0x1cc: {  	v1 =	vld @!p1 [tilespmem:$0xE378];
	_ =	sdelay $0x4  }
0x1cd: {  	[tilespmem:s2+$0xE4A8] =	vst.add.f32.msk @!p1 $0xffff, v1  }
0x1ce: {  	v1 =	vld @!p1 [tilespmem:$0xE388];
	_ =	sdelay $0x4  }
0x1cf: {  	[tilespmem:s2+$0xE4B8] =	vst.add.f32.msk @!p1 $0xffff, v1  }
0x1d0: {  	v1 =	vld @!p1 [tilespmem:$0xE398];
	_ =	sdelay $0x4  }
0x1d1: {  	[tilespmem:s2+$0xE4C8] =	vst.add.f32.msk @!p1 $0xffff, v1  }
0x1d2: {  	v1 =	vld @!p1 [tilespmem:$0xE3A8];
	_ =	sdelay $0x4  }
0x1d3: {  	[tilespmem:s2+$0xE4D8] =	vst.add.f32.msk @!p1 $0xffff, v1  }
0x1d4: {  	v1 =	vld @!p1 [tilespmem:$0xE3B8];
	_ =	sdelay $0x4  }
0x1d5: {  	[tilespmem:s2+$0xE4E8] =	vst.add.f32.msk @!p1 $0xffff, v1  }
0x1d6: {  	v1 =	vld @!p1 [tilespmem:$0xE3C8];
	_ =	sdelay $0x4  }
0x1d7: {  	[tilespmem:s2+$0xE4F8] =	vst.add.f32.msk @!p1 $0xffff, v1  }
0x1d8: {  	v1 =	vld @!p1 [tilespmem:$0xE3D8];
	_ =	sdelay $0x4  }
0x1d9: {  	[tilespmem:s2+$0xE508] =	vst.add.f32.msk @!p1 $0xffff, v1  }
0x1da: {  	v1 =	vld @!p1 [tilespmem:$0xE3E8];
	_ =	sdelay $0x4  }
0x1db: {  	[tilespmem:s2+$0xE518] =	vst.add.f32.msk @!p1 $0xffff, v1  }
0x1dc: {  	v1 =	vld @!p1 [tilespmem:$0xE3F8];
	_ =	sdelay $0x4  }
0x1dd: {  	[tilespmem:s2+$0xE528] =	vst.add.f32.msk @!p1 $0xffff, v1  }
0x1de: {  	s0 =	sshrl.u32 s0, $0x2;
	[tilespmem:s6+$0xE418] =	vst.msk $0x1, v0  }
0x1df: {  	v0 =	vld [tilespmem:s0+$0xE438];
	_ =	sdelay $0x2  }
0x1e0: {  	s31 =	sshll.u32 s6, $0xA  }
0x1e1: {  	s2 =	sshra.s32 s31, $0x2  }
0x1e2: {  	[tilespmem:s2+$0xE438] =	vst v0  }
0x1e3: {  	v0 =	vld [tilespmem:s0+$0xE448];
	_ =	sdelay $0x4  }
0x1e4: {  	[tilespmem:s2+$0xE448] =	vst v0  }
0x1e5: {  	v0 =	vld [tilespmem:s0+$0xE458];
	_ =	sdelay $0x4  }
0x1e6: {  	[tilespmem:s2+$0xE458] =	vst v0  }
0x1e7: {  	v0 =	vld [tilespmem:s0+$0xE468];
	_ =	sdelay $0x4  }
0x1e8: {  	[tilespmem:s2+$0xE468] =	vst v0  }
0x1e9: {  	v0 =	vld [tilespmem:s0+$0xE478];
	_ =	sdelay $0x4  }
0x1ea: {  	[tilespmem:s2+$0xE478] =	vst v0  }
0x1eb: {  	v0 =	vld [tilespmem:s0+$0xE488];
	_ =	sdelay $0x4  }
0x1ec: {  	[tilespmem:s2+$0xE488] =	vst v0  }
0x1ed: {  	v0 =	vld [tilespmem:s0+$0xE498];
	_ =	sdelay $0x4  }
0x1ee: {  	[tilespmem:s2+$0xE498] =	vst v0  }
0x1ef: {  	v0 =	vld [tilespmem:s0+$0xE4A8];
	_ =	sdelay $0x4  }
0x1f0: {  	[tilespmem:s2+$0xE4A8] =	vst v0  }
0x1f1: {  	v0 =	vld [tilespmem:s0+$0xE4B8];
	_ =	sdelay $0x4  }
0x1f2: {  	[tilespmem:s2+$0xE4B8] =	vst v0  }
0x1f3: {  	v0 =	vld [tilespmem:s0+$0xE4C8];
	_ =	sdelay $0x4  }
0x1f4: {  	[tilespmem:s2+$0xE4C8] =	vst v0  }
0x1f5: {  	v0 =	vld [tilespmem:s0+$0xE4D8];
	_ =	sdelay $0x4  }
0x1f6: {  	[tilespmem:s2+$0xE4D8] =	vst v0  }
0x1f7: {  	v0 =	vld [tilespmem:s0+$0xE4E8];
	_ =	sdelay $0x4  }
0x1f8: {  	[tilespmem:s2+$0xE4E8] =	vst v0  }
0x1f9: {  	v0 =	vld [tilespmem:s0+$0xE4F8];
	_ =	sdelay $0x4  }
0x1fa: {  	[tilespmem:s2+$0xE4F8] =	vst v0  }
0x1fb: {  	v0 =	vld [tilespmem:s0+$0xE508];
	_ =	sdelay $0x4  }
0x1fc: {  	[tilespmem:s2+$0xE508] =	vst v0  }
0x1fd: {  	v0 =	vld [tilespmem:s0+$0xE518];
	_ =	sdelay $0x4  }
0x1fe: {  	[tilespmem:s2+$0xE518] =	vst v0  }
0x1ff: {  	v0 =	vld [tilespmem:s0+$0xE528];
	_ =	sdelay $0x4  }
0x200: {  	s6 =	sadd.s32 $0x1, s6;
	[tilespmem:s2+$0xE528] =	vst v0  }
.LBB2_39:
0x201: {  	s12 =	sadd.s32 $0x1, s12  }
0x202: {  	p1 =	sne.s32 s12, $0x20  }
.Ltmp26:
0x203: {  	_ = 	snop;
	(pc) =	sbr.rel @!p1 .LBB2_40-.Ltmp26, $1  }
0x204: {  	_ =	sdelay $0x3  }
.LBB2_32:
0x205: {  	v0 =	vld.msk [tilespmem:s12+$0xE418], $0x1;
	_ =	sdelay $0x4  }
0x206: {  	(v2sf) =	vpush v0, $0x0;
	_ =	sdelay $0xe  }
0x207: {  	s0 =	spop (v2sf)  }
0x208: {  	p1 =	seq.s32 s0, $0xFFFFFFFF  }
.Ltmp27:
0x209: {  	_ = 	snop;
	(pc) =	sbr.rel @p1 .LBB2_39-.Ltmp27, $1  }
0x20a: {  	_ =	sdelay $0x3  }
0x20b: {  	p1 =	slt.s32 s6, $0x1  }
.Ltmp28:
0x20c: {  	_ = 	snop;
	(pc) =	sbr.rel @p1 .LBB2_38-.Ltmp28, $1  }
0x20d: {  	_ =	sdelay $0x3  }
0x20e: {  	s4 =	simm.s32 $0xE418;
	p1 =	por $0x0, $0x0  }
0x20f: {  	v1 =	vld.msk @!p1 [tilespmem:s4+$0x0], $0x1;
	_ =	sdelay $0x4  }
0x210: {  	(v2sf) =	vpush @!p1 v1, $0x0;
	_ =	sdelay $0xd  }
0x211: {  	p3 =	sne.s32 s6, $0x1  }
.Ltmp29:
0x212: {  	s2 =	spop @!p1 (v2sf);
	(pc) =	sbr.rel @!p3 .LBB2_36-.Ltmp29, $4  }
0x213: {  	p2 =	seq.s32 @!p1 s0, s2  }
0x214: {  	s5 =	simm.s32 $0x0;
	p2 =	por !p2, p1  }
0x215: {  	s2 =	simm.s32 $0xFFFFFFFF;
	s5 =	simm.s32 @p2 $0xFFFFFFFF  }
0x216: {  	s13 =	simm.s32 $0x1;
	s5 =	smov.u32 @p1 s2  }
.LBB2_35:
0x217: {  	s2 =	smov.u32 s5;
	p1 =	sne.s32 s5, $0xFFFFFFFF  }
0x218: {  	s4 =	sadd.s32 $0x1, s4;
	s5 =	smov.u32 s13;
	s13 =	sadd.s32 $0x1, s13  }
0x219: {  	p2 =	sne.s32 s6, s13;
	v1 =	vld.msk @!p1 [tilespmem:s4+$0x0], $0x1;
	_ =	sdelay $0x4  }
0x21a: {  	(v2sf) =	vpush @!p1 v1, $0x0;
	_ =	sdelay $0xe  }
.Ltmp30:
0x21b: {  	s3 =	spop @!p1 (v2sf);
	(pc) =	sbr.rel @p2 .LBB2_35-.Ltmp30, $4  }
0x21c: {  	p3 =	seq.s32 @!p1 s0, s3  }
0x21d: {  	p3 =	por !p3, p1  }
0x21e: {  	s5 =	simm.s32 @p3 $0xFFFFFFFF  }
0x21f: {  	s5 =	smov.u32 @p1 s2  }
.LBB2_36:
0x220: {  	p1 =	seq.s32 s5, $0xFFFFFFFF  }
.Ltmp31:
0x221: {  	_ = 	snop;
	(pc) =	sbr.rel @p1 .LBB2_38-.Ltmp31, $1  }
0x222: {  	_ =	sdelay $0x3  }
0x223: {  	s0 =	sshll.u32 s12, $0x8  }
0x224: {  	s0 =	sand.u32 $0x3FFFFF00, s0  }
0x225: {  	v0 =	vld [tilespmem:s0+$0xE438];
	_ =	sdelay $0x2  }
0x226: {  	s2 =	sshll.u32 s5, $0xA  }
0x227: {  	s2 =	sshra.s32 s2, $0x2  }
0x228: {  	[tilespmem:s2+$0xE438] =	vst.add.f32.msk $0xffff, v0  }
0x229: {  	v0 =	vld [tilespmem:s0+$0xE448];
	_ =	sdelay $0x4  }
0x22a: {  	[tilespmem:s2+$0xE448] =	vst.add.f32.msk $0xffff, v0  }
0x22b: {  	v0 =	vld [tilespmem:s0+$0xE458];
	_ =	sdelay $0x4  }
0x22c: {  	[tilespmem:s2+$0xE458] =	vst.add.f32.msk $0xffff, v0  }
0x22d: {  	v0 =	vld [tilespmem:s0+$0xE468];
	_ =	sdelay $0x4  }
0x22e: {  	[tilespmem:s2+$0xE468] =	vst.add.f32.msk $0xffff, v0  }
0x22f: {  	v0 =	vld [tilespmem:s0+$0xE478];
	_ =	sdelay $0x4  }
0x230: {  	[tilespmem:s2+$0xE478] =	vst.add.f32.msk $0xffff, v0  }
0x231: {  	v0 =	vld [tilespmem:s0+$0xE488];
	_ =	sdelay $0x4  }
0x232: {  	[tilespmem:s2+$0xE488] =	vst.add.f32.msk $0xffff, v0  }
0x233: {  	v0 =	vld [tilespmem:s0+$0xE498];
	_ =	sdelay $0x4  }
0x234: {  	[tilespmem:s2+$0xE498] =	vst.add.f32.msk $0xffff, v0  }
0x235: {  	v0 =	vld [tilespmem:s0+$0xE4A8];
	_ =	sdelay $0x4  }
0x236: {  	[tilespmem:s2+$0xE4A8] =	vst.add.f32.msk $0xffff, v0  }
0x237: {  	v0 =	vld [tilespmem:s0+$0xE4B8];
	_ =	sdelay $0x4  }
0x238: {  	[tilespmem:s2+$0xE4B8] =	vst.add.f32.msk $0xffff, v0  }
0x239: {  	v0 =	vld [tilespmem:s0+$0xE4C8];
	_ =	sdelay $0x4  }
0x23a: {  	[tilespmem:s2+$0xE4C8] =	vst.add.f32.msk $0xffff, v0  }
0x23b: {  	v0 =	vld [tilespmem:s0+$0xE4D8];
	_ =	sdelay $0x4  }
0x23c: {  	[tilespmem:s2+$0xE4D8] =	vst.add.f32.msk $0xffff, v0  }
0x23d: {  	v0 =	vld [tilespmem:s0+$0xE4E8];
	_ =	sdelay $0x4  }
0x23e: {  	[tilespmem:s2+$0xE4E8] =	vst.add.f32.msk $0xffff, v0  }
0x23f: {  	v0 =	vld [tilespmem:s0+$0xE4F8];
	_ =	sdelay $0x4  }
0x240: {  	[tilespmem:s2+$0xE4F8] =	vst.add.f32.msk $0xffff, v0  }
0x241: {  	v0 =	vld [tilespmem:s0+$0xE508];
	_ =	sdelay $0x4  }
0x242: {  	[tilespmem:s2+$0xE508] =	vst.add.f32.msk $0xffff, v0  }
0x243: {  	v0 =	vld [tilespmem:s0+$0xE518];
	_ =	sdelay $0x4  }
0x244: {  	[tilespmem:s2+$0xE518] =	vst.add.f32.msk $0xffff, v0  }
0x245: {  	v0 =	vld [tilespmem:s0+$0xE528]  }
.Ltmp32:
0x246: {  	_ = 	snop;
	(pc) =	sbr.rel .LBB2_39-.Ltmp32, $2  }
0x247: {  	_ =	sdelay $0x2  }
0x248: {  	[tilespmem:s2+$0xE528] =	vst.add.f32.msk $0xffff, v0  }
.LBB2_40:
0x249: {  	s0 =	simm.s32 $0x6;
	p1 =	seq.s32 s6, $0x0  }
0x24a: {  	[sflag:s0] =	ssyncpa.u1 $0x1;
	v0 =	vimm.s32 @p1 $0xFFFFFFFF  }
0x24b: {  	s0 =	sadd.s32 $0xFFFFFFFF, s6;
	[tilespmem:$0x10438] =	vst @p1 v0  }
0x24c: {  	v0 =	vld.msk @!p1 [tilespmem:s0+$0xE418], $0x1;
	_ =	sdelay $0x1  }
0x24d: {  	v1 =	vld.msk @!p1 [tilespmem:$0xE418], $0x1;
	_ =	sdelay $0x2  }
0x24e: {  	p2 =	seq.s32 @!p1 s0, $0x0;
	v0 =	vbroadcast @!p1 v0, $0x0  }
0x24f: {  	vm0 =	vmmov @!p1 $0x1;
	p2 =	por !p2, p1  }
0x250: {  	v1 =	vnsel @!p1 vm0, $0xFFFFFFFF, v1;
	vm0 =	vcmask @!p1 $0x308;
	v0 =	vpsel !p2, $0xFFFFFFFF, v0  }
0x251: {  	p2 =	sne.s32 @!p1 s8, s7;
	v0 =	vsel @!p1 vm0, v1, v0  }
0x252: {  	s2 =	simm.s32 @!p1 $0xE438;
	s3 =	simm.s32 @!p1 $0x0;
	p3 =	por !p2, p1;
	[tilespmem:$0x10438] =	vst @!p1 v0  }
0x253: {  	[spmem:s3] =	stream.linear.scatter @!p1 [tilespmem:s2], [sflag:$0x1], $0x100, $0x38;
	[tilespmem:$0x1E678] =	vst v63  }
0x254: {  	s2 =	sshll.u32 @!p3 s0, $0xA  }
0x255: {  	s2 =	sshra.s32 @!p3 s2, $0x2  }
0x256: {  	s3 =	simm.s32 @!p3 $0x100;
	s2 =	sadd.s32 @!p3 $0xE438, s2  }
0x257: {  	[spmem:s3] =	stream.linear.scatter @!p3 [tilespmem:s2], [sflag:$0x1], $0x100, $0x38;
	[tilespmem:$0x1E678] =	vst v63  }
0x258: {  	s2 =	simm.s32 @!p3 $0x1  }
0x259: {  	_ =	swait.ge @!p3 [sflag:s2], $0x200  }
0x25a: {  	p1 =	por p2, p1;
	[sflag:s2] =	ssyncset.done @!p3 $0x0  }
0x25b: {  	[sflag:s2] =	ssyncadd.s32 @!p3 $0xFFFFFE00;
	s2 =	simm.s32 @!p1 $0x1  }
0x25c: {  	_ =	swait.ge @!p1 [sflag:s2], $0x100  }
0x25d: {  	s29 =	simm.s32 $0x10438;
	[sflag:s2] =	ssyncset.done @!p1 $0x0  }
0x25e: {  	s30 =	simm.s32 $0x2000;
	s31 =	simm.s32 $0x1;
	[sflag:s2] =	ssyncadd.s32 @!p1 $0xFFFFFF00  }
0x25f: {  	[spmem:s30] =	stream.linear.scatter [tilespmem:s29], [sflag:$0x1], $0x10, $0x38;
	[tilespmem:$0x1E678] =	vst v63  }
0x260: {  	_ =	swait.ge [sflag:s31], $0x10  }
0x261: {  	[sflag:s31] =	ssyncset.done $0x0  }
0x262: {  	p1 =	seq.s32 s14, $0x0;
	s9 =	rddreg [dreg:$0x2];
	[sflag:s31] =	ssyncadd.s32 $0xFFFFFFF0  }
0x263: {  	s3 =	sshll.u32 @p1 s9, $0xE;
	s8 =	rddreg [dreg:$0x3]  }
0x264: {  	s2 =	sadd.s32 @p1 $0x15C3C, s3;
	s3 =	sshll.u32 @p1 s8, $0x11  }
0x265: {  	_ =	sfence.stream.spmem;
	s2 =	sor.u32 @p1 s3, s2  }
0x266: {  	[sflag:s2] =	ssyncadd.remote.s32 @p1 $0x1;
	s2 =	simm.s32 @p1 $0x4  }
0x267: {  	s4 =	simm.s32 @!p1 $0x3C;
	s3 =	sand.u32 $0xFFFFFFFE, s9;
	_ =	swait.ge @p1 [sflag:s2], $0x42  }
0x268: {  	s5 =	simm.s32 @!p1 $0x0;
	s3 =	sadd.s32 @!p1 $0x4, s3;
	[sflag:s2] =	ssyncset.done @p1 $0x0  }
0x269: {  	s7 =	simm.s32 @!p1 $0x200;
	[sflag:s2] =	ssyncadd.s32 @p1 $0xFFFFFFBE;
	s2 =	sshll.u32 @!p1 s3, $0x1A  }
0x26a: {  	s3 =	sshll.u32 @!p1 s3, $0xD;
	s2 =	sor.u32 @!p1 s2, s8;
	_ =	swait.eq @!p1 [sflag:s4], $0x1  }
0x26b: {  	s3 =	sor.u32 @!p1 $0x1C04, s3;
	s4 =	simm.s32 @!p1 $0x1C03;
	s2 =	sor.u32 @!p1 $0x80004000, s2  }
0x26c: {  	[spmem:s7], [sflag:s3] =	dma.general @!p1 [spmem:s5], [sflag:s4], length:$0x40, [dreg:$0x0], stride_count:$0x0, ici_dest:s2, dma_misc:DstOpCode:WRITE  }
0x26d: {  	p2 =	slt.s32 s0, $0x2;
	s5 =	simm.s32 @!p1 $0x400;
	s7 =	simm.s32 @!p1 $0x402  }
0x26e: {  	[spmem:s7], [sflag:s3] =	dma.general @!p1 [spmem:s5], [sflag:s4], length:$0x2, [dreg:$0x0], stride_count:$0x0, ici_dest:s2, dma_misc:DstOpCode:WRITE  }
.Ltmp33:
0x26f: {  	s2 =	simm.s32 @!p1 $0x3;
	(pc) =	sbr.rel @p2 .LBB2_44-.Ltmp33, $4  }
0x270: {  	s3 =	sshll.u32 @!p1 s9, $0xE;
	_ =	swait.ge @!p1 [sflag:s2], $0x42  }
0x271: {  	s4 =	sshll.u32 @!p1 s8, $0x11;
	s3 =	sadd.s32 @!p1 $0x11C3C, s3;
	[sflag:s2] =	ssyncset.done @!p1 $0x0  }
0x272: {  	[sflag:s2] =	ssyncadd.s32 @!p1 $0xFFFFFFBE;
	s2 =	sor.u32 @!p1 s4, s3  }
0x273: {  	s0 =	simm.s32 $0x0;
	[sflag:s2] =	ssyncadd.remote.s32 @!p1 $0xFFFFFFFF  }
0x274: {  	s0 =	simm.s32 $0xE419  }
0x275: {  	v0 =	vld.msk [tilespmem:s0+$0x0], $0x1;
	_ =	sdelay $0x4  }
0x276: {  	(v2sf) =	vpush v0, $0x0;
	_ =	sdelay $0xd  }
0x277: {  	s31 =	sadd.s32 $0xFFFFFFFE, s6  }
0x278: {  	s6 =	simm.s32 $0x0;
	s0 =	sadd.s32 $0xFFFFFFFF, s31;
	s2 =	spop (v2sf)  }
0x279: {  	s3 =	simm.s32 $0xE538;
	p1 =	sne.s32 s0, $0x0;
	p2 =	sgt.u32 s2, $0x4E170  }
.Ltmp34:
0x27a: {  	s4 =	simm.s32 $0xE638;
	s5 =	sand.u32 @!p2 $0x7FFF8, s2;
	(pc) =	sbr.rel @!p1 .LBB2_43-.Ltmp34, $4  }
0x27b: {  	s7 =	sadd.s32 @!p2 $0x80, s2;
	s2 =	sand.u32 @!p2 $0x7, s2;
	s6 =	simm.s32 @!p2 $0x400  }
0x27c: {  	s5 =	sadd.s32 @!p2 s1, s5;
	s7 =	sand.u32 @!p2 $0xFFFF8, s7;
	s6 =	sadd.s32 $0x0, s6  }
0x27d: {  	[hbm4b:s5+s2] =	stream.linear.scatter @!p2 [tilespmem:s3], [sflag:$0x5], $0x80, $0x38;
	[tilespmem:$0x1E678] =	vst v63  }
0x27e: {  	s5 =	simm.s32 $0xE41A;
	s3 =	simm.s32 @!p2 $0xE5B8;
	s7 =	sadd.s32 @!p2 s1, s7  }
.LBB2_42:
0x27f: {  	[hbm4b:s7+s2] =	stream.linear.scatter @!p2 [tilespmem:s3], [sflag:$0x5], $0x80, $0x38;
	[tilespmem:$0x1E678] =	vst v63  }
0x280: {  	s0 =	sadd.s32 $0xFFFFFFFF, s0;
	s3 =	smov.u32 s4;
	v0 =	vld.msk [tilespmem:s5+$0x0], $0x1  }
0x281: {  	p1 =	sne.s32 s0, $0x0;
	_ =	sdelay $0x3  }
0x282: {  	(v2sf) =	vpush v0, $0x0;
	_ =	sdelay $0xe  }
0x283: {  	s4 =	sadd.s32 $0x100, s4;
	s8 =	simm.s32 $0x0;
	s2 =	spop (v2sf)  }
.Ltmp35:
0x284: {  	s5 =	sadd.s32 $0x1, s5;
	p2 =	sgt.u32 s2, $0x4E170;
	(pc) =	sbr.rel @p1 .LBB2_42-.Ltmp35, $4  }
0x285: {  	s8 =	simm.s32 @!p2 $0x400;
	s7 =	sand.u32 @!p2 $0x7FFF8, s2;
	s9 =	sadd.s32 @!p2 $0x80, s2  }
0x286: {  	s2 =	sand.u32 @!p2 $0x7, s2;
	s7 =	sadd.s32 @!p2 s1, s7;
	s9 =	sand.u32 @!p2 $0xFFFF8, s9  }
0x287: {  	[hbm4b:s7+s2] =	stream.linear.scatter @!p2 [tilespmem:s3], [sflag:$0x5], $0x80, $0x38;
	[tilespmem:$0x1E678] =	vst v63  }
0x288: {  	s6 =	sadd.s32 s6, s8;
	s3 =	sadd.s32 @!p2 $0x80, s3;
	s7 =	sadd.s32 @!p2 s1, s9  }
.LBB2_43:
0x289: {  	[hbm4b:s7+s2] =	stream.linear.scatter @!p2 [tilespmem:s3], [sflag:$0x5], $0x80, $0x38;
	[tilespmem:$0x1E678] =	vst v63  }
0x28a: {  	s0 =	sshrl.u32 s6, $0x2  }
.LBB2_44:
0x28b: {  	s2 =	simm.s32 $0x5  }
0x28c: {  	_ =	swait.ge [sflag:s2], s0  }
0x28d: {  	s31 =	ssub.s32 $0x0, s0;
	[sflag:s2] =	ssyncset.done $0x0  }
0x28e: {  	[sflag:s2] =	ssyncadd.s32 s31  }
0x28f: {  	[sflag:s2] =	ssyncpa.u1 $0x1  }
.LBB2_45:
0x290: {  	s0 =	sor.u32 s14, s15  }
0x291: {  	p1 =	sne.s32 s0, $0x0  }
.Ltmp36:
0x292: {  	_ = 	snop;
	(pc) =	sbr.rel @p1 .LBB2_60-.Ltmp36, $3  }
0x293: {  	_ =	sdelay $0x1  }
0x294: {  	[bflag:$0x0] =	sbarrier.arrive $0xFFFF  }
0x295: {  	_ =	sfence  }
0x296: {  	s0 =	simm.s32 $0x7  }
0x297: {  	s2 =	simm.s32 $0x2000;
	s3 =	simm.s32 $0xE418;
	[sflag:s0] =	ssyncpa.u1 $0x0  }
0x298: {  	[tilespmem:s3], [sflag:$0x7] =	stream.linear.gather [spmem:s2], $0x20, $0x38;
	[tilespmem:$0x1E678] =	vst v63  }
0x299: {  	s30 =	simm.s32 $0xE438;
	s2 =	simm.s32 $0x0  }
0x29a: {  	[tilespmem:s30], [sflag:$0x7] =	stream.linear.gather [spmem:s2], $0x2000, $0x38;
	[tilespmem:$0x1E678] =	vst v63  }
.Ltmp37:
0x29b: {  	_ = 	snop;
	(pc) =	sbr.rel .LBB2_47-.Ltmp37, $4  }
0x29c: {  	_ =	swait.ge [sflag:s0], $0x2020  }
0x29d: {  	[sflag:s0] =	ssyncset.done $0x0  }
0x29e: {  	s31 =	simm.s32 $0x8;
	[sflag:s0] =	ssyncadd.s32 $0xFFFFDFE0  }
0x29f: {  	s3 =	simm.s32 $0x0;
	[sflag:s31] =	ssyncpa.u1 $0x0  }
.LBB2_53:
0x2a0: {  	p1 =	slt.u32 s0, $0x4E171  }
0x2a1: {  	s4 =	sand.u32 @p1 $0x7FFF8, s0;
	s5 =	sand.u32 @p1 $0x7, s0;
	s0 =	sadd.s32 @p1 $0x80, s0  }
0x2a2: {  	s6 =	simm.s32 @p1 $0xE308;
	s4 =	sadd.s32 @p1 s1, s4;
	s0 =	sand.u32 @p1 $0xFFFF8, s0  }
0x2a3: {  	[tilespmem:s6], [sflag:$0x8] =	stream.linear.gather @p1 [hbm4b:s4+s5], $0x80, $0x38;
	[tilespmem:$0x1E678] =	vst v63  }
0x2a4: {  	s0 =	sadd.s32 @p1 s1, s0;
	s4 =	simm.s32 @p1 $0xE388  }
0x2a5: {  	[tilespmem:s4], [sflag:$0x8] =	stream.linear.gather @p1 [hbm4b:s0+s5], $0x80, $0x38;
	[tilespmem:$0x1E678] =	vst v63  }
0x2a6: {  	s0 =	simm.s32 @p1 $0x8  }
0x2a7: {  	_ =	swait.ge @p1 [sflag:s0], $0x100  }
0x2a8: {  	[sflag:s0] =	ssyncset.done @p1 $0x0  }
0x2a9: {  	[sflag:s0] =	ssyncadd.s32 @p1 $0xFFFFFF00  }
0x2aa: {  	v1 =	vld @p1 [tilespmem:$0xE308];
	_ =	sdelay $0x2  }
0x2ab: {  	s0 =	sshll.u32 @p1 s3, $0xA  }
0x2ac: {  	s4 =	sshrl.u32 @p1 s0, $0x2  }
0x2ad: {  	[tilespmem:s4+$0xE438] =	vst.add.f32.msk @p1 $0xffff, v1  }
0x2ae: {  	v1 =	vld @p1 [tilespmem:$0xE318];
	_ =	sdelay $0x4  }
0x2af: {  	[tilespmem:s4+$0xE448] =	vst.add.f32.msk @p1 $0xffff, v1  }
0x2b0: {  	v1 =	vld @p1 [tilespmem:$0xE328];
	_ =	sdelay $0x4  }
0x2b1: {  	[tilespmem:s4+$0xE458] =	vst.add.f32.msk @p1 $0xffff, v1  }
0x2b2: {  	v1 =	vld @p1 [tilespmem:$0xE338];
	_ =	sdelay $0x4  }
0x2b3: {  	[tilespmem:s4+$0xE468] =	vst.add.f32.msk @p1 $0xffff, v1  }
0x2b4: {  	v1 =	vld @p1 [tilespmem:$0xE348];
	_ =	sdelay $0x4  }
0x2b5: {  	[tilespmem:s4+$0xE478] =	vst.add.f32.msk @p1 $0xffff, v1  }
0x2b6: {  	v1 =	vld @p1 [tilespmem:$0xE358];
	_ =	sdelay $0x4  }
0x2b7: {  	[tilespmem:s4+$0xE488] =	vst.add.f32.msk @p1 $0xffff, v1  }
0x2b8: {  	v1 =	vld @p1 [tilespmem:$0xE368];
	_ =	sdelay $0x4  }
0x2b9: {  	[tilespmem:s4+$0xE498] =	vst.add.f32.msk @p1 $0xffff, v1  }
0x2ba: {  	v1 =	vld @p1 [tilespmem:$0xE378];
	_ =	sdelay $0x4  }
0x2bb: {  	[tilespmem:s4+$0xE4A8] =	vst.add.f32.msk @p1 $0xffff, v1  }
0x2bc: {  	v1 =	vld @p1 [tilespmem:$0xE388];
	_ =	sdelay $0x4  }
0x2bd: {  	[tilespmem:s4+$0xE4B8] =	vst.add.f32.msk @p1 $0xffff, v1  }
0x2be: {  	v1 =	vld @p1 [tilespmem:$0xE398];
	_ =	sdelay $0x4  }
0x2bf: {  	[tilespmem:s4+$0xE4C8] =	vst.add.f32.msk @p1 $0xffff, v1  }
0x2c0: {  	v1 =	vld @p1 [tilespmem:$0xE3A8];
	_ =	sdelay $0x4  }
0x2c1: {  	[tilespmem:s4+$0xE4D8] =	vst.add.f32.msk @p1 $0xffff, v1  }
0x2c2: {  	v1 =	vld @p1 [tilespmem:$0xE3B8];
	_ =	sdelay $0x4  }
0x2c3: {  	[tilespmem:s4+$0xE4E8] =	vst.add.f32.msk @p1 $0xffff, v1  }
0x2c4: {  	v1 =	vld @p1 [tilespmem:$0xE3C8];
	_ =	sdelay $0x4  }
0x2c5: {  	[tilespmem:s4+$0xE4F8] =	vst.add.f32.msk @p1 $0xffff, v1  }
0x2c6: {  	v1 =	vld @p1 [tilespmem:$0xE3D8];
	_ =	sdelay $0x4  }
0x2c7: {  	[tilespmem:s4+$0xE508] =	vst.add.f32.msk @p1 $0xffff, v1  }
0x2c8: {  	v1 =	vld @p1 [tilespmem:$0xE3E8];
	_ =	sdelay $0x4  }
0x2c9: {  	[tilespmem:s4+$0xE518] =	vst.add.f32.msk @p1 $0xffff, v1  }
0x2ca: {  	v1 =	vld @p1 [tilespmem:$0xE3F8];
	_ =	sdelay $0x3  }
0x2cb: {  	s5 =	sshll.u32 @!p1 s3, $0xA  }
0x2cc: {  	s5 =	smov.u32 @p1 s0;
	[tilespmem:s4+$0xE528] =	vst.add.f32.msk @p1 $0xffff, v1  }
0x2cd: {  	s0 =	sshrl.u32 s5, $0x2;
	[tilespmem:s2+$0xE418] =	vst.msk $0x1, v0  }
0x2ce: {  	v0 =	vld [tilespmem:s0+$0xE438];
	_ =	sdelay $0x2  }
0x2cf: {  	s31 =	sshll.u32 s2, $0xA  }
0x2d0: {  	s4 =	sshra.s32 s31, $0x2  }
0x2d1: {  	[tilespmem:s4+$0xE438] =	vst v0  }
0x2d2: {  	v0 =	vld [tilespmem:s0+$0xE448];
	_ =	sdelay $0x4  }
0x2d3: {  	[tilespmem:s4+$0xE448] =	vst v0  }
0x2d4: {  	v0 =	vld [tilespmem:s0+$0xE458];
	_ =	sdelay $0x4  }
0x2d5: {  	[tilespmem:s4+$0xE458] =	vst v0  }
0x2d6: {  	v0 =	vld [tilespmem:s0+$0xE468];
	_ =	sdelay $0x4  }
0x2d7: {  	[tilespmem:s4+$0xE468] =	vst v0  }
0x2d8: {  	v0 =	vld [tilespmem:s0+$0xE478];
	_ =	sdelay $0x4  }
0x2d9: {  	[tilespmem:s4+$0xE478] =	vst v0  }
0x2da: {  	v0 =	vld [tilespmem:s0+$0xE488];
	_ =	sdelay $0x4  }
0x2db: {  	[tilespmem:s4+$0xE488] =	vst v0  }
0x2dc: {  	v0 =	vld [tilespmem:s0+$0xE498];
	_ =	sdelay $0x4  }
0x2dd: {  	[tilespmem:s4+$0xE498] =	vst v0  }
0x2de: {  	v0 =	vld [tilespmem:s0+$0xE4A8];
	_ =	sdelay $0x4  }
0x2df: {  	[tilespmem:s4+$0xE4A8] =	vst v0  }
0x2e0: {  	v0 =	vld [tilespmem:s0+$0xE4B8];
	_ =	sdelay $0x4  }
0x2e1: {  	[tilespmem:s4+$0xE4B8] =	vst v0  }
0x2e2: {  	v0 =	vld [tilespmem:s0+$0xE4C8];
	_ =	sdelay $0x4  }
0x2e3: {  	[tilespmem:s4+$0xE4C8] =	vst v0  }
0x2e4: {  	v0 =	vld [tilespmem:s0+$0xE4D8];
	_ =	sdelay $0x4  }
0x2e5: {  	[tilespmem:s4+$0xE4D8] =	vst v0  }
0x2e6: {  	v0 =	vld [tilespmem:s0+$0xE4E8];
	_ =	sdelay $0x4  }
0x2e7: {  	[tilespmem:s4+$0xE4E8] =	vst v0  }
0x2e8: {  	v0 =	vld [tilespmem:s0+$0xE4F8];
	_ =	sdelay $0x4  }
0x2e9: {  	[tilespmem:s4+$0xE4F8] =	vst v0  }
0x2ea: {  	v0 =	vld [tilespmem:s0+$0xE508];
	_ =	sdelay $0x4  }
0x2eb: {  	[tilespmem:s4+$0xE508] =	vst v0  }
0x2ec: {  	v0 =	vld [tilespmem:s0+$0xE518];
	_ =	sdelay $0x4  }
0x2ed: {  	[tilespmem:s4+$0xE518] =	vst v0  }
0x2ee: {  	v0 =	vld [tilespmem:s0+$0xE528];
	_ =	sdelay $0x4  }
0x2ef: {  	s2 =	sadd.s32 $0x1, s2;
	[tilespmem:s4+$0xE528] =	vst v0  }
.LBB2_54:
0x2f0: {  	s3 =	sadd.s32 $0x1, s3  }
0x2f1: {  	p1 =	sne.s32 s3, $0x20  }
.Ltmp38:
0x2f2: {  	_ = 	snop;
	(pc) =	sbr.rel @!p1 .LBB2_55-.Ltmp38, $1  }
0x2f3: {  	_ =	sdelay $0x3  }
.LBB2_47:
0x2f4: {  	v0 =	vld.msk [tilespmem:s3+$0xE418], $0x1;
	_ =	sdelay $0x4  }
0x2f5: {  	(v2sf) =	vpush v0, $0x0;
	_ =	sdelay $0xe  }
0x2f6: {  	s0 =	spop (v2sf)  }
0x2f7: {  	p1 =	seq.s32 s0, $0xFFFFFFFF  }
.Ltmp39:
0x2f8: {  	_ = 	snop;
	(pc) =	sbr.rel @p1 .LBB2_54-.Ltmp39, $1  }
0x2f9: {  	_ =	sdelay $0x3  }
0x2fa: {  	p1 =	slt.s32 s2, $0x1  }
.Ltmp40:
0x2fb: {  	_ = 	snop;
	(pc) =	sbr.rel @p1 .LBB2_53-.Ltmp40, $1  }
0x2fc: {  	_ =	sdelay $0x3  }
0x2fd: {  	s4 =	simm.s32 $0xE418;
	p1 =	por $0x0, $0x0  }
0x2fe: {  	v1 =	vld.msk @!p1 [tilespmem:s4+$0x0], $0x1;
	_ =	sdelay $0x4  }
0x2ff: {  	(v2sf) =	vpush @!p1 v1, $0x0;
	_ =	sdelay $0xd  }
0x300: {  	p3 =	sne.s32 s2, $0x1  }
.Ltmp41:
0x301: {  	s5 =	spop @!p1 (v2sf);
	(pc) =	sbr.rel @!p3 .LBB2_51-.Ltmp41, $4  }
0x302: {  	p2 =	seq.s32 @!p1 s0, s5  }
0x303: {  	s5 =	simm.s32 $0x0;
	p2 =	por !p2, p1  }
0x304: {  	s7 =	simm.s32 $0xFFFFFFFF;
	s5 =	simm.s32 @p2 $0xFFFFFFFF  }
0x305: {  	s6 =	simm.s32 $0x1;
	s5 =	smov.u32 @p1 s7  }
.LBB2_50:
0x306: {  	s7 =	smov.u32 s5;
	p1 =	sne.s32 s5, $0xFFFFFFFF  }
0x307: {  	s4 =	sadd.s32 $0x1, s4;
	s5 =	smov.u32 s6;
	s6 =	sadd.s32 $0x1, s6  }
0x308: {  	p2 =	sne.s32 s2, s6;
	v1 =	vld.msk @!p1 [tilespmem:s4+$0x0], $0x1;
	_ =	sdelay $0x4  }
0x309: {  	(v2sf) =	vpush @!p1 v1, $0x0;
	_ =	sdelay $0xe  }
.Ltmp42:
0x30a: {  	s8 =	spop @!p1 (v2sf);
	(pc) =	sbr.rel @p2 .LBB2_50-.Ltmp42, $4  }
0x30b: {  	p3 =	seq.s32 @!p1 s0, s8  }
0x30c: {  	p3 =	por !p3, p1  }
0x30d: {  	s5 =	simm.s32 @p3 $0xFFFFFFFF  }
0x30e: {  	s5 =	smov.u32 @p1 s7  }
.LBB2_51:
0x30f: {  	p1 =	seq.s32 s5, $0xFFFFFFFF  }
.Ltmp43:
0x310: {  	_ = 	snop;
	(pc) =	sbr.rel @p1 .LBB2_53-.Ltmp43, $1  }
0x311: {  	_ =	sdelay $0x3  }
0x312: {  	s0 =	sshll.u32 s3, $0x8  }
0x313: {  	s0 =	sand.u32 $0x3FFFFF00, s0  }
0x314: {  	v0 =	vld [tilespmem:s0+$0xE438];
	_ =	sdelay $0x2  }
0x315: {  	s4 =	sshll.u32 s5, $0xA  }
0x316: {  	s4 =	sshra.s32 s4, $0x2  }
0x317: {  	[tilespmem:s4+$0xE438] =	vst.add.f32.msk $0xffff, v0  }
0x318: {  	v0 =	vld [tilespmem:s0+$0xE448];
	_ =	sdelay $0x4  }
0x319: {  	[tilespmem:s4+$0xE448] =	vst.add.f32.msk $0xffff, v0  }
0x31a: {  	v0 =	vld [tilespmem:s0+$0xE458];
	_ =	sdelay $0x4  }
0x31b: {  	[tilespmem:s4+$0xE458] =	vst.add.f32.msk $0xffff, v0  }
0x31c: {  	v0 =	vld [tilespmem:s0+$0xE468];
	_ =	sdelay $0x4  }
0x31d: {  	[tilespmem:s4+$0xE468] =	vst.add.f32.msk $0xffff, v0  }
0x31e: {  	v0 =	vld [tilespmem:s0+$0xE478];
	_ =	sdelay $0x4  }
0x31f: {  	[tilespmem:s4+$0xE478] =	vst.add.f32.msk $0xffff, v0  }
0x320: {  	v0 =	vld [tilespmem:s0+$0xE488];
	_ =	sdelay $0x4  }
0x321: {  	[tilespmem:s4+$0xE488] =	vst.add.f32.msk $0xffff, v0  }
0x322: {  	v0 =	vld [tilespmem:s0+$0xE498];
	_ =	sdelay $0x4  }
0x323: {  	[tilespmem:s4+$0xE498] =	vst.add.f32.msk $0xffff, v0  }
0x324: {  	v0 =	vld [tilespmem:s0+$0xE4A8];
	_ =	sdelay $0x4  }
0x325: {  	[tilespmem:s4+$0xE4A8] =	vst.add.f32.msk $0xffff, v0  }
0x326: {  	v0 =	vld [tilespmem:s0+$0xE4B8];
	_ =	sdelay $0x4  }
0x327: {  	[tilespmem:s4+$0xE4B8] =	vst.add.f32.msk $0xffff, v0  }
0x328: {  	v0 =	vld [tilespmem:s0+$0xE4C8];
	_ =	sdelay $0x4  }
0x329: {  	[tilespmem:s4+$0xE4C8] =	vst.add.f32.msk $0xffff, v0  }
0x32a: {  	v0 =	vld [tilespmem:s0+$0xE4D8];
	_ =	sdelay $0x4  }
0x32b: {  	[tilespmem:s4+$0xE4D8] =	vst.add.f32.msk $0xffff, v0  }
0x32c: {  	v0 =	vld [tilespmem:s0+$0xE4E8];
	_ =	sdelay $0x4  }
0x32d: {  	[tilespmem:s4+$0xE4E8] =	vst.add.f32.msk $0xffff, v0  }
0x32e: {  	v0 =	vld [tilespmem:s0+$0xE4F8];
	_ =	sdelay $0x4  }
0x32f: {  	[tilespmem:s4+$0xE4F8] =	vst.add.f32.msk $0xffff, v0  }
0x330: {  	v0 =	vld [tilespmem:s0+$0xE508];
	_ =	sdelay $0x4  }
0x331: {  	[tilespmem:s4+$0xE508] =	vst.add.f32.msk $0xffff, v0  }
0x332: {  	v0 =	vld [tilespmem:s0+$0xE518];
	_ =	sdelay $0x4  }
0x333: {  	[tilespmem:s4+$0xE518] =	vst.add.f32.msk $0xffff, v0  }
0x334: {  	v0 =	vld [tilespmem:s0+$0xE528]  }
.Ltmp44:
0x335: {  	_ = 	snop;
	(pc) =	sbr.rel .LBB2_54-.Ltmp44, $2  }
0x336: {  	_ =	sdelay $0x2  }
0x337: {  	[tilespmem:s4+$0xE528] =	vst.add.f32.msk $0xffff, v0  }
.LBB2_55:
0x338: {  	p1 =	slt.s32 s2, $0x1  }
.Ltmp45:
0x339: {  	_ = 	snop;
	(pc) =	sbr.rel @p1 .LBB2_59-.Ltmp45, $3  }
0x33a: {  	_ =	sdelay $0x1  }
0x33b: {  	s0 =	simm.s32 $0x8  }
0x33c: {  	s4 =	simm.s32 $0x0;
	[sflag:s0] =	ssyncpa.u1 $0x1  }
0x33d: {  	s0 =	simm.s32 $0xE418  }
0x33e: {  	v0 =	vld.msk [tilespmem:s0+$0x0], $0x1;
	_ =	sdelay $0x4  }
0x33f: {  	(v2sf) =	vpush v0, $0x0;
	_ =	sdelay $0xe  }
0x340: {  	s0 =	sadd.s32 $0xFFFFFFFF, s2;
	s3 =	spop (v2sf)  }
0x341: {  	s6 =	simm.s32 $0xE438;
	p1 =	sne.s32 s0, $0x0;
	p2 =	sgt.u32 s3, $0x4E170  }
.Ltmp46:
0x342: {  	s2 =	simm.s32 $0xE538;
	s5 =	sand.u32 @!p2 $0x7FFF8, s3;
	(pc) =	sbr.rel @!p1 .LBB2_58-.Ltmp46, $4  }
0x343: {  	s7 =	sadd.s32 @!p2 $0x80, s3;
	s4 =	simm.s32 @!p2 $0x400;
	s8 =	sadd.s32 @!p2 s1, s5  }
0x344: {  	s5 =	sand.u32 @!p2 $0x7, s3;
	s3 =	simm.s32 $0xE419;
	s7 =	sand.u32 @!p2 $0xFFFF8, s7  }
0x345: {  	[hbm4b:s8+s5] =	stream.linear.scatter @!p2 [tilespmem:s6], [sflag:$0x7], $0x80, $0x38;
	[tilespmem:$0x1E678] =	vst v63  }
0x346: {  	s4 =	sadd.s32 $0x0, s4;
	s6 =	simm.s32 @!p2 $0xE4B8;
	s7 =	sadd.s32 @!p2 s1, s7  }
.LBB2_57:
0x347: {  	[hbm4b:s7+s5] =	stream.linear.scatter @!p2 [tilespmem:s6], [sflag:$0x7], $0x80, $0x38;
	[tilespmem:$0x1E678] =	vst v63  }
0x348: {  	s0 =	sadd.s32 $0xFFFFFFFF, s0;
	s6 =	smov.u32 s2;
	v0 =	vld.msk [tilespmem:s3+$0x0], $0x1  }
0x349: {  	p1 =	sne.s32 s0, $0x0;
	_ =	sdelay $0x3  }
0x34a: {  	(v2sf) =	vpush v0, $0x0;
	_ =	sdelay $0xe  }
0x34b: {  	s2 =	sadd.s32 $0x100, s2;
	s8 =	simm.s32 $0x0;
	s5 =	spop (v2sf)  }
.Ltmp47:
0x34c: {  	s3 =	sadd.s32 $0x1, s3;
	p2 =	sgt.u32 s5, $0x4E170;
	(pc) =	sbr.rel @p1 .LBB2_57-.Ltmp47, $4  }
0x34d: {  	s8 =	simm.s32 @!p2 $0x400;
	s7 =	sand.u32 @!p2 $0x7FFF8, s5;
	s9 =	sadd.s32 @!p2 $0x80, s5  }
0x34e: {  	s5 =	sand.u32 @!p2 $0x7, s5;
	s7 =	sadd.s32 @!p2 s1, s7;
	s9 =	sand.u32 @!p2 $0xFFFF8, s9  }
0x34f: {  	[hbm4b:s7+s5] =	stream.linear.scatter @!p2 [tilespmem:s6], [sflag:$0x7], $0x80, $0x38;
	[tilespmem:$0x1E678] =	vst v63  }
0x350: {  	s4 =	sadd.s32 s4, s8;
	s6 =	sadd.s32 @!p2 $0x80, s6;
	s7 =	sadd.s32 @!p2 s1, s9  }
.LBB2_58:
0x351: {  	[hbm4b:s7+s5] =	stream.linear.scatter @!p2 [tilespmem:s6], [sflag:$0x7], $0x80, $0x38;
	[tilespmem:$0x1E678] =	vst v63  }
0x352: {  	s4 =	sshrl.u32 s4, $0x2  }
.LBB2_59:
0x353: {  	s0 =	simm.s32 $0x7  }
0x354: {  	_ =	swait.ge [sflag:s0], s4  }
0x355: {  	s1 =	ssub.s32 $0x0, s4;
	[sflag:s0] =	ssyncset.done $0x0  }
0x356: {  	[sflag:s0] =	ssyncadd.s32 s1  }
0x357: {  	[sflag:s0] =	ssyncpa.u1 $0x1  }
.LBB2_60:
0x358: {  	_ =	sfence;
	s0 =	simm.s32 $0x1  }
0x359: {  	[sflag:s0] =	ssyncpa.u1 $0x1  }
0x35a: {  	_ =	strace $0x9000004D  }
0x35b: {  	[bflag:$0x2] =	sbarrier.arrive $0xFFFF  }
0x35c: {  	s0 =	rddreg [dreg:$0x4]  }
0x35d: {  	s0 =	sadd.s32 @!p0 $0x100000, s0  }
0x35e: {  	[sflag:s0] =	ssyncadd.tile.s32 @!p0 $0x1;
	_ =	shalt  }
.Lfunc_end2:
_tile_overlayer_lowered:
.L_overlay_start_2:
0x35f: {  	(tag) =	ssettag $0x2  }
0x360: {  	s0 =	rddreg [dreg:$0x0];
	s2 =	stileid.u32  }
0x361: {  	s1 =	rddreg [dreg:$0x1];
	p0 =	sne.s32 s2, $0x0  }
0x362: {  	s3 =	rddreg [dreg:$0x2];
	[bflag:$0x3] =	sbarrier.arrive $0xFFFF;
	s2 =	simm.s32 @!p0 $0x1C01  }
0x363: {  	[timem:s3], [sflag:s2] =	dma.local @!p0 [hbm:s0], s1  }
0x364: {  	s0 =	simm.s32 @!p0 $0x1  }
0x365: {  	_ =	swait.ge @!p0 [sflag:s0], s1  }
0x366: {  	s1 =	ssub.s32 @!p0 $0x0, s1;
	[sflag:s0] =	ssyncset.done @!p0 $0x0  }
0x367: {  	[sflag:s0] =	ssyncadd.s32 @!p0 s1  }
0x368: {  	[bflag:$0x3] =	sbarrier.arrive $0xFFFF  }
0x369: {  	_ =	shalt  }

// kernel: scatter_offload_async_start
scs
__scs_entry_jumppad:
0x0: {  	(pc) =	sbr.rel $0x88, $3  }
0x1: {  	(tag) =	ssettag $0x0;
	lr =	simm.s32 $0x1  }
0x2: {  	[smem:$0x3F8E] =	sst lr;
	_ =	strace $0xD0000000  }
0x3: {  	_ = 	snop  }
0x4: {  	_ = 	snop  }
0x5: {  	_ = 	snop  }
0x6: {  	_ = 	snop  }
0x7: {  	_ = 	snop  }
__scs_overlays_trampoline_lowered:
0x8: {  	[smem:$0x3F9D] =	sst s0  }
0x9: {  	[smem:$0x3F9E] =	sst s1  }
0xa: {  	[smem:$0x3F9F] =	sst s2  }
0xb: {  	[smem:$0x3FA0] =	sst s3  }
0xc: {  	[smem:$0x3FA1] =	sst s4  }
0xd: {  	[smem:$0x3FA2] =	sst s5  }
0xe: {  	[smem:$0x3FA3] =	sst s6  }
0xf: {  	[smem:$0x3FA4] =	sst s7  }
0x10: {  	[smem:$0x3FA5] =	sst s8  }
0x11: {  	[smem:$0x3FA6] =	sst s9;
	s0 =	simm.s32 @!p0 $0x0  }
0x12: {  	s1 =	sld [smem:$0x3F8C];
	s0 =	simm.s32 @p0 $0x1  }
0x13: {  	[smem:$0x3FA7] =	sst s0;
	s0 =	simm.s32 @!p1 $0x0  }
0x14: {  	s2 =	sld [smem:$0x3F8B];
	s0 =	simm.s32 @p1 $0x1  }
0x15: {  	[smem:$0x3FA8] =	sst s0;
	s0 =	simm.s32 @!p2 $0x0  }
0x16: {  	s3 =	sld [smem:$0x3FDB];
	s0 =	simm.s32 @p2 $0x1  }
0x17: {  	s4 =	simm.s32 $0x1BF5;
	[smem:$0x3FAA] =	sst s0  }
0x18: {  	s0 =	sld [smem:$0x3F8D];
	_ =	swait.ge [sflag:s4], $0x0  }
0x19: {  	s7 =	sld [smem:$0x3F8E]  }
0x1a: {  	s8 =	sadd.s32 $0xFFFFE003, lr  }
0x1b: {  	s9 =	sadd.s32 $0xFFFFFEF7, lr;
	s5 =	simm.s32 $0xFFFFFFFF;
	p2 =	slt.u32 s8, $0xFFFFF086  }
0x1c: {  	p1 =	slt.u32 s9, $0xF7A;
	s5 =	simm.s32 @!p2 $0x0  }
0x1d: {  	s5 =	simm.s32 @p1 $0x1;
	p0 =	seq.s32 s7, s2  }
0x1e: {  	s7 =	smul.u32 @!p0 $0xF7A, s2;
	p2 =	seq.s32 @!p0 s5, $0x0  }
0x1f: {  	s9 =	smul.u32 $0xF7A, s1;
	s8 =	simm.s32 @!p0 $0x1BF5;
	p2 =	por !p2, p0  }
0x20: {  	[sflag:s8] =	ssyncset.s32 @!p0 $0xFFFFF086;
	s6 =	sadd.s32 @!p0 s3, s7;
	s7 =	simm.s32 @!p0 $0x108  }
0x21: {  	s3 =	sadd.s32 s3, s9;
	s6 =	sadd.s32 @!p0 $0x88, s6;
	s7 =	simm.s32 @p2 $0x1082  }
0x22: {  	[simem:s7], [sflag:s8] =	dma.local @!p0 [hbm:s6], $0xF7A  }
0x23: {  	s9 =	sor.u32 $0xD0000000, s2;
	s6 =	simm.s32 $0x108;
	_ =	swait.ge @!p0 [sflag:s8], $0x0  }
0x24: {  	s3 =	sadd.s32 $0x88, s3;
	s6 =	simm.s32 @!p1 $0x1082;
	[sflag:s4] =	ssyncset.s32 $0xFFFFF086  }
0x25: {  	[simem:s6], [sflag:s4] =	dma.local [hbm:s3], $0xF7A  }
0x26: {  	[smem:$0x3F8E] =	sst s1;
	(tag) =	ssettag s2;
	_ =	strace s9  }
0x27: {  	s1 =	sld [smem:$0x3F9E]  }
0x28: {  	s2 =	sld [smem:$0x3F9F]  }
0x29: {  	s4 =	sld [smem:$0x3FA1]  }
0x2a: {  	p0 =	seq.s32 s5, $0x0;
	s5 =	sld [smem:$0x3FA2]  }
0x2b: {  	s6 =	sld [smem:$0x3FA3]  }
0x2c: {  	s7 =	sld [smem:$0x3FA4]  }
0x2d: {  	s3 =	simm.s32 $0x108;
	s8 =	sld [smem:$0x3FA5]  }
0x2e: {  	s3 =	simm.s32 @!p0 $0x1082;
	s9 =	sld [smem:$0x3FA6]  }
0x2f: {  	lr =	sadd.s32 s0, s3;
	s0 =	sld [smem:$0x3F9D]  }
0x30: {  	s3 =	sld [smem:$0x3FA0]  }
0x31: {  	[smem:$0x3FA9] =	sst s10  }
0x32: {  	s10 =	sld [smem:$0x3FA7];
	_ =	sdelay $0x3  }
0x33: {  	p0 =	seq.s32 s10, $0x1;
	s10 =	sld [smem:$0x3FA9];
	_ =	sdelay $0x3  }
0x34: {  	[smem:$0x3FA9] =	sst s10  }
0x35: {  	s10 =	sld [smem:$0x3FA8];
	_ =	sdelay $0x3  }
0x36: {  	p1 =	seq.s32 s10, $0x1;
	s10 =	sld [smem:$0x3FA9];
	_ =	sdelay $0x3  }
0x37: {  	[smem:$0x3FA9] =	sst s10  }
0x38: {  	s10 =	sld [smem:$0x3FAA]  }
0x39: {  	_ = 	snop;
	(pc) =	sbr.ind lr, $3  }
0x3a: {  	_ = 	snop  }
0x3b: {  	_ = 	snop  }
0x3c: {  	p2 =	seq.s32 s10, $0x1;
	s10 =	sld [smem:$0x3FA9]  }
0x3d: {  	_ =	shalt  }
0x3e: {  	_ =	shalt  }
0x3f: {  	_ =	shalt  }
0x40: {  	_ =	shalt  }
0x41: {  	_ =	shalt  }
0x42: {  	_ =	shalt  }
0x43: {  	_ =	shalt  }
0x44: {  	_ =	shalt  }
0x45: {  	_ =	shalt  }
0x46: {  	_ =	shalt  }
0x47: {  	_ =	shalt  }
0x48: {  	_ =	shalt  }
0x49: {  	_ =	shalt  }
0x4a: {  	_ =	shalt  }
0x4b: {  	_ =	shalt  }
0x4c: {  	_ =	shalt  }
0x4d: {  	_ =	shalt  }
0x4e: {  	_ =	shalt  }
0x4f: {  	_ =	shalt  }
0x50: {  	_ =	shalt  }
0x51: {  	_ =	shalt  }
0x52: {  	_ =	shalt  }
0x53: {  	_ =	shalt  }
0x54: {  	_ =	shalt  }
0x55: {  	_ =	shalt  }
0x56: {  	_ =	shalt  }
0x57: {  	_ =	shalt  }
0x58: {  	_ =	shalt  }
0x59: {  	_ =	shalt  }
0x5a: {  	_ =	shalt  }
0x5b: {  	_ =	shalt  }
0x5c: {  	_ =	shalt  }
0x5d: {  	_ =	shalt  }
0x5e: {  	_ =	shalt  }
0x5f: {  	_ =	shalt  }
0x60: {  	_ =	shalt  }
0x61: {  	_ =	shalt  }
0x62: {  	_ =	shalt  }
0x63: {  	_ =	shalt  }
0x64: {  	_ =	shalt  }
0x65: {  	_ =	shalt  }
0x66: {  	_ =	shalt  }
0x67: {  	_ =	shalt  }
0x68: {  	_ =	shalt  }
0x69: {  	_ =	shalt  }
0x6a: {  	_ =	shalt  }
0x6b: {  	_ =	shalt  }
0x6c: {  	_ =	shalt  }
0x6d: {  	_ =	shalt  }
0x6e: {  	_ =	shalt  }
0x6f: {  	_ =	shalt  }
0x70: {  	_ =	shalt  }
0x71: {  	_ =	shalt  }
0x72: {  	_ =	shalt  }
0x73: {  	_ =	shalt  }
0x74: {  	_ =	shalt  }
0x75: {  	_ =	shalt  }
0x76: {  	_ =	shalt  }
0x77: {  	_ =	shalt  }
0x78: {  	_ =	shalt  }
0x79: {  	_ =	shalt  }
0x7a: {  	_ =	shalt  }
0x7b: {  	_ =	shalt  }
0x7c: {  	_ =	shalt  }
0x7d: {  	_ =	shalt  }
0x7e: {  	_ =	shalt  }
0x7f: {  	_ =	shalt  }
0x80: {  	_ =	shalt  }
0x81: {  	_ =	shalt  }
0x82: {  	_ =	shalt  }
0x83: {  	_ =	shalt  }
0x84: {  	_ =	shalt  }
0x85: {  	_ =	shalt  }
0x86: {  	_ =	shalt  }
0x87: {  	_ =	shalt  }
.Lfunc_end0:
.L_simem_size_0:
called_computation_lowered:
.L_overlay_start_0:
0x88: {  	s2 =	sld [smem:$0x3FD9]  }
0x89: {  	s3 =	sld [smem:$0x3FFE];
	_ =	sdelay $0x1  }
0x8a: {  	s1 =	srdreg.scid  }
0x8b: {  	s0 =	sand.u32 $0x1, s1  }
0x8c: {  	s16 =	sshll.u32 s0, $0xA;
	s2 =	sadd.s32 s3, s2  }
0x8d: {  	s2 =	sadd.s32 s2, s16  }
0x8e: {  	[smem:$0x3FB5] =	sst s2  }
0x8f: {  	_ = 	snop  }
0x90: {  	s2 =	sld [smem:$0x3FD0];
	(tm) =	ssettm $0x1  }
0x91: {  	s17 =	sld [smem:$0x3FFB];
	_ =	sdelay $0x3  }
0x92: {  	_ =	strace s17  }
0x93: {  	s3 =	sld [smem:$0x3FFC];
	_ =	sdelay $0x3  }
0x94: {  	_ =	strace s3  }
0x95: {  	s3 =	sld [smem:$0x3FFD];
	_ =	sdelay $0x3  }
0x96: {  	_ =	strace s3  }
0x97: {  	_ =	strace $0x8FFFFFFF  }
0x98: {  	s18 =	sld [smem:$0x3FDB];
	_ =	sdelay $0x1  }
0x99: {  	s4 =	simm.s32 $_scs_section_size  }
0x9a: {  	s5 =	simm.s32 $_size__tile_overlayer_lowered;
	s6 =	simm.s32 $_tile_overlayer_lowered  }
0x9b: {  	s21 =	simm.s32 $0x1BFF;
	s20 =	sshll.u32 s6, $0x1;
	s3 =	sadd.s32 s4, s18  }
0x9c: {  	s7 =	simm.s32 $0x0;
	s19 =	sshll.u32 s5, $0x1;
	s5 =	sadd.s32 s20, s3  }
0x9d: {  	[timem:s7], [sflag:s21] =	dma.local [hbm:s5], s19  }
0x9e: {  	_ =	swait.ge [sflag:s21], s19  }
0x9f: {  	s4 =	ssub.s32 $0x0, s19;
	[sflag:s21] =	ssyncset.done $0x0  }
0xa0: {  	[sflag:s21] =	ssyncadd.s32 s4;
	_ =	sdelay $0x1  }
0xa1: {  	s22 =	simm.s32 $0x1B8B  }
0xa2: {  	_ =	swait.ge [sflag:s22], $0x1  }
0xa3: {  	[sflag:s22] =	ssyncset.done $0x0  }
0xa4: {  	s23 =	sld [smem:$0x3FFE];
	[sflag:s22] =	ssyncadd.s32 $0xFFFFFFFF  }
0xa5: {  	s25 =	simm.s32 $0x1B8E;
	s24 =	sld [smem:$0x0]  }
0xa6: {  	s26 =	simm.s32 $execute0_lowered;
	[smem:$0x3FD2] =	sst s25  }
0xa7: {  	s6 =	sshll.u32 s26, $0x1;
	_ =	strace $0x80000049;
	[dreg:$0x1] =	wrdreg $0xFFFFFFFF  }
0xa8: {  	s28 =	simm.s32 $_size_execute0_lowered;
	s3 =	sadd.s32 s3, s6;
	[dreg:$0x0] =	wrdreg $0x0  }
0xa9: {  	s6 =	sshll.u32 s28, $0x1;
	[dreg:$0x2] =	wrdreg s3  }
0xaa: {  	[dreg:$0x3] =	wrdreg s6  }
0xab: {  	[dreg:$0x4] =	wrdreg $0xC0  }
0xac: {  	_ =	task [dreg:s7], $0x5FFFF  }
0xad: {  	[dreg:$0x1] =	wrdreg $0xFFFFFFFF  }
0xae: {  	[dreg:$0x0] =	wrdreg $0x60  }
0xaf: {  	[dreg:$0x2] =	wrdreg s2  }
0xb0: {  	[dreg:$0x3] =	wrdreg s23  }
0xb1: {  	[dreg:$0x4] =	wrdreg s1  }
0xb2: {  	[dreg:$0x5] =	wrdreg s24  }
0xb3: {  	[dreg:$0x6] =	wrdreg $0x9  }
0xb4: {  	_ =	task.clear_ibuf [dreg:s7], $0x7FFFF;
	_ =	strace $0x90000049  }
0xb5: {  	s29 =	simm.s32 $0x9;
	_ =	strace $0x8000004B  }
0xb6: {  	_ =	swait.ge [sflag:s29], $0x1  }
0xb7: {  	[sflag:s29] =	ssyncadd.s32 $0xFFFFFFFF  }
0xb8: {  	_ =	strace $0x9000004B  }
0xb9: {  	_ =	sfence  }
0xba: {  	s30 =	sld [smem:$0x0];
	_ =	sdelay $0x2  }
0xbb: {  	s31 =	sshll.u32 s1, $0xD;
	s1 =	sshrl.u32 s1, $0x2  }
0xbc: {  	s3 =	sand.u32 $0x4000, s31;
	s1 =	sadd.s32 s1, s30  }
0xbd: {  	s0 =	sor.u32 s3, s0;
	s1 =	sshll.u32 s1, $0x11  }
0xbe: {  	s0 =	sor.u32 s1, s0  }
0xbf: {  	s0 =	sadd.s32 $0x8F2B, s0  }
0xc0: {  	[sflag:s0] =	ssyncadd.remote.s32 $0x1  }
0xc1: {  	_ =	sfence.sel $0xFFFF  }
0xc2: {  	[dreg:$0x0] =	wrdreg $0xFFFFFFFF;
	(pc) =	sbr.abs _section_cstart, $3  }
0xc3: {  	[dreg:$0x1] =	wrdreg $0xFFFFFFFF  }
0xc4: {  	_ =	task.clear_ibuf [dreg:s7], $0x2FFFF;
	_ =	strace $0x9FFFFFFF  }
0xc5: {  	(tm) =	ssettm $0x7FFFFFFF  }
tec
execute0_lowered:
.L_overlay_start_1:
0x0: {  	(tag) =	ssettag $0x1  }
0x1: {  	s1 =	rddreg [dreg:$0x0]  }
0x2: {  	s2 =	rddreg [dreg:$0x1]  }
0x3: {  	s3 =	rddreg [dreg:$0x2];
	_ =	strace $0x8000004A;
	s0 =	simm.s32 $0x1  }
0x4: {  	v0 =	vimm.s32 $0x0;
	[sflag:s0] =	ssyncpa.u1 $0x0;
	s0 =	simm.s32 $0x108  }
0x5: {  	[tilespmem:s0+$0x70] =	vst v0  }
0x6: {  	[tilespmem:s0+$0x60] =	vst v0  }
0x7: {  	[tilespmem:s0+$0x50] =	vst v0  }
0x8: {  	[tilespmem:s0+$0x40] =	vst v0  }
0x9: {  	[tilespmem:s0+$0x30] =	vst v0  }
0xa: {  	s15 =	sadd.s32 $0x1544800, s2;
	s6 =	sadd.s32 $0x154E800, s2;
	[tilespmem:s0+$0x20] =	vst v0  }
0xb: {  	s14 =	sadd.s32 $0x1549800, s2;
	s5 =	sand.u32 $0x1, s3;
	s3 =	simm.s32 $0x40;
	[tilespmem:s0+$0x10] =	vst v0  }
.LBB2_1:
0xc: {  	s3 =	sadd.s32 $0x40, s3;
	[tilespmem:s0+$0x0] =	vst v0;
	s0 =	sadd.s32 $0x80, s0  }
0xd: {  	p0 =	slt.u32 s3, $0x3C40;
	[tilespmem:s0+$0x70] =	vst v0  }
0xe: {  	[tilespmem:s0+$0x60] =	vst v0  }
.Ltmp0:
0xf: {  	[tilespmem:s0+$0x50] =	vst v0;
	(pc) =	sbr.rel @p0 .LBB2_1-.Ltmp0, $4  }
0x10: {  	[tilespmem:s0+$0x40] =	vst v0  }
0x11: {  	[tilespmem:s0+$0x30] =	vst v0  }
0x12: {  	[tilespmem:s0+$0x20] =	vst v0  }
0x13: {  	[tilespmem:s0+$0x10] =	vst v0  }
0x14: {  	s9 =	stileid.u32  }
0x15: {  	s2 =	smul.u32 $0x15, s9  }
0x16: {  	s3 =	smin.u32 s9, $0x6  }
0x17: {  	s2 =	sadd.s32 s3, s2  }
0x18: {  	p0 =	slt.u32 s9, $0x6;
	s7 =	smul.u32 $0xF0, s2;
	s2 =	simm.s32 $0x14A0  }
0x19: {  	s2 =	simm.s32 @!p0 $0x13B0  }
0x1a: {  	s2 =	sadd.s32 s2, s7  }
0x1b: {  	s8 =	smin.u32 s2, $0x14000  }
0x1c: {  	s2 =	ssub.s32 s8, s7  }
0x1d: {  	p0 =	sgt.s32 s2, $0x0  }
0x1e: {  	s29 =	simm.s32 $0x2;
	s10 =	simm.s32 $0x9;
	s2 =	simm.s32 @!p0 $0x0  }
0x1f: {  	s4 =	simm.s32 $0xA;
	s11 =	simm.s32 $0xB;
	s28 =	smulhi.u32 $0x88888889, s2  }
0x20: {  	[dreg:$0x5] =	wrdreg s5;
	s31 =	smul.u32 $0x2800, s5;
	s12 =	simm.s32 $0x1  }
0x21: {  	s22 =	simm.s32 $0x0;
	s18 =	simm.s32 $0xC;
	s30 =	sshrl.u32 s28, $0x7  }
0x22: {  	s20 =	simm.s32 $0x0;
	s21 =	simm.s32 $0x0;
	s3 =	smul.u32 $0xF0, s30  }
.Ltmp1:
0x23: {  	[tilespmem:s0+$0x0] =	vst v0;
	v0 =	vimm.s32 $0xFFFFFFFF;
	[sflag:s29] =	ssyncpa.u1 $0x0;
	s16 =	sshll.u32 s9, $0x8;
	(pc) =	sbr.rel .LBB2_3-.Ltmp1, $4  }
0x24: {  	[tilespmem:$0xF208] =	vst v0;
	[sflag:s10] =	ssyncpa.u1 $0x0;
	p0 =	sne.s32 s2, s3;
	s2 =	simm.s32 $0x1  }
0x25: {  	s14 =	sadd.s32 s31, s14;
	[sflag:s4] =	ssyncpa.u1 $0x0;
	s2 =	simm.s32 @!p0 $0x0  }
0x26: {  	s15 =	sadd.s32 s31, s15;
	[sflag:s11] =	ssyncpa.u1 $0x0;
	s13 =	sadd.s32 s2, s30  }
0x27: {  	v0 =	vlaneseq.u32;
	s19 =	smov.u32 s7;
	p0 =	por $0x0, $0x0;
	s17 =	sadd.s32 $0x1, s13  }
.LBB2_18:
0x28: {  	s0 =	sshrl.u32 s31, $0x2  }
.LBB2_20:
0x29: {  	_ =	swait.ge [sflag:s18], s0  }
0x2a: {  	s31 =	ssub.s32 $0x0, s0;
	v1 =	vmov s24;
	vm0 =	veq.s32 v0, $0x0;
	[sflag:s18] =	ssyncset.done $0x0  }
0x2b: {  	vm15 =	veq.s32 v0, $0x2;
	v1 =	vsel vm0, s30, v1;
	[sflag:s18] =	ssyncadd.s32 s31  }
0x2c: {  	v1 =	vsel vm15, s22, v1;
	[sflag:s18] =	ssyncpa.u1 $0x1  }
0x2d: {  	[tilespmem:$0xF208] =	vst v1  }
.LBB2_21:
0x2e: {  	s0 =	sadd.s32 $0xF0, s19  }
0x2f: {  	s2 =	smov.u32 s7;
	p1 =	slt.s32 s0, s8  }
0x30: {  	s2 =	smov.u32 @p1 s0;
	p1 =	sne.s32 s21, s17  }
.Ltmp2:
0x31: {  	_ = 	snop;
	(pc) =	sbr.rel @!p1 .LBB2_22-.Ltmp2, $3  }
0x32: {  	_ =	sdelay $0x1  }
0x33: {  	s22 =	smov.u32 s20;
	s31 =	sadd.s32 $0x1, s21;
	s20 =	smov.u32 s19  }
0x34: {  	p0 =	por !p0, !p0;
	s21 =	smov.u32 s31;
	s19 =	smov.u32 s2  }
.LBB2_3:
0x35: {  	p1 =	sge.u32 s21, s13  }
0x36: {  	s0 =	smulhi.u32 @!p1 $0xAAAAAAAB, s21  }
0x37: {  	s2 =	smov.u32 s19;
	p2 =	sgt.s32 @!p1 s19, $0x13F10  }
0x38: {  	s3 =	sshra.s32 @!p1 s19, $0x1F;
	p2 =	por !p2, p1;
	s0 =	sshrl.u32 @!p1 s0, $0x1  }
0x39: {  	s3 =	sand.u32 @!p1 s3, s19;
	s2 =	simm.s32 @p2 $0x13F10;
	s0 =	smul.u32 @!p1 $0x3, s0  }
0x3a: {  	s2 =	ssub.s32 @!p1 s2, s3  }
0x3b: {  	s2 =	sadd.s32 @!p1 $0xFFFEC0F0, s2;
	s0 =	ssub.s32 @!p1 s21, s0  }
0x3c: {  	s3 =	sshll.u32 @!p1 s2, $0x2;
	p2 =	sgt.s32 @!p1 s2, $0xEF;
	s0 =	smul.u32 @!p1 $0x3C0, s0  }
0x3d: {  	s4 =	sand.u32 @!p1 $0x7, s19;
	s2 =	ssub.s32 @!p1 $0x3C0, s3;
	p2 =	por !p2, p1  }
0x3e: {  	s3 =	sshrl.u32 @!p1 s19, $0x3;
	s2 =	sshrl.u32 @!p1 s2, $0x2;
	s0 =	sshrl.u32 @!p1 s0, $0x2  }
0x3f: {  	s3 =	sadd.s32 @!p1 s3, s14;
	s2 =	simm.s32 @!p2 $0x0;
	s0 =	sadd.s32 @!p1 $0x10248, s0  }
0x40: {  	[tilespmem:s0], [sflag:$0xA] =	stream.linear.gather @!p1 [hbm4b:s3+s4], s2, $0x38;
	[tilespmem:$0x1F6F8] =	vst v63  }
0x41: {  	s0 =	sadd.s32 $0xFFFFFFFF, s21  }
0x42: {  	p1 =	sge.u32 s0, s13  }
0x43: {  	p2 =	sgt.s32 @!p1 s20, $0x13F10  }
0x44: {  	s2 =	smov.u32 s20;
	s3 =	sshra.s32 @!p1 s20, $0x1F;
	p2 =	por !p2, p1  }
0x45: {  	s3 =	sand.u32 @!p1 s3, s20;
	s2 =	simm.s32 @p2 $0x13F10  }
0x46: {  	s2 =	ssub.s32 @!p1 s2, s3  }
0x47: {  	s2 =	sadd.s32 @!p1 $0xFFFEC0F0, s2  }
0x48: {  	s4 =	sand.u32 @!p1 $0x1, s0;
	s3 =	sshll.u32 @!p1 s2, $0x2  }
0x49: {  	p2 =	sgt.s32 @!p1 s2, $0xEF;
	s2 =	ssub.s32 @!p1 $0x3C0, s3;
	s3 =	smulhi.u32 @!p1 $0xAAAAAAAB, s0  }
0x4a: {  	s23 =	smul.u32 @!p1 $0x3C0, s4;
	p2 =	por !p2, p1;
	s2 =	sshrl.u32 @!p1 s2, $0x2  }
0x4b: {  	s5 =	simm.s32 @!p1 $0xA;
	s2 =	simm.s32 @!p2 $0x0;
	s3 =	sshrl.u32 @!p1 s3, $0x1  }
0x4c: {  	s23 =	sshrl.u32 @!p1 s23, $0x2;
	_ =	swait.ge @!p1 [sflag:s5], s2;
	s3 =	smul.u32 @!p1 $0x3, s3  }
0x4d: {  	s23 =	sadd.s32 @!p1 $0x10518, s23;
	s24 =	ssub.s32 @!p1 $0x0, s2;
	[sflag:s5] =	ssyncset.done @!p1 $0x0  }
0x4e: {  	[sflag:s5] =	ssyncadd.s32 @!p1 s24;
	s5 =	sshrl.u32 @!p1 s20, $0x3;
	s0 =	ssub.s32 @!p1 s0, s3  }
0x4f: {  	s24 =	sand.u32 @!p1 $0x7, s20;
	s5 =	sadd.s32 @!p1 s5, s15;
	s0 =	smul.u32 @!p1 $0x3C0, s0  }
0x50: {  	[tilespmem:s23], [sflag:$0xB] =	stream.linear.gather @!p1 [hbm4b:s5+s24], s2, $0x38;
	[tilespmem:$0x1F6F8] =	vst v63  }
0x51: {  	s3 =	ssub.s32 @!p1 $0x14000, s20;
	s2 =	smul.u32 @!p1 $0x1E000, s4  }
0x52: {  	p2 =	slt.s32 @!p1 s3, $0xF0  }
0x53: {  	p2 =	por !p2, p1;
	s0 =	sshrl.u32 @!p1 s0, $0x2;
	s2 =	sshrl.u32 @!p1 s2, $0x2  }
0x54: {  	s3 =	simm.s32 @p2 $0xF0;
	s0 =	sadd.s32 @!p1 $0x10248, s0;
	s2 =	sor.u32 @!p1 $0x106F8, s2  }
0x55: {  	[tilespmem:s2], [sflag:$0x9] =	stream.indirect.gather @!p1 [hbm4b:s6+s3], $0x80, s0, s3, $0xb8;
	[tilespmem:$0x1F6F8] =	vst v63  }
0x56: {  	p1 =	slt.u32 s21, $0x2  }
.Ltmp3:
0x57: {  	_ = 	snop;
	(pc) =	sbr.rel @p1 .LBB2_21-.Ltmp3, $1  }
0x58: {  	_ =	sdelay $0x3  }
0x59: {  	p1 =	sgt.s32 s22, $0x13F10  }
0x5a: {  	s0 =	smov.u32 s22;
	s2 =	sshra.s32 s22, $0x1F;
	s3 =	ssub.s32 $0x14000, s22  }
0x5b: {  	s0 =	simm.s32 @!p1 $0x13F10;
	s2 =	sand.u32 s2, s22;
	p1 =	slt.s32 s3, $0xF0  }
0x5c: {  	s0 =	ssub.s32 s0, s2;
	s3 =	simm.s32 @!p1 $0xF0  }
0x5d: {  	s0 =	sadd.s32 $0xFFFEC0F0, s0;
	s25 =	sshll.u32 s3, $0x7  }
0x5e: {  	s26 =	sshll.u32 s0, $0x2;
	s2 =	sand.u32 $0x3FFFFF80, s25  }
0x5f: {  	p1 =	sgt.s32 s0, $0xEF;
	s29 =	ssub.s32 $0x3C0, s26;
	_ =	swait.ge [sflag:s10], s2  }
0x60: {  	s2 =	ssub.s32 $0x0, s2;
	[sflag:s10] =	ssyncset.done $0x0;
	s0 =	sshrl.u32 s29, $0x2  }
0x61: {  	[sflag:s10] =	ssyncadd.s32 s2;
	s0 =	simm.s32 @p1 $0x0  }
0x62: {  	_ =	swait.ge [sflag:s11], s0  }
0x63: {  	s0 =	ssub.s32 $0x0, s0;
	[sflag:s11] =	ssyncset.done $0x0  }
0x64: {  	[sflag:s11] =	ssyncadd.s32 s0  }
0x65: {  	v1 =	vld [tilespmem:$0xF208];
	_ =	sdelay $0x4  }
0x66: {  	(v2sf) =	vpush v1, $0x0  }
0x67: {  	(v2sf) =	vpush v1, $0x1  }
0x68: {  	(v2sf) =	vpush v1, $0x2;
	_ =	sdelay $0x3  }
0x69: {  	s0 =	sadd.s32 $0xF0, s22  }
0x6a: {  	s2 =	ssub.s32 $0x28000, s22;
	p1 =	slt.s32 s8, s0  }
0x6b: {  	s0 =	smov.u32 @p1 s8;
	p1 =	sgt.s32 s2, $0x0  }
0x6c: {  	s26 =	ssub.s32 s0, s22;
	s2 =	simm.s32 @!p1 $0x0  }
0x6d: {  	p1 =	slt.s32 s2, s26  }
0x6e: {  	s26 =	smov.u32 @p1 s2  }
0x6f: {  	s25 =	simm.s32 $0x1;
	p1 =	slt.s32 s26, $0x1  }
.Ltmp4:
0x70: {  	s25 =	simm.s32 @!p0 $0x0;
	(pc) =	sbr.rel @p1 .LBB2_8-.Ltmp4, $4  }
0x71: {  	s31 =	smul.u32 $0x3C0, s25  }
0x72: {  	s28 =	spop (v2sf)  }
0x73: {  	s0 =	sshrl.u32 s31, $0x2;
	s30 =	spop (v2sf)  }
0x74: {  	s23 =	sadd.s32 $0x10518, s0;
	s22 =	spop (v2sf)  }
0x75: {  	s0 =	smin.u32 s26, $0x10  }
0x76: {  	v1 =	vmov s0  }
0x77: {  	p2 =	sgt.s32 s26, $0x10;
	vm1 =	vgt.u32 v1, v0  }
.Ltmp5:
0x78: {  	_ = 	snop;
	(pc) =	sbr.rel @!p2 .LBB2_7-.Ltmp5, $2  }
0x79: {  	_ =	sdelay $0x2  }
0x7a: {  	s4 =	simm.s32 $0x10;
	s24 =	sadd.s32 $0xFFFFFFF0, s26;
	s0 =	smov.u32 s23;
	vm0 =	vmmov vm1  }
.LBB2_6:
0x7b: {  	s2 =	smin.u32 s24, $0x10;
	s4 =	sadd.s32 $0x10, s4;
	v1 =	vld.msk [tilespmem:s0+$0x0 ss:$0x1], vm1  }
0x7c: {  	v2 =	vmov s2;
	p2 =	slt.s32 s4, s26  }
0x7d: {  	vm1 =	vgt.u32 v2, v0  }
.Ltmp6:
0x7e: {  	(pc) =	sbr.rel @p2 .LBB2_6-.Ltmp6, $3  }
0x7f: {  	_ =	sdelay $0x1  }
0x80: {  	v1 =	vshll.u32 v1, $0x4  }
0x81: {  	s24 =	sadd.s32 $0xFFFFFFF0, s24;
	[tilespmem:s0+$0x0] =	vst.msk vm0, v1;
	s0 =	sadd.s32 $0x10, s0;
	vm0 =	vmmov vm1  }
.LBB2_7:
0x82: {  	_ =	sdelay $0x4  }
0x83: {  	v1 =	vld.msk [tilespmem:s0+$0x0 ss:$0x1], vm1;
	_ =	sdelay $0x4  }
0x84: {  	v1 =	vshll.u32 v1, $0x4  }
0x85: {  	[tilespmem:s0+$0x0] =	vst.msk vm0, v1  }
.LBB2_8:
0x86: {  	s0 =	sand.u32 $0x1, s21  }
0x87: {  	s0 =	smul.u32 $0xF0, s0  }
0x88: {  	p2 =	sne.s32 s30, $0xFFFFFFFF  }
0x89: {  	v1 =	vld.msk @!p2 [tilespmem:s0+$0x10518], $0x1;
	_ =	sdelay $0x4  }
0x8a: {  	(v2sf) =	vpush @!p2 v1, $0x0;
	_ =	sdelay $0xc  }
.Ltmp7:
0x8b: {  	_ = 	snop;
	(pc) =	sbr.rel @p1 .LBB2_19-.Ltmp7, $4  }
0x8c: {  	_ = 	snop  }
0x8d: {  	s29 =	spop @!p2 (v2sf)  }
0x8e: {  	s22 =	simm.s32 @!p2 $0x0;
	s24 =	smov.u32 s29  }
0x8f: {  	[sflag:s18] =	ssyncpa.u1 $0x0;
	s29 =	smov.u32 @p2 s28;
	s24 =	smov.u32 @p2 s30  }
0x90: {  	v1 =	vld.msk [tilespmem:s23+$0x0], $0x1;
	_ =	sdelay $0x4  }
0x91: {  	(v2sf) =	vpush v1, $0x0;
	_ =	sdelay $0xe  }
0x92: {  	s2 =	smul.u32 $0x1E000, s25;
	s0 =	spop (v2sf)  }
0x93: {  	s26 =	ssub.s32 $0x0, s26;
	p1 =	seq.s32 s29, s0  }
0x94: {  	s30 =	sadd.s32 $0x1, s26;
	s2 =	sshrl.u32 s2, $0x2;
	p2 =	sgt.s32 @!p1 s29, $0x0  }
0x95: {  	s25 =	sor.u32 $0x10738, s2;
	s2 =	smov.u32 s29;
	p2 =	por !p2, p1  }
0x96: {  	s2 =	simm.s32 @p2 $0x0;
	p2 =	seq.s32 s30, $0x0  }
.Ltmp8:
0x97: {  	_ = 	snop;
	(pc) =	sbr.rel @p2 .LBB2_11-.Ltmp8, $4  }
0x98: {  	_ = 	snop  }
0x99: {  	s28 =	simm.s32 $0x0;
	s31 =	sadd.s32 $0x1, s23;
	s2 =	smin.u32 @!p1 s2, $0x270F0  }
0x9a: {  	s4 =	simm.s32 @!p1 $0x1;
	s5 =	simm.s32 @!p1 $0x7988;
	s3 =	sand.u32 @!p1 $0x3FFF8, s2  }
0x9b: {  	s4 =	smov.u32 @p1 s28;
	s2 =	sand.u32 @!p1 $0x7, s2;
	s3 =	sadd.s32 @!p1 s1, s3  }
.LBB2_10:
0x9c: {  	s9 =	smov.u32 s4  }
0x9d: {  	[tilespmem:s5], [sflag:$0x2] =	stream.linear.gather @!p1 [hbm4b:s3+s2], $0x80, $0x38;
	[tilespmem:$0x1F6F8] =	vst v63  }
0x9e: {  	s30 =	sadd.s32 $0x1, s30;
	s2 =	smov.u32 s0;
	v1 =	vld.msk [tilespmem:s31+$0x0], $0x1  }
0x9f: {  	p2 =	seq.s32 s30, $0x0;
	_ =	sdelay $0x3  }
0xa0: {  	(v2sf) =	vpush v1, $0x0;
	_ =	sdelay $0xe  }
0xa1: {  	s0 =	spop (v2sf)  }
0xa2: {  	p1 =	seq.s32 s2, s0  }
0xa3: {  	p3 =	sgt.s32 @!p1 s2, $0x0;
	s3 =	sshll.u32 @!p1 s4, $0x9;
	s4 =	sadd.s32 @!p1 $0x1, s4  }
.Ltmp9:
0xa4: {  	p3 =	por !p3, p1;
	s3 =	sshra.s32 @!p1 s3, $0x2;
	(pc) =	sbr.rel @!p2 .LBB2_10-.Ltmp9, $4  }
0xa5: {  	s4 =	smov.u32 @p1 s9;
	s2 =	simm.s32 @p3 $0x0;
	s5 =	sadd.s32 @!p1 $0x7988, s3  }
0xa6: {  	s2 =	smin.u32 @!p1 s2, $0x270F0  }
0xa7: {  	s3 =	sand.u32 @!p1 $0x3FFF8, s2;
	s2 =	sand.u32 @!p1 $0x7, s2  }
0xa8: {  	s31 =	sadd.s32 $0x1, s31;
	s3 =	sadd.s32 @!p1 s1, s3  }
.LBB2_11:
0xa9: {  	[tilespmem:s5], [sflag:$0x2] =	stream.linear.gather @!p1 [hbm4b:s3+s2], $0x80, $0x38;
	[tilespmem:$0x1F6F8] =	vst v63  }
.Ltmp10:
0xaa: {  	s0 =	sshll.u32 s4, $0x7;
	(pc) =	sbr.rel .LBB2_12-.Ltmp10, $4  }
0xab: {  	s30 =	simm.s32 $0x2;
	s0 =	sand.u32 $0x3FFFFF80, s0  }
0xac: {  	_ =	swait.ge [sflag:s30], s0  }
0xad: {  	s0 =	ssub.s32 $0x0, s0;
	[sflag:s30] =	ssyncset.done $0x0  }
0xae: {  	s31 =	simm.s32 $0x0;
	[sflag:s30] =	ssyncadd.s32 s0  }
.LBB2_13:
0xaf: {  	v1 =	vld [tilespmem:s25+$0xFFFFFFC0];
	_ =	sdelay $0x3  }
0xb0: {  	s0 =	sshra.s32 s0, $0x2  }
0xb1: {  	[tilespmem:s0+$0x108] =	vst.add.f32.msk $0xffff, v1  }
0xb2: {  	v1 =	vld [tilespmem:s25+$0xFFFFFFD0];
	_ =	sdelay $0x4  }
0xb3: {  	[tilespmem:s0+$0x118] =	vst.add.f32.msk $0xffff, v1  }
0xb4: {  	v1 =	vld [tilespmem:s25+$0xFFFFFFE0];
	_ =	sdelay $0x4  }
0xb5: {  	[tilespmem:s0+$0x128] =	vst.add.f32.msk $0xffff, v1  }
0xb6: {  	v1 =	vld [tilespmem:s25+$0xFFFFFFF0];
	_ =	sdelay $0x4  }
0xb7: {  	[tilespmem:s0+$0x138] =	vst.add.f32.msk $0xffff, v1  }
0xb8: {  	v1 =	vld [tilespmem:s25+$0x0];
	_ =	sdelay $0x4  }
0xb9: {  	[tilespmem:s0+$0x148] =	vst.add.f32.msk $0xffff, v1  }
0xba: {  	v1 =	vld [tilespmem:s25+$0x10];
	_ =	sdelay $0x4  }
0xbb: {  	[tilespmem:s0+$0x158] =	vst.add.f32.msk $0xffff, v1  }
0xbc: {  	v1 =	vld [tilespmem:s25+$0x20];
	_ =	sdelay $0x4  }
0xbd: {  	[tilespmem:s0+$0x168] =	vst.add.f32.msk $0xffff, v1  }
0xbe: {  	v1 =	vld [tilespmem:s25+$0x30];
	_ =	sdelay $0x4  }
0xbf: {  	[tilespmem:s0+$0x178] =	vst.add.f32.msk $0xffff, v1  }
.LBB2_17:
0xc0: {  	s26 =	sadd.s32 $0x1, s26  }
0xc1: {  	p1 =	seq.s32 s26, $0x0  }
.Ltmp11:
0xc2: {  	_ = 	snop;
	(pc) =	sbr.rel @p1 .LBB2_18-.Ltmp11, $2  }
0xc3: {  	_ =	sdelay $0x2  }
0xc4: {  	s23 =	sadd.s32 $0x1, s23;
	s25 =	sadd.s32 $0x80, s25;
	s29 =	smov.u32 s30  }
.LBB2_12:
0xc5: {  	v1 =	vld.msk [tilespmem:s23+$0x0], $0x1;
	_ =	sdelay $0x4  }
0xc6: {  	(v2sf) =	vpush v1, $0x0;
	_ =	sdelay $0xe  }
0xc7: {  	s30 =	spop (v2sf)  }
0xc8: {  	p1 =	sne.s32 s29, s30  }
.Ltmp12:
0xc9: {  	_ = 	snop;
	(pc) =	sbr.rel @!p1 .LBB2_13-.Ltmp12, $2  }
0xca: {  	_ =	sdelay $0x2  }
0xcb: {  	s0 =	sshll.u32 s22, $0x9  }
0xcc: {  	p1 =	seq.s32 s29, s24  }
.Ltmp13:
0xcd: {  	_ = 	snop;
	(pc) =	sbr.rel @!p1 .LBB2_15-.Ltmp13, $1  }
0xce: {  	_ =	sdelay $0x3  }
0xcf: {  	s0 =	sshra.s32 s0, $0x2  }
.Ltmp14:
0xd0: {  	s0 =	sadd.s32 $0x108, s0;
	(pc) =	sbr.rel .LBB2_16-.Ltmp14, $4  }
0xd1: {  	[spmem:s16] =	stream.linear.scatter [tilespmem:s0], [sflag:$0x1], $0x80, $0x38;
	[tilespmem:$0x1F6F8] =	vst v63  }
0xd2: {  	_ =	swait.ge [sflag:s12], $0x80  }
0xd3: {  	[sflag:s12] =	ssyncset.done $0x0  }
0xd4: {  	[sflag:s12] =	ssyncadd.s32 $0xFFFFFF80  }
.LBB2_15:
0xd5: {  	s2 =	sshll.u32 s28, $0x9  }
0xd6: {  	s2 =	sshra.s32 s2, $0x2  }
0xd7: {  	v1 =	vld [tilespmem:s2+$0x7988];
	_ =	sdelay $0x3  }
0xd8: {  	s0 =	sshra.s32 s0, $0x2  }
0xd9: {  	[tilespmem:s0+$0x108] =	vst.add.f32.msk $0xffff, v1  }
0xda: {  	v1 =	vld [tilespmem:s2+$0x7998];
	_ =	sdelay $0x4  }
0xdb: {  	[tilespmem:s0+$0x118] =	vst.add.f32.msk $0xffff, v1  }
0xdc: {  	v1 =	vld [tilespmem:s2+$0x79A8];
	_ =	sdelay $0x4  }
0xdd: {  	[tilespmem:s0+$0x128] =	vst.add.f32.msk $0xffff, v1  }
0xde: {  	v1 =	vld [tilespmem:s2+$0x79B8];
	_ =	sdelay $0x4  }
0xdf: {  	[tilespmem:s0+$0x138] =	vst.add.f32.msk $0xffff, v1  }
0xe0: {  	v1 =	vld [tilespmem:s2+$0x79C8];
	_ =	sdelay $0x4  }
0xe1: {  	[tilespmem:s0+$0x148] =	vst.add.f32.msk $0xffff, v1  }
0xe2: {  	v1 =	vld [tilespmem:s2+$0x79D8];
	_ =	sdelay $0x4  }
0xe3: {  	[tilespmem:s0+$0x158] =	vst.add.f32.msk $0xffff, v1  }
0xe4: {  	v1 =	vld [tilespmem:s2+$0x79E8];
	_ =	sdelay $0x4  }
0xe5: {  	[tilespmem:s0+$0x168] =	vst.add.f32.msk $0xffff, v1  }
0xe6: {  	v1 =	vld [tilespmem:s2+$0x79F8];
	_ =	sdelay $0x2  }
0xe7: {  	p1 =	sgt.u32 s29, $0x270F0  }
0xe8: {  	s2 =	sand.u32 @!p1 $0x3FFF8, s29  }
0xe9: {  	s3 =	sadd.s32 $0x108, s0;
	[tilespmem:s0+$0x178] =	vst.add.f32.msk $0xffff, v1;
	s0 =	sadd.s32 @!p1 s1, s2;
	s2 =	sand.u32 @!p1 $0x7, s29  }
0xea: {  	[hbm4b:s0+s2] =	stream.linear.scatter @!p1 [tilespmem:s3], [sflag:$0xC], $0x80, $0x38;
	[tilespmem:$0x1F6F8] =	vst v63  }
0xeb: {  	s0 =	simm.s32 $0x0  }
0xec: {  	s0 =	simm.s32 @!p1 $0x200  }
0xed: {  	s31 =	sadd.s32 s0, s31  }
.LBB2_16:
0xee: {  	s0 =	sadd.s32 $0x1, s22  }
0xef: {  	s2 =	smulhi.u32 $0x88888889, s0;
	_ =	sdelay $0x1  }
0xf0: {  	v1 =	vld [tilespmem:s25+$0xFFFFFFC0];
	s2 =	sshrl.u32 s2, $0x7  }
0xf1: {  	s2 =	smul.u32 $0xF0, s2;
	_ =	sdelay $0x1  }
0xf2: {  	s22 =	ssub.s32 s0, s2  }
0xf3: {  	s0 =	sshll.u32 s22, $0x7  }
0xf4: {  	[tilespmem:s0+$0x108] =	vst v1  }
0xf5: {  	v1 =	vld [tilespmem:s25+$0xFFFFFFD0];
	_ =	sdelay $0x4  }
0xf6: {  	[tilespmem:s0+$0x118] =	vst v1  }
0xf7: {  	v1 =	vld [tilespmem:s25+$0xFFFFFFE0];
	_ =	sdelay $0x4  }
0xf8: {  	[tilespmem:s0+$0x128] =	vst v1  }
0xf9: {  	v1 =	vld [tilespmem:s25+$0xFFFFFFF0];
	_ =	sdelay $0x4  }
0xfa: {  	[tilespmem:s0+$0x138] =	vst v1  }
0xfb: {  	v1 =	vld [tilespmem:s25+$0x0];
	_ =	sdelay $0x4  }
0xfc: {  	[tilespmem:s0+$0x148] =	vst v1  }
0xfd: {  	v1 =	vld [tilespmem:s25+$0x10];
	_ =	sdelay $0x4  }
0xfe: {  	[tilespmem:s0+$0x158] =	vst v1  }
0xff: {  	v1 =	vld [tilespmem:s25+$0x20];
	_ =	sdelay $0x4  }
0x100: {  	[tilespmem:s0+$0x168] =	vst v1  }
0x101: {  	v1 =	vld [tilespmem:s25+$0x30]  }
.Ltmp15:
0x102: {  	_ = 	snop;
	(pc) =	sbr.rel .LBB2_17-.Ltmp15, $2  }
0x103: {  	_ =	sdelay $0x2  }
0x104: {  	s28 =	sadd.s32 $0x1, s28;
	[tilespmem:s0+$0x178] =	vst v1  }
.LBB2_19:
.Ltmp16:
0x105: {  	(pc) =	sbr.rel .LBB2_20-.Ltmp16, $4  }
0x106: {  	_ = 	snop  }
0x107: {  	s0 =	simm.s32 $0x2  }
0x108: {  	_ =	swait.ge [sflag:s0], $0x0  }
0x109: {  	s30 =	smov.u32 s29;
	[sflag:s0] =	ssyncset.done $0x0;
	s0 =	simm.s32 $0x0  }
.LBB2_22:
0x10a: {  	_ =	sfence.sel $0x180000  }
0x10b: {  	s0 =	simm.s32 $0x9;
	[bflag:$0x0] =	sbarrier.arrive $0xFFFF  }
0x10c: {  	s24 =	simm.s32 $0xA;
	[sflag:s0] =	ssyncpa.u1 $0x1  }
0x10d: {  	s25 =	simm.s32 $0xB;
	[sflag:s24] =	ssyncpa.u1 $0x1  }
0x10e: {  	s26 =	simm.s32 $0x2;
	[sflag:s25] =	ssyncpa.u1 $0x1  }
0x10f: {  	[sflag:s26] =	ssyncpa.u1 $0x1  }
0x110: {  	v0 =	vld [tilespmem:$0xF208];
	_ =	sdelay $0x4  }
0x111: {  	(v2sf) =	vpush v0, $0x0  }
0x112: {  	(v2sf) =	vpush v0, $0x1;
	_ =	sdelay $0x1  }
0x113: {  	(v2sf) =	vpush v0, $0x2;
	_ =	sdelay $0xb  }
0x114: {  	s0 =	spop (v2sf)  }
0x115: {  	s2 =	spop (v2sf)  }
0x116: {  	s3 =	smov.u32 s0;
	p0 =	sne.s32 s0, s2  }
0x117: {  	s4 =	spop (v2sf);
	s3 =	simm.s32 @!p0 $0xFFFFFFFF  }
0x118: {  	v2 =	vimm.s32 $0x1;
	v3 =	vlaneseq.u32;
	p0 =	seq.s32 s4, $0xFFFFFFFF;
	v1 =	vmov s3  }
0x119: {  	s16 =	stileid.u32;
	v0 =	vperm.xlane v0, v2;
	p1 =	sne.s32 @!p0 s0, s2;
	v1 =	vperm.xlane v1, v3  }
0x11a: {  	vm0 =	vcmask $0x3F04;
	s6 =	simm.s32 $0xF208;
	s0 =	simm.s32 @!p0 $0x1;
	p1 =	por !p1, p0  }
0x11b: {  	s3 =	sshll.u32 s16, $0x1;
	s2 =	sshll.u32 @!p0 s4, $0x9;
	s0 =	simm.s32 @p1 $0x0;
	v0 =	vsel vm0, v1, v0  }
0x11c: {  	s5 =	sor.u32 $0x1000, s3;
	s2 =	sshra.s32 @!p0 s2, $0x2;
	s0 =	sor.u32 @!p0 s0, s3;
	[tilespmem:$0xF208] =	vst v0  }
0x11d: {  	[spmem:s5] =	stream.linear.scatter [tilespmem:s6], [sflag:$0x1], $0x2, $0x38;
	[tilespmem:$0x1F6F8] =	vst v63  }
0x11e: {  	s2 =	sadd.s32 @!p0 $0x108, s2;
	s0 =	sshll.u32 @!p0 s0, $0x7  }
0x11f: {  	[spmem:s0] =	stream.linear.scatter @!p0 [tilespmem:s2], [sflag:$0x1], $0x80, $0x38;
	[tilespmem:$0x1F6F8] =	vst v63  }
0x120: {  	s0 =	simm.s32 @!p0 $0x82  }
0x121: {  	s28 =	simm.s32 $0x1;
	s0 =	simm.s32 @p0 $0x2  }
0x122: {  	_ =	swait.ge [sflag:s28], s0  }
0x123: {  	s0 =	ssub.s32 $0x0, s0;
	[sflag:s28] =	ssyncset.done $0x0  }
0x124: {  	p0 =	sne.s32 s16, $0x0;
	[sflag:s28] =	ssyncadd.s32 s0  }
.Ltmp17:
0x125: {  	_ =	sfence.stream.spmem;
	(pc) =	sbr.rel @p0 .LBB2_39-.Ltmp17, $4  }
0x126: {  	s29 =	simm.s32 $0x3;
	[bflag:$0x0] =	sbarrier.arrive $0xFFFF  }
0x127: {  	s30 =	simm.s32 $0x4;
	[sflag:s29] =	ssyncpa.u1 $0x1  }
0x128: {  	s31 =	simm.s32 $0x3C;
	[sflag:s30] =	ssyncpa.u1 $0x1  }
0x129: {  	s15 =	rddreg [dreg:$0x5];
	[sflag:s31] =	ssyncpa.u1 $0x1  }
0x12a: {  	_ =	sfence.stream.spmem;
	s0 =	simm.s32 $0x5  }
0x12b: {  	s2 =	simm.s32 $0x1000;
	s3 =	simm.s32 $0xF218;
	[sflag:s0] =	ssyncpa.u1 $0x0  }
0x12c: {  	[tilespmem:s3], [sflag:$0x5] =	stream.linear.gather [spmem:s2], $0x20, $0x38;
	[tilespmem:$0x1F6F8] =	vst v63  }
0x12d: {  	s26 =	simm.s32 $0x0;
	s28 =	simm.s32 $0xF238  }
0x12e: {  	[tilespmem:s28], [sflag:$0x5] =	stream.linear.gather [spmem:s26], $0x1000, $0x38;
	[tilespmem:$0x1F6F8] =	vst v63  }
0x12f: {  	_ =	swait.ge [sflag:s0], $0x1020  }
0x130: {  	[sflag:s0] =	ssyncset.done $0x0  }
0x131: {  	s29 =	simm.s32 $0x0;
	[sflag:s0] =	ssyncadd.s32 $0xFFFFEFE0  }
0x132: {  	v0 =	vld.msk [tilespmem:s29+$0xF218], $0x1;
	_ =	sdelay $0x1  }
0x133: {  	s30 =	simm.s32 $0x1  }
0x134: {  	v1 =	vld.msk [tilespmem:s30+$0xF218], $0x1;
	_ =	sdelay $0x1  }
0x135: {  	(v2sf) =	vpush v0, $0x0;
	_ =	sdelay $0x2  }
0x136: {  	(v2sf) =	vpush v1, $0x0;
	_ =	sdelay $0x2  }
0x137: {  	s31 =	simm.s32 $0x2  }
0x138: {  	v0 =	vld.msk [tilespmem:s31+$0xF218], $0x1;
	_ =	sdelay $0x2  }
0x139: {  	s4 =	simm.s32 $0xFFFFFFFF;
	s5 =	simm.s32 $0xFFFFFFFF;
	s0 =	simm.s32 $0xC  }
.LBB2_24:
0x13a: {  	s2 =	smov.u32 s5;
	s3 =	smov.u32 s4  }
0x13b: {  	s4 =	sshra.s32 s0, $0x2;
	p1 =	sne.s32 s0, $0x7C;
	s0 =	sadd.s32 $0x4, s0;
	(v2sf) =	vpush v0, $0x0  }
0x13c: {  	v0 =	vld.msk [tilespmem:s4+$0xF218], $0x1  }
.Ltmp18:
0x13d: {  	(pc) =	sbr.rel @p1 .LBB2_24-.Ltmp18, $4  }
0x13e: {  	s5 =	spop (v2sf)  }
0x13f: {  	p2 =	sne.s32 s3, $0xFFFFFFFF;
	s4 =	smov.u32 s5  }
0x140: {  	p3 =	seq.s32 s5, $0xFFFFFFFF;
	s4 =	smov.u32 @p2 s3  }
0x141: {  	s5 =	smov.u32 @p3 s2;
	s4 =	smov.u32 @p3 s3  }
0x142: {  	(v2sf) =	vpush v0, $0x0;
	_ =	sdelay $0x8  }
0x143: {  	s0 =	spop (v2sf)  }
0x144: {  	p1 =	sne.s32 s4, $0xFFFFFFFF;
	s2 =	smov.u32 s0  }
0x145: {  	s9 =	simm.s32 $0x6;
	p2 =	seq.s32 s0, $0xFFFFFFFF;
	s2 =	smov.u32 @p1 s4  }
0x146: {  	s6 =	simm.s32 $0x0;
	s2 =	smov.u32 @p2 s4;
	s3 =	spop (v2sf)  }
0x147: {  	s0 =	smov.u32 @p2 s5;
	p1 =	sne.s32 s2, $0xFFFFFFFF;
	s4 =	smov.u32 s3  }
.Ltmp19:
0x148: {  	p2 =	seq.s32 s3, $0xFFFFFFFF;
	s4 =	smov.u32 @p1 s2;
	(pc) =	sbr.rel .LBB2_26-.Ltmp19, $4  }
0x149: {  	s10 =	simm.s32 $0xF188;
	s4 =	smov.u32 @p2 s2;
	s7 =	spop (v2sf)  }
0x14a: {  	s11 =	simm.s32 $0x0;
	p1 =	sne.s32 s4, $0xFFFFFFFF;
	s8 =	smov.u32 s7  }
0x14b: {  	s3 =	smov.u32 @p2 s0;
	p2 =	seq.s32 s7, $0xFFFFFFFF;
	s8 =	smov.u32 @p1 s4  }
0x14c: {  	[sflag:s9] =	ssyncpa.u1 $0x0;
	s7 =	smov.u32 @p2 s3;
	s8 =	smov.u32 @p2 s4  }
.LBB2_32:
0x14d: {  	p1 =	sgt.u32 s12, $0x270F0  }
0x14e: {  	p2 =	seq.s32 @!p1 s12, s8  }
0x14f: {  	p1 =	por p1, p2  }
0x150: {  	p2 =	sne.s32 @!p1 s12, s7  }
0x151: {  	p1 =	por p1, !p2  }
0x152: {  	s0 =	sshll.u32 @p1 s11, $0x9  }
0x153: {  	s0 =	sand.u32 @!p1 $0x3FFF8, s12  }
0x154: {  	s2 =	sand.u32 @!p1 $0x7, s12;
	s0 =	sadd.s32 @!p1 s1, s0  }
0x155: {  	[tilespmem:s10], [sflag:$0x6] =	stream.linear.gather @!p1 [hbm4b:s0+s2], $0x80, $0x38;
	[tilespmem:$0x1F6F8] =	vst v63  }
0x156: {  	_ =	swait.ge @!p1 [sflag:s9], $0x80  }
0x157: {  	[sflag:s9] =	ssyncset.done @!p1 $0x0  }
0x158: {  	[sflag:s9] =	ssyncadd.s32 @!p1 $0xFFFFFF80  }
0x159: {  	v1 =	vld @!p1 [tilespmem:$0xF188];
	_ =	sdelay $0x2  }
0x15a: {  	s0 =	sshll.u32 @!p1 s11, $0x9  }
0x15b: {  	s2 =	sshrl.u32 @!p1 s0, $0x2  }
0x15c: {  	[tilespmem:s2+$0xF238] =	vst.add.f32.msk @!p1 $0xffff, v1  }
0x15d: {  	v1 =	vld @!p1 [tilespmem:$0xF198];
	_ =	sdelay $0x4  }
0x15e: {  	[tilespmem:s2+$0xF248] =	vst.add.f32.msk @!p1 $0xffff, v1  }
0x15f: {  	v1 =	vld @!p1 [tilespmem:$0xF1A8];
	_ =	sdelay $0x4  }
0x160: {  	[tilespmem:s2+$0xF258] =	vst.add.f32.msk @!p1 $0xffff, v1  }
0x161: {  	v1 =	vld @!p1 [tilespmem:$0xF1B8];
	_ =	sdelay $0x4  }
0x162: {  	[tilespmem:s2+$0xF268] =	vst.add.f32.msk @!p1 $0xffff, v1  }
0x163: {  	v1 =	vld @!p1 [tilespmem:$0xF1C8];
	_ =	sdelay $0x4  }
0x164: {  	[tilespmem:s2+$0xF278] =	vst.add.f32.msk @!p1 $0xffff, v1  }
0x165: {  	v1 =	vld @!p1 [tilespmem:$0xF1D8];
	_ =	sdelay $0x4  }
0x166: {  	[tilespmem:s2+$0xF288] =	vst.add.f32.msk @!p1 $0xffff, v1  }
0x167: {  	v1 =	vld @!p1 [tilespmem:$0xF1E8];
	_ =	sdelay $0x4  }
0x168: {  	[tilespmem:s2+$0xF298] =	vst.add.f32.msk @!p1 $0xffff, v1  }
0x169: {  	v1 =	vld @!p1 [tilespmem:$0xF1F8];
	_ =	sdelay $0x4  }
0x16a: {  	[tilespmem:s2+$0xF2A8] =	vst.add.f32.msk @!p1 $0xffff, v1  }
0x16b: {  	s0 =	sshrl.u32 s0, $0x2;
	[tilespmem:s6+$0xF218] =	vst.msk $0x1, v0  }
0x16c: {  	v0 =	vld [tilespmem:s0+$0xF238];
	_ =	sdelay $0x2  }
0x16d: {  	s31 =	sshll.u32 s6, $0x9  }
0x16e: {  	s2 =	sshra.s32 s31, $0x2  }
0x16f: {  	[tilespmem:s2+$0xF238] =	vst v0  }
0x170: {  	v0 =	vld [tilespmem:s0+$0xF248];
	_ =	sdelay $0x4  }
0x171: {  	[tilespmem:s2+$0xF248] =	vst v0  }
0x172: {  	v0 =	vld [tilespmem:s0+$0xF258];
	_ =	sdelay $0x4  }
0x173: {  	[tilespmem:s2+$0xF258] =	vst v0  }
0x174: {  	v0 =	vld [tilespmem:s0+$0xF268];
	_ =	sdelay $0x4  }
0x175: {  	[tilespmem:s2+$0xF268] =	vst v0  }
0x176: {  	v0 =	vld [tilespmem:s0+$0xF278];
	_ =	sdelay $0x4  }
0x177: {  	[tilespmem:s2+$0xF278] =	vst v0  }
0x178: {  	v0 =	vld [tilespmem:s0+$0xF288];
	_ =	sdelay $0x4  }
0x179: {  	[tilespmem:s2+$0xF288] =	vst v0  }
0x17a: {  	v0 =	vld [tilespmem:s0+$0xF298];
	_ =	sdelay $0x4  }
0x17b: {  	[tilespmem:s2+$0xF298] =	vst v0  }
0x17c: {  	v0 =	vld [tilespmem:s0+$0xF2A8];
	_ =	sdelay $0x4  }
0x17d: {  	s6 =	sadd.s32 $0x1, s6;
	[tilespmem:s2+$0xF2A8] =	vst v0  }
.LBB2_33:
0x17e: {  	s11 =	sadd.s32 $0x1, s11  }
0x17f: {  	p1 =	sne.s32 s11, $0x20  }
.Ltmp20:
0x180: {  	_ = 	snop;
	(pc) =	sbr.rel @!p1 .LBB2_34-.Ltmp20, $1  }
0x181: {  	_ =	sdelay $0x3  }
.LBB2_26:
0x182: {  	v0 =	vld.msk [tilespmem:s11+$0xF218], $0x1;
	_ =	sdelay $0x4  }
0x183: {  	(v2sf) =	vpush v0, $0x0;
	_ =	sdelay $0xe  }
0x184: {  	s12 =	spop (v2sf)  }
0x185: {  	p1 =	seq.s32 s12, $0xFFFFFFFF  }
.Ltmp21:
0x186: {  	_ = 	snop;
	(pc) =	sbr.rel @p1 .LBB2_33-.Ltmp21, $1  }
0x187: {  	_ =	sdelay $0x3  }
0x188: {  	p1 =	slt.s32 s6, $0x1  }
.Ltmp22:
0x189: {  	_ = 	snop;
	(pc) =	sbr.rel @p1 .LBB2_32-.Ltmp22, $1  }
0x18a: {  	_ =	sdelay $0x3  }
0x18b: {  	s13 =	simm.s32 $0xF218;
	p1 =	por $0x0, $0x0  }
0x18c: {  	v1 =	vld.msk @!p1 [tilespmem:s13+$0x0], $0x1;
	_ =	sdelay $0x4  }
0x18d: {  	(v2sf) =	vpush @!p1 v1, $0x0;
	_ =	sdelay $0xd  }
0x18e: {  	p3 =	sne.s32 s6, $0x1  }
.Ltmp23:
0x18f: {  	s0 =	spop @!p1 (v2sf);
	(pc) =	sbr.rel @!p3 .LBB2_30-.Ltmp23, $4  }
0x190: {  	p2 =	seq.s32 @!p1 s12, s0  }
0x191: {  	s14 =	simm.s32 $0x0;
	p2 =	por !p2, p1  }
0x192: {  	s2 =	simm.s32 $0xFFFFFFFF;
	s14 =	simm.s32 @p2 $0xFFFFFFFF  }
0x193: {  	s0 =	simm.s32 $0x1;
	s14 =	smov.u32 @p1 s2  }
.LBB2_29:
0x194: {  	s2 =	smov.u32 s14;
	p1 =	sne.s32 s14, $0xFFFFFFFF  }
0x195: {  	s13 =	sadd.s32 $0x1, s13;
	s14 =	smov.u32 s0;
	s0 =	sadd.s32 $0x1, s0  }
0x196: {  	p2 =	sne.s32 s6, s0;
	v1 =	vld.msk @!p1 [tilespmem:s13+$0x0], $0x1;
	_ =	sdelay $0x4  }
0x197: {  	(v2sf) =	vpush @!p1 v1, $0x0;
	_ =	sdelay $0xe  }
.Ltmp24:
0x198: {  	s3 =	spop @!p1 (v2sf);
	(pc) =	sbr.rel @p2 .LBB2_29-.Ltmp24, $4  }
0x199: {  	p3 =	seq.s32 @!p1 s12, s3  }
0x19a: {  	p3 =	por !p3, p1  }
0x19b: {  	s14 =	simm.s32 @p3 $0xFFFFFFFF  }
0x19c: {  	s14 =	smov.u32 @p1 s2  }
.LBB2_30:
0x19d: {  	p1 =	seq.s32 s14, $0xFFFFFFFF  }
.Ltmp25:
0x19e: {  	_ = 	snop;
	(pc) =	sbr.rel @p1 .LBB2_32-.Ltmp25, $1  }
0x19f: {  	_ =	sdelay $0x3  }
0x1a0: {  	s0 =	sshll.u32 s11, $0x7  }
0x1a1: {  	s0 =	sand.u32 $0x3FFFFF80, s0  }
0x1a2: {  	v0 =	vld [tilespmem:s0+$0xF238];
	_ =	sdelay $0x2  }
0x1a3: {  	s2 =	sshll.u32 s14, $0x9  }
0x1a4: {  	s2 =	sshra.s32 s2, $0x2  }
0x1a5: {  	[tilespmem:s2+$0xF238] =	vst.add.f32.msk $0xffff, v0  }
0x1a6: {  	v0 =	vld [tilespmem:s0+$0xF248];
	_ =	sdelay $0x4  }
0x1a7: {  	[tilespmem:s2+$0xF248] =	vst.add.f32.msk $0xffff, v0  }
0x1a8: {  	v0 =	vld [tilespmem:s0+$0xF258];
	_ =	sdelay $0x4  }
0x1a9: {  	[tilespmem:s2+$0xF258] =	vst.add.f32.msk $0xffff, v0  }
0x1aa: {  	v0 =	vld [tilespmem:s0+$0xF268];
	_ =	sdelay $0x4  }
0x1ab: {  	[tilespmem:s2+$0xF268] =	vst.add.f32.msk $0xffff, v0  }
0x1ac: {  	v0 =	vld [tilespmem:s0+$0xF278];
	_ =	sdelay $0x4  }
0x1ad: {  	[tilespmem:s2+$0xF278] =	vst.add.f32.msk $0xffff, v0  }
0x1ae: {  	v0 =	vld [tilespmem:s0+$0xF288];
	_ =	sdelay $0x4  }
0x1af: {  	[tilespmem:s2+$0xF288] =	vst.add.f32.msk $0xffff, v0  }
0x1b0: {  	v0 =	vld [tilespmem:s0+$0xF298];
	_ =	sdelay $0x4  }
0x1b1: {  	[tilespmem:s2+$0xF298] =	vst.add.f32.msk $0xffff, v0  }
0x1b2: {  	v0 =	vld [tilespmem:s0+$0xF2A8]  }
.Ltmp26:
0x1b3: {  	_ = 	snop;
	(pc) =	sbr.rel .LBB2_33-.Ltmp26, $2  }
0x1b4: {  	_ =	sdelay $0x2  }
0x1b5: {  	[tilespmem:s2+$0xF2A8] =	vst.add.f32.msk $0xffff, v0  }
.LBB2_34:
0x1b6: {  	s0 =	simm.s32 $0x6;
	p1 =	seq.s32 s6, $0x0  }
0x1b7: {  	[sflag:s0] =	ssyncpa.u1 $0x1;
	v0 =	vimm.s32 @p1 $0xFFFFFFFF  }
0x1b8: {  	s9 =	sadd.s32 $0xFFFFFFFF, s6;
	[tilespmem:$0x10238] =	vst @p1 v0  }
0x1b9: {  	v0 =	vld.msk @!p1 [tilespmem:s9+$0xF218], $0x1;
	_ =	sdelay $0x1  }
0x1ba: {  	v1 =	vld.msk @!p1 [tilespmem:$0xF218], $0x1;
	_ =	sdelay $0x2  }
0x1bb: {  	p2 =	seq.s32 @!p1 s9, $0x0;
	v0 =	vbroadcast @!p1 v0, $0x0  }
0x1bc: {  	vm0 =	vmmov @!p1 $0x1;
	p2 =	por !p2, p1  }
0x1bd: {  	v1 =	vnsel @!p1 vm0, $0xFFFFFFFF, v1;
	vm0 =	vcmask @!p1 $0x308;
	v0 =	vpsel !p2, $0xFFFFFFFF, v0  }
0x1be: {  	p2 =	sne.s32 @!p1 s8, s7;
	v0 =	vsel @!p1 vm0, v1, v0  }
0x1bf: {  	s0 =	simm.s32 @!p1 $0xF238;
	s2 =	simm.s32 @!p1 $0x0;
	p3 =	por !p2, p1;
	[tilespmem:$0x10238] =	vst @!p1 v0  }
0x1c0: {  	[spmem:s2] =	stream.linear.scatter @!p1 [tilespmem:s0], [sflag:$0x1], $0x80, $0x38;
	[tilespmem:$0x1F6F8] =	vst v63  }
0x1c1: {  	s0 =	sshll.u32 @!p3 s9, $0x9  }
0x1c2: {  	s0 =	sshra.s32 @!p3 s0, $0x2  }
0x1c3: {  	s2 =	simm.s32 @!p3 $0x80;
	s0 =	sadd.s32 @!p3 $0xF238, s0  }
0x1c4: {  	[spmem:s2] =	stream.linear.scatter @!p3 [tilespmem:s0], [sflag:$0x1], $0x80, $0x38;
	[tilespmem:$0x1F6F8] =	vst v63  }
0x1c5: {  	s0 =	simm.s32 @!p3 $0x1  }
0x1c6: {  	_ =	swait.ge @!p3 [sflag:s0], $0x100  }
0x1c7: {  	p1 =	por p2, p1;
	[sflag:s0] =	ssyncset.done @!p3 $0x0  }
0x1c8: {  	[sflag:s0] =	ssyncadd.s32 @!p3 $0xFFFFFF00;
	s0 =	simm.s32 @!p1 $0x1  }
0x1c9: {  	_ =	swait.ge @!p1 [sflag:s0], $0x80  }
0x1ca: {  	s29 =	simm.s32 $0x10238;
	[sflag:s0] =	ssyncset.done @!p1 $0x0  }
0x1cb: {  	s30 =	simm.s32 $0x1000;
	s31 =	simm.s32 $0x1;
	[sflag:s0] =	ssyncadd.s32 @!p1 $0xFFFFFF80  }
0x1cc: {  	[spmem:s30] =	stream.linear.scatter [tilespmem:s29], [sflag:$0x1], $0x10, $0x38;
	[tilespmem:$0x1F6F8] =	vst v63  }
0x1cd: {  	_ =	swait.ge [sflag:s31], $0x10  }
0x1ce: {  	[sflag:s31] =	ssyncset.done $0x0  }
0x1cf: {  	p1 =	seq.s32 s15, $0x0;
	s8 =	rddreg [dreg:$0x2];
	[sflag:s31] =	ssyncadd.s32 $0xFFFFFFF0  }
0x1d0: {  	s2 =	sshll.u32 @p1 s8, $0xE;
	s7 =	rddreg [dreg:$0x3]  }
0x1d1: {  	s0 =	sadd.s32 @p1 $0x15C3C, s2;
	s2 =	sshll.u32 @p1 s7, $0x11  }
0x1d2: {  	_ =	sfence.stream.spmem;
	s0 =	sor.u32 @p1 s2, s0  }
0x1d3: {  	[sflag:s0] =	ssyncadd.remote.s32 @p1 $0x1;
	s0 =	simm.s32 @p1 $0x4  }
0x1d4: {  	s3 =	simm.s32 @!p1 $0x3C;
	s2 =	sand.u32 $0xFFFFFFFE, s8;
	_ =	swait.ge @p1 [sflag:s0], $0x22  }
0x1d5: {  	s4 =	simm.s32 @!p1 $0x0;
	s2 =	sadd.s32 @!p1 $0x4, s2;
	[sflag:s0] =	ssyncset.done @p1 $0x0  }
0x1d6: {  	s5 =	simm.s32 @!p1 $0x100;
	[sflag:s0] =	ssyncadd.s32 @p1 $0xFFFFFFDE;
	s0 =	sshll.u32 @!p1 s2, $0x1A  }
0x1d7: {  	s2 =	sshll.u32 @!p1 s2, $0xD;
	s0 =	sor.u32 @!p1 s0, s7;
	_ =	swait.eq @!p1 [sflag:s3], $0x1  }
0x1d8: {  	s2 =	sor.u32 @!p1 $0x1C04, s2;
	s3 =	simm.s32 @!p1 $0x1C03;
	s0 =	sor.u32 @!p1 $0x80004000, s0  }
0x1d9: {  	[spmem:s5], [sflag:s2] =	dma.general @!p1 [spmem:s4], [sflag:s3], length:$0x20, [dreg:$0x0], stride_count:$0x0, ici_dest:s0, dma_misc:DstOpCode:WRITE  }
0x1da: {  	p2 =	slt.s32 s9, $0x2;
	s4 =	simm.s32 @!p1 $0x200;
	s5 =	simm.s32 @!p1 $0x202  }
0x1db: {  	[spmem:s5], [sflag:s2] =	dma.general @!p1 [spmem:s4], [sflag:s3], length:$0x2, [dreg:$0x0], stride_count:$0x0, ici_dest:s0, dma_misc:DstOpCode:WRITE  }
.Ltmp27:
0x1dc: {  	s0 =	simm.s32 @!p1 $0x3;
	(pc) =	sbr.rel @p2 .LBB2_38-.Ltmp27, $4  }
0x1dd: {  	s2 =	sshll.u32 @!p1 s8, $0xE;
	_ =	swait.ge @!p1 [sflag:s0], $0x22  }
0x1de: {  	s3 =	sshll.u32 @!p1 s7, $0x11;
	s2 =	sadd.s32 @!p1 $0x11C3C, s2;
	[sflag:s0] =	ssyncset.done @!p1 $0x0  }
0x1df: {  	[sflag:s0] =	ssyncadd.s32 @!p1 $0xFFFFFFDE;
	s0 =	sor.u32 @!p1 s3, s2  }
0x1e0: {  	[sflag:s0] =	ssyncadd.remote.s32 @!p1 $0xFFFFFFFF;
	s0 =	simm.s32 $0x0  }
0x1e1: {  	s0 =	simm.s32 $0xF219  }
0x1e2: {  	v0 =	vld.msk [tilespmem:s0+$0x0], $0x1;
	_ =	sdelay $0x4  }
0x1e3: {  	(v2sf) =	vpush v0, $0x0;
	_ =	sdelay $0xb  }
0x1e4: {  	s31 =	sadd.s32 $0xFFFFFFFE, s6  }
0x1e5: {  	s0 =	sadd.s32 $0xFFFFFFFF, s31  }
0x1e6: {  	p2 =	sne.s32 s0, $0x0  }
.Ltmp28:
0x1e7: {  	s2 =	spop (v2sf);
	(pc) =	sbr.rel @!p2 .LBB2_37-.Ltmp28, $4  }
0x1e8: {  	s4 =	simm.s32 $0xF2B8;
	s7 =	simm.s32 $0x0;
	p1 =	sgt.u32 s2, $0x270F0  }
0x1e9: {  	s5 =	simm.s32 $0x0;
	s6 =	simm.s32 $0xF21A;
	s3 =	sand.u32 @!p1 $0x3FFF8, s2  }
0x1ea: {  	s2 =	sand.u32 @!p1 $0x7, s2;
	s7 =	simm.s32 @!p1 $0x200;
	s3 =	sadd.s32 @!p1 s1, s3  }
0x1eb: {  	[hbm4b:s3+s2] =	stream.linear.scatter @!p1 [tilespmem:s4], [sflag:$0x5], $0x80, $0x38;
	[tilespmem:$0x1F6F8] =	vst v63  }
.LBB2_36:
0x1ec: {  	v0 =	vld.msk [tilespmem:s6+$0x0], $0x1;
	s0 =	sadd.s32 $0xFFFFFFFF, s0;
	s5 =	sadd.s32 s5, s7  }
0x1ed: {  	p1 =	sne.s32 s0, $0x0;
	_ =	sdelay $0x3  }
0x1ee: {  	(v2sf) =	vpush v0, $0x0;
	_ =	sdelay $0xe  }
.Ltmp29:
0x1ef: {  	s2 =	spop (v2sf);
	(pc) =	sbr.rel @p1 .LBB2_36-.Ltmp29, $4  }
0x1f0: {  	s7 =	simm.s32 $0x0;
	p2 =	sgt.u32 s2, $0x270F0  }
0x1f1: {  	s4 =	sadd.s32 $0x80, s4;
	s7 =	simm.s32 @!p2 $0x200;
	s3 =	sand.u32 @!p2 $0x3FFF8, s2  }
0x1f2: {  	s6 =	sadd.s32 $0x1, s6;
	s2 =	sand.u32 @!p2 $0x7, s2;
	s3 =	sadd.s32 @!p2 s1, s3  }
0x1f3: {  	[hbm4b:s3+s2] =	stream.linear.scatter @!p2 [tilespmem:s4], [sflag:$0x5], $0x80, $0x38;
	[tilespmem:$0x1F6F8] =	vst v63  }
.LBB2_37:
0x1f4: {  	s0 =	sadd.s32 s5, s7  }
0x1f5: {  	s0 =	sshrl.u32 s0, $0x2  }
.LBB2_38:
0x1f6: {  	s2 =	simm.s32 $0x5  }
0x1f7: {  	_ =	swait.ge [sflag:s2], s0  }
0x1f8: {  	s31 =	ssub.s32 $0x0, s0;
	[sflag:s2] =	ssyncset.done $0x0  }
0x1f9: {  	[sflag:s2] =	ssyncadd.s32 s31  }
0x1fa: {  	[sflag:s2] =	ssyncpa.u1 $0x1  }
.LBB2_39:
0x1fb: {  	s0 =	sor.u32 s15, s16  }
0x1fc: {  	p1 =	sne.s32 s0, $0x0  }
.Ltmp30:
0x1fd: {  	_ = 	snop;
	(pc) =	sbr.rel @p1 .LBB2_54-.Ltmp30, $3  }
0x1fe: {  	_ =	sdelay $0x1  }
0x1ff: {  	[bflag:$0x0] =	sbarrier.arrive $0xFFFF  }
0x200: {  	_ =	sfence  }
0x201: {  	s0 =	simm.s32 $0x7  }
0x202: {  	s2 =	simm.s32 $0x1000;
	s3 =	simm.s32 $0xF218;
	[sflag:s0] =	ssyncpa.u1 $0x0  }
0x203: {  	[tilespmem:s3], [sflag:$0x7] =	stream.linear.gather [spmem:s2], $0x20, $0x38;
	[tilespmem:$0x1F6F8] =	vst v63  }
0x204: {  	s30 =	simm.s32 $0xF238;
	s2 =	simm.s32 $0x0  }
0x205: {  	[tilespmem:s30], [sflag:$0x7] =	stream.linear.gather [spmem:s2], $0x1000, $0x38;
	[tilespmem:$0x1F6F8] =	vst v63  }
.Ltmp31:
0x206: {  	_ = 	snop;
	(pc) =	sbr.rel .LBB2_41-.Ltmp31, $4  }
0x207: {  	_ =	swait.ge [sflag:s0], $0x1020  }
0x208: {  	[sflag:s0] =	ssyncset.done $0x0  }
0x209: {  	s31 =	simm.s32 $0x8;
	[sflag:s0] =	ssyncadd.s32 $0xFFFFEFE0  }
0x20a: {  	s3 =	simm.s32 $0x0;
	[sflag:s31] =	ssyncpa.u1 $0x0  }
.LBB2_47:
0x20b: {  	p1 =	slt.u32 s4, $0x270F1  }
0x20c: {  	s0 =	sand.u32 @p1 $0x3FFF8, s4  }
0x20d: {  	s4 =	sand.u32 @p1 $0x7, s4;
	s5 =	simm.s32 @p1 $0xF188;
	s0 =	sadd.s32 @p1 s1, s0  }
0x20e: {  	[tilespmem:s5], [sflag:$0x8] =	stream.linear.gather @p1 [hbm4b:s0+s4], $0x80, $0x38;
	[tilespmem:$0x1F6F8] =	vst v63  }
0x20f: {  	s0 =	simm.s32 @p1 $0x8  }
0x210: {  	_ =	swait.ge @p1 [sflag:s0], $0x80  }
0x211: {  	[sflag:s0] =	ssyncset.done @p1 $0x0  }
0x212: {  	[sflag:s0] =	ssyncadd.s32 @p1 $0xFFFFFF80  }
0x213: {  	v1 =	vld @p1 [tilespmem:$0xF188];
	_ =	sdelay $0x2  }
0x214: {  	s0 =	sshll.u32 @p1 s3, $0x9  }
0x215: {  	s4 =	sshrl.u32 @p1 s0, $0x2  }
0x216: {  	[tilespmem:s4+$0xF238] =	vst.add.f32.msk @p1 $0xffff, v1  }
0x217: {  	v1 =	vld @p1 [tilespmem:$0xF198];
	_ =	sdelay $0x4  }
0x218: {  	[tilespmem:s4+$0xF248] =	vst.add.f32.msk @p1 $0xffff, v1  }
0x219: {  	v1 =	vld @p1 [tilespmem:$0xF1A8];
	_ =	sdelay $0x4  }
0x21a: {  	[tilespmem:s4+$0xF258] =	vst.add.f32.msk @p1 $0xffff, v1  }
0x21b: {  	v1 =	vld @p1 [tilespmem:$0xF1B8];
	_ =	sdelay $0x4  }
0x21c: {  	[tilespmem:s4+$0xF268] =	vst.add.f32.msk @p1 $0xffff, v1  }
0x21d: {  	v1 =	vld @p1 [tilespmem:$0xF1C8];
	_ =	sdelay $0x4  }
0x21e: {  	[tilespmem:s4+$0xF278] =	vst.add.f32.msk @p1 $0xffff, v1  }
0x21f: {  	v1 =	vld @p1 [tilespmem:$0xF1D8];
	_ =	sdelay $0x4  }
0x220: {  	[tilespmem:s4+$0xF288] =	vst.add.f32.msk @p1 $0xffff, v1  }
0x221: {  	v1 =	vld @p1 [tilespmem:$0xF1E8];
	_ =	sdelay $0x4  }
0x222: {  	[tilespmem:s4+$0xF298] =	vst.add.f32.msk @p1 $0xffff, v1  }
0x223: {  	v1 =	vld @p1 [tilespmem:$0xF1F8];
	_ =	sdelay $0x3  }
0x224: {  	s5 =	sshll.u32 @!p1 s3, $0x9  }
0x225: {  	s5 =	smov.u32 @p1 s0;
	[tilespmem:s4+$0xF2A8] =	vst.add.f32.msk @p1 $0xffff, v1  }
0x226: {  	s0 =	sshrl.u32 s5, $0x2;
	[tilespmem:s2+$0xF218] =	vst.msk $0x1, v0  }
0x227: {  	v0 =	vld [tilespmem:s0+$0xF238];
	_ =	sdelay $0x2  }
0x228: {  	s31 =	sshll.u32 s2, $0x9  }
0x229: {  	s4 =	sshra.s32 s31, $0x2  }
0x22a: {  	[tilespmem:s4+$0xF238] =	vst v0  }
0x22b: {  	v0 =	vld [tilespmem:s0+$0xF248];
	_ =	sdelay $0x4  }
0x22c: {  	[tilespmem:s4+$0xF248] =	vst v0  }
0x22d: {  	v0 =	vld [tilespmem:s0+$0xF258];
	_ =	sdelay $0x4  }
0x22e: {  	[tilespmem:s4+$0xF258] =	vst v0  }
0x22f: {  	v0 =	vld [tilespmem:s0+$0xF268];
	_ =	sdelay $0x4  }
0x230: {  	[tilespmem:s4+$0xF268] =	vst v0  }
0x231: {  	v0 =	vld [tilespmem:s0+$0xF278];
	_ =	sdelay $0x4  }
0x232: {  	[tilespmem:s4+$0xF278] =	vst v0  }
0x233: {  	v0 =	vld [tilespmem:s0+$0xF288];
	_ =	sdelay $0x4  }
0x234: {  	[tilespmem:s4+$0xF288] =	vst v0  }
0x235: {  	v0 =	vld [tilespmem:s0+$0xF298];
	_ =	sdelay $0x4  }
0x236: {  	[tilespmem:s4+$0xF298] =	vst v0  }
0x237: {  	v0 =	vld [tilespmem:s0+$0xF2A8];
	_ =	sdelay $0x4  }
0x238: {  	s2 =	sadd.s32 $0x1, s2;
	[tilespmem:s4+$0xF2A8] =	vst v0  }
.LBB2_48:
0x239: {  	s3 =	sadd.s32 $0x1, s3  }
0x23a: {  	p1 =	sne.s32 s3, $0x20  }
.Ltmp32:
0x23b: {  	_ = 	snop;
	(pc) =	sbr.rel @!p1 .LBB2_49-.Ltmp32, $1  }
0x23c: {  	_ =	sdelay $0x3  }
.LBB2_41:
0x23d: {  	v0 =	vld.msk [tilespmem:s3+$0xF218], $0x1;
	_ =	sdelay $0x4  }
0x23e: {  	(v2sf) =	vpush v0, $0x0;
	_ =	sdelay $0xe  }
0x23f: {  	s4 =	spop (v2sf)  }
0x240: {  	p1 =	seq.s32 s4, $0xFFFFFFFF  }
.Ltmp33:
0x241: {  	_ = 	snop;
	(pc) =	sbr.rel @p1 .LBB2_48-.Ltmp33, $1  }
0x242: {  	_ =	sdelay $0x3  }
0x243: {  	p1 =	slt.s32 s2, $0x1  }
.Ltmp34:
0x244: {  	_ = 	snop;
	(pc) =	sbr.rel @p1 .LBB2_47-.Ltmp34, $1  }
0x245: {  	_ =	sdelay $0x3  }
0x246: {  	s5 =	simm.s32 $0xF218;
	p1 =	por $0x0, $0x0  }
0x247: {  	v1 =	vld.msk @!p1 [tilespmem:s5+$0x0], $0x1;
	_ =	sdelay $0x4  }
0x248: {  	(v2sf) =	vpush @!p1 v1, $0x0;
	_ =	sdelay $0xd  }
0x249: {  	p3 =	sne.s32 s2, $0x1  }
.Ltmp35:
0x24a: {  	s0 =	spop @!p1 (v2sf);
	(pc) =	sbr.rel @!p3 .LBB2_45-.Ltmp35, $4  }
0x24b: {  	p2 =	seq.s32 @!p1 s4, s0  }
0x24c: {  	s6 =	simm.s32 $0x0;
	p2 =	por !p2, p1  }
0x24d: {  	s7 =	simm.s32 $0xFFFFFFFF;
	s6 =	simm.s32 @p2 $0xFFFFFFFF  }
0x24e: {  	s0 =	simm.s32 $0x1;
	s6 =	smov.u32 @p1 s7  }
.LBB2_44:
0x24f: {  	s7 =	smov.u32 s6;
	p1 =	sne.s32 s6, $0xFFFFFFFF  }
0x250: {  	s5 =	sadd.s32 $0x1, s5;
	s6 =	smov.u32 s0;
	s0 =	sadd.s32 $0x1, s0  }
0x251: {  	p2 =	sne.s32 s2, s0;
	v1 =	vld.msk @!p1 [tilespmem:s5+$0x0], $0x1;
	_ =	sdelay $0x4  }
0x252: {  	(v2sf) =	vpush @!p1 v1, $0x0;
	_ =	sdelay $0xe  }
.Ltmp36:
0x253: {  	s8 =	spop @!p1 (v2sf);
	(pc) =	sbr.rel @p2 .LBB2_44-.Ltmp36, $4  }
0x254: {  	p3 =	seq.s32 @!p1 s4, s8  }
0x255: {  	p3 =	por !p3, p1  }
0x256: {  	s6 =	simm.s32 @p3 $0xFFFFFFFF  }
0x257: {  	s6 =	smov.u32 @p1 s7  }
.LBB2_45:
0x258: {  	p1 =	seq.s32 s6, $0xFFFFFFFF  }
.Ltmp37:
0x259: {  	_ = 	snop;
	(pc) =	sbr.rel @p1 .LBB2_47-.Ltmp37, $1  }
0x25a: {  	_ =	sdelay $0x3  }
0x25b: {  	s0 =	sshll.u32 s3, $0x7  }
0x25c: {  	s0 =	sand.u32 $0x3FFFFF80, s0  }
0x25d: {  	v0 =	vld [tilespmem:s0+$0xF238];
	_ =	sdelay $0x2  }
0x25e: {  	s4 =	sshll.u32 s6, $0x9  }
0x25f: {  	s4 =	sshra.s32 s4, $0x2  }
0x260: {  	[tilespmem:s4+$0xF238] =	vst.add.f32.msk $0xffff, v0  }
0x261: {  	v0 =	vld [tilespmem:s0+$0xF248];
	_ =	sdelay $0x4  }
0x262: {  	[tilespmem:s4+$0xF248] =	vst.add.f32.msk $0xffff, v0  }
0x263: {  	v0 =	vld [tilespmem:s0+$0xF258];
	_ =	sdelay $0x4  }
0x264: {  	[tilespmem:s4+$0xF258] =	vst.add.f32.msk $0xffff, v0  }
0x265: {  	v0 =	vld [tilespmem:s0+$0xF268];
	_ =	sdelay $0x4  }
0x266: {  	[tilespmem:s4+$0xF268] =	vst.add.f32.msk $0xffff, v0  }
0x267: {  	v0 =	vld [tilespmem:s0+$0xF278];
	_ =	sdelay $0x4  }
0x268: {  	[tilespmem:s4+$0xF278] =	vst.add.f32.msk $0xffff, v0  }
0x269: {  	v0 =	vld [tilespmem:s0+$0xF288];
	_ =	sdelay $0x4  }
0x26a: {  	[tilespmem:s4+$0xF288] =	vst.add.f32.msk $0xffff, v0  }
0x26b: {  	v0 =	vld [tilespmem:s0+$0xF298];
	_ =	sdelay $0x4  }
0x26c: {  	[tilespmem:s4+$0xF298] =	vst.add.f32.msk $0xffff, v0  }
0x26d: {  	v0 =	vld [tilespmem:s0+$0xF2A8]  }
.Ltmp38:
0x26e: {  	_ = 	snop;
	(pc) =	sbr.rel .LBB2_48-.Ltmp38, $2  }
0x26f: {  	_ =	sdelay $0x2  }
0x270: {  	[tilespmem:s4+$0xF2A8] =	vst.add.f32.msk $0xffff, v0  }
.LBB2_49:
0x271: {  	p1 =	slt.s32 s2, $0x1  }
.Ltmp39:
0x272: {  	_ = 	snop;
	(pc) =	sbr.rel @p1 .LBB2_53-.Ltmp39, $3  }
0x273: {  	_ =	sdelay $0x1  }
0x274: {  	s0 =	simm.s32 $0x8  }
0x275: {  	s3 =	simm.s32 $0x0;
	[sflag:s0] =	ssyncpa.u1 $0x1  }
0x276: {  	s0 =	simm.s32 $0xF218  }
0x277: {  	v0 =	vld.msk [tilespmem:s0+$0x0], $0x1;
	_ =	sdelay $0x4  }
0x278: {  	(v2sf) =	vpush v0, $0x0;
	_ =	sdelay $0xe  }
0x279: {  	s0 =	sadd.s32 $0xFFFFFFFF, s2;
	s5 =	spop (v2sf)  }
0x27a: {  	p2 =	sne.s32 s0, $0x0;
	p1 =	sgt.u32 s5, $0x270F0  }
.Ltmp40:
0x27b: {  	s6 =	sand.u32 @!p1 $0x3FFF8, s5;
	(pc) =	sbr.rel @!p2 .LBB2_52-.Ltmp40, $4  }
0x27c: {  	s4 =	simm.s32 $0xF238;
	s5 =	sand.u32 @!p1 $0x7, s5;
	s2 =	sadd.s32 @!p1 s1, s6  }
0x27d: {  	[hbm4b:s2+s5] =	stream.linear.scatter @!p1 [tilespmem:s4], [sflag:$0x7], $0x80, $0x38;
	[tilespmem:$0x1F6F8] =	vst v63  }
0x27e: {  	s5 =	simm.s32 $0x0  }
0x27f: {  	s2 =	simm.s32 $0xF219;
	s5 =	simm.s32 @!p1 $0x200  }
.LBB2_51:
0x280: {  	v0 =	vld.msk [tilespmem:s2+$0x0], $0x1;
	s0 =	sadd.s32 $0xFFFFFFFF, s0;
	s3 =	sadd.s32 s3, s5  }
0x281: {  	p1 =	sne.s32 s0, $0x0;
	_ =	sdelay $0x3  }
0x282: {  	(v2sf) =	vpush v0, $0x0;
	_ =	sdelay $0xe  }
.Ltmp41:
0x283: {  	s6 =	spop (v2sf);
	(pc) =	sbr.rel @p1 .LBB2_51-.Ltmp41, $4  }
0x284: {  	s5 =	simm.s32 $0x0;
	p2 =	sgt.u32 s6, $0x270F0  }
0x285: {  	s4 =	sadd.s32 $0x80, s4;
	s5 =	simm.s32 @!p2 $0x200;
	s7 =	sand.u32 @!p2 $0x3FFF8, s6  }
0x286: {  	s2 =	sadd.s32 $0x1, s2;
	s6 =	sand.u32 @!p2 $0x7, s6;
	s7 =	sadd.s32 @!p2 s1, s7  }
0x287: {  	[hbm4b:s7+s6] =	stream.linear.scatter @!p2 [tilespmem:s4], [sflag:$0x7], $0x80, $0x38;
	[tilespmem:$0x1F6F8] =	vst v63  }
.LBB2_52:
0x288: {  	s0 =	sadd.s32 s3, s5  }
0x289: {  	s3 =	sshrl.u32 s0, $0x2  }
.LBB2_53:
0x28a: {  	s0 =	simm.s32 $0x7  }
0x28b: {  	_ =	swait.ge [sflag:s0], s3  }
0x28c: {  	s1 =	ssub.s32 $0x0, s3;
	[sflag:s0] =	ssyncset.done $0x0  }
0x28d: {  	[sflag:s0] =	ssyncadd.s32 s1  }
0x28e: {  	[sflag:s0] =	ssyncpa.u1 $0x1  }
.LBB2_54:
0x28f: {  	_ =	sfence;
	s0 =	simm.s32 $0x1  }
0x290: {  	[sflag:s0] =	ssyncpa.u1 $0x1  }
0x291: {  	_ =	strace $0x9000004A  }
0x292: {  	[bflag:$0x2] =	sbarrier.arrive $0xFFFF  }
0x293: {  	s0 =	rddreg [dreg:$0x4]  }
0x294: {  	s0 =	sadd.s32 @!p0 $0x100000, s0  }
0x295: {  	[sflag:s0] =	ssyncadd.tile.s32 @!p0 $0x1;
	_ =	shalt  }
.Lfunc_end2:
_tile_overlayer_lowered:
.L_overlay_start_2:
0x296: {  	(tag) =	ssettag $0x2  }
0x297: {  	s0 =	rddreg [dreg:$0x0];
	s2 =	stileid.u32  }
0x298: {  	s1 =	rddreg [dreg:$0x1];
	p0 =	sne.s32 s2, $0x0  }
0x299: {  	s3 =	rddreg [dreg:$0x2];
	[bflag:$0x3] =	sbarrier.arrive $0xFFFF;
	s2 =	simm.s32 @!p0 $0x1C01  }
0x29a: {  	[timem:s3], [sflag:s2] =	dma.local @!p0 [hbm:s0], s1  }
0x29b: {  	s0 =	simm.s32 @!p0 $0x1  }
0x29c: {  	_ =	swait.ge @!p0 [sflag:s0], s1  }
0x29d: {  	s1 =	ssub.s32 @!p0 $0x0, s1;
	[sflag:s0] =	ssyncset.done @!p0 $0x0  }
0x29e: {  	[sflag:s0] =	ssyncadd.s32 @!p0 s1  }
0x29f: {  	[bflag:$0x3] =	sbarrier.arrive $0xFFFF  }
0x2a0: {  	_ =	shalt  }

</sc_bundles>
